<compile_context>
chip_gen: v7x
topology: tpu7x:2x2x1
jax: 0.10.2.dev20260603
libtpu: 0.0.44.dev20260713+nightly
codegen_flags: <defaults>
</compile_context>

<pallas_src>
import functools

import jax
import jax.numpy as jnp
from jax import lax
from jax.experimental import pallas as pl
from jax.experimental.pallas import tpu as pltpu
from jax.experimental.pallas import tpu_sc as plsc

N = 10000
E = 320000
D = 128

NC = 2
NS = 16
L = 16
NW = NC * NS
EW = E // NW
CH = 125
NCHUNK = EW // CH
NHALF = NCHUNK // 2
ONESB = 128
ROFF = 624
RLEN = 640
ZR = 40

_mesh = plsc.VectorSubcoreMesh(core_axis_name="c", subcore_axis_name="s")


def _make_agg(want_deg):
    out_types = [jax.ShapeDtypeStruct((NC, N, D), jnp.float32)]
    if want_deg:
        out_types.append(jax.ShapeDtypeStruct((NC * N,), jnp.float32))
    scratch = [
        pltpu.VMEM((NHALF, CH), jnp.int32),
        pltpu.VMEM((NHALF, CH), jnp.int32),
        pltpu.VMEM((CH, D), jnp.float32),
        pltpu.VMEM((CH, D), jnp.float32),
        pltpu.VMEM((ZR, D), jnp.float32),
        pltpu.VMEM_SHARED((N, D), jnp.float32),
        pltpu.SemaphoreType.DMA,
        pltpu.SemaphoreType.DMA,
        pltpu.SemaphoreType.DMA,
        pltpu.SemaphoreType.DMA,
        pltpu.SemaphoreType.DMA,
    ]
    if want_deg:
        scratch += [
            pltpu.VMEM((RLEN,), jnp.float32),
            pltpu.VMEM((ONESB,), jnp.float32),
            pltpu.VMEM_SHARED((N,), jnp.float32),
            pltpu.SemaphoreType.DMA,
        ]

    @functools.partial(
        pl.kernel, mesh=_mesh,
        out_type=tuple(out_types) if want_deg else out_types[0],
        scratch_types=scratch)
    def agg_kernel(edge_hbm, x_hbm, *refs):
        if want_deg:
            (agg_out, deg_out, src_v, dst_v, rows_a, rows_b, z2d, acc_sh,
             gsem_a, gsem_b, ssem_a, ssem_b, zsem, zdeg, ones_v, deg_sh,
             dsem) = refs
        else:
            (agg_out, src_v, dst_v, rows_a, rows_b, z2d, acc_sh,
             gsem_a, gsem_b, ssem_a, ssem_b, zsem) = refs
        cid = lax.axis_index("c")
        sid = lax.axis_index("s")
        wid = sid * NC + cid
        rows = (rows_a, rows_b)
        gsem = (gsem_a, gsem_b)
        ssem = (ssem_a, ssem_b)

        def gather(j, p):
            return pltpu.make_async_copy(x_hbm.at[src_v.at[j]], rows[p],
                                         gsem[p])

        def scatter(j, p):
            return pltpu.make_async_copy(rows[p], acc_sh.at[dst_v.at[j]],
                                         ssem[p])

        def zfill(i, _):
            z2d[i // (D // L), pl.ds((i % (D // L)) * L, L)] = jnp.zeros(
                (L,), jnp.float32)
            return 0
        lax.fori_loop(0, ZR * (D // L), zfill, 0)
        if want_deg:
            def zdfill(i, _):
                zdeg[pl.ds(i * L, L)] = jnp.zeros((L,), jnp.float32)
                return 0
            lax.fori_loop(0, RLEN // L, zdfill, 0)
            for q in range(ONESB // L):
                ones_v[pl.ds(q * L, L)] = jnp.ones((L,), jnp.float32)

        roff = pl.multiple_of(sid * ROFF, 8)
        def zcopy(q):
            return pltpu.make_async_copy(z2d, acc_sh.at[pl.ds(
                pl.multiple_of(sid * ROFF + q * ZR, 8), ZR)], zsem)
        def zacc_start(q, _):
            zcopy(q).start()
            return 0
        lax.fori_loop(0, RLEN // ZR, zacc_start, 0)
        if want_deg:
            pltpu.make_async_copy(zdeg, deg_sh.at[pl.ds(roff, RLEN)],
                                  zsem).start()

        pltpu.sync_copy(edge_hbm.at[0, wid, 0], src_v)
        pltpu.sync_copy(edge_hbm.at[1, wid, 0], dst_v)
        gather(0, 0).start()
        gather(1, 1).start()

        def zacc_wait(q, _):
            zcopy(q).wait()
            return 0
        lax.fori_loop(0, RLEN // ZR, zacc_wait, 0)
        if want_deg:
            pltpu.make_async_copy(zdeg, deg_sh.at[pl.ds(roff, RLEN)],
                                  zsem).wait()

        plsc.subcore_barrier()

        def scat_deg(j):
            if want_deg:
                pltpu.make_async_copy(
                    ones_v.at[pl.ds(0, CH)], deg_sh.at[dst_v.at[j]],
                    dsem).start(add=True)

        def chunk2(t, _):
            j = t * 2
            gather(j, 0).wait()
            scatter(j, 0).start(add=True)
            scat_deg(j)
            gather(j + 1, 1).wait()
            scatter(j + 1, 1).start(add=True)
            scat_deg(j + 1)
            scatter(j, 0).wait()
            gather(j + 2, 0).start()
            scatter(j + 1, 1).wait()
            gather(j + 3, 1).start()
            return 0

        for h in range(2):
            if h > 0:
                pltpu.sync_copy(edge_hbm.at[0, wid, h], src_v)
                pltpu.sync_copy(edge_hbm.at[1, wid, h], dst_v)
                gather(0, 0).start()
                gather(1, 1).start()
            lax.fori_loop(0, NHALF // 2 - 1, chunk2, 0)
            j = NHALF - 2
            gather(j, 0).wait()
            scatter(j, 0).start(add=True)
            scat_deg(j)
            gather(j + 1, 1).wait()
            scatter(j + 1, 1).start(add=True)
            scat_deg(j + 1)
            scatter(j, 0).wait()
            scatter(j + 1, 1).wait()
            if want_deg:
                def ddrain(i, _):
                    pltpu.make_async_copy(
                        ones_v.at[pl.ds(0, CH)], deg_sh.at[dst_v.at[i]],
                        dsem).wait()
                    return 0
                lax.fori_loop(0, NHALF, ddrain, 0)

        plsc.subcore_barrier()

        pltpu.sync_copy(acc_sh.at[pl.ds(roff, RLEN)],
                        agg_out.at[cid, pl.ds(roff, RLEN)])
        if want_deg:
            pltpu.sync_copy(deg_sh.at[pl.ds(roff, RLEN)], zdeg)
            pltpu.sync_copy(zdeg, deg_out.at[pl.ds(pl.multiple_of(
                cid * N + sid * ROFF, 8), RLEN)])

    return agg_kernel


_agg_deg = _make_agg(True)
_agg = _make_agg(False)

R = 2000


def _mm_t(a, w):
    return lax.dot_general(a, w, (((1,), (1,)), ((), ())),
                           preferred_element_type=jnp.float32)


def _conv0_body(x_ref, a_ref, d_ref, wl_ref, wr_ref, b_ref, o_ref):
    inv = 1.0 / jnp.maximum(d_ref[0] + d_ref[1], 1.0)
    mean = (a_ref[0] + a_ref[1]) * inv
    h = _mm_t(x_ref[...], wl_ref[...]) + _mm_t(mean, wr_ref[...]) + b_ref[...]
    o_ref[...] = jnp.maximum(h, 0.0)


def _conv1_lin_body(x_ref, a_ref, d_ref, wl_ref, wr_ref, b_ref, wlin_ref,
                    blin_ref, o_ref):
    inv = 1.0 / jnp.maximum(d_ref[0] + d_ref[1], 1.0)
    mean = (a_ref[0] + a_ref[1]) * inv
    h = _mm_t(x_ref[...], wl_ref[...]) + _mm_t(mean, wr_ref[...]) + b_ref[...]
    o_ref[...] = _mm_t(h, wlin_ref[...]) + blin_ref[...]


_row_spec = pl.BlockSpec((R, D), lambda i: (i, 0))
_agg_spec = pl.BlockSpec((2, R, D), lambda i: (0, i, 0))
_deg_spec = pl.BlockSpec((2, R, 1), lambda i: (0, i, 0))
_w_spec = pl.BlockSpec((D, D), lambda i: (0, 0))
_b_spec = pl.BlockSpec((1, D), lambda i: (0, 0))


def _conv0_tc(x, aggp, degp3, Wl, Wr, b):
    return pl.pallas_call(
        _conv0_body,
        grid=(N // R,),
        in_specs=[_row_spec, _agg_spec, _deg_spec, _w_spec, _w_spec, _b_spec],
        out_specs=_row_spec,
        out_shape=jax.ShapeDtypeStruct((N, D), jnp.float32),
    )(x, aggp, degp3, Wl, Wr, b)


def _conv1_lin_tc(h1, aggp, degp3, Wl, Wr, b, Wlin, blin):
    return pl.pallas_call(
        _conv1_lin_body,
        grid=(N // R,),
        in_specs=[_row_spec, _agg_spec, _deg_spec, _w_spec, _w_spec, _b_spec,
                  _w_spec, _b_spec],
        out_specs=_row_spec,
        out_shape=jax.ShapeDtypeStruct((N, D), jnp.float32),
    )(h1, aggp, degp3, Wl, Wr, b, Wlin, blin)


def kernel(x, edge_index, W0l, W0r, b0, W1l, W1r, b1, Wlin, blin):
    edge_r = edge_index.reshape(2, NW, 2, NHALF, CH)
    aggp0, degp = _agg_deg(edge_r, x)
    degp3 = degp.reshape(NC, N, 1)
    h1 = _conv0_tc(x, aggp0, degp3, W0l, W0r, b0.reshape(1, D))
    aggp1 = _agg(edge_r, h1)
    return _conv1_lin_tc(h1, aggp1, degp3, W1l, W1r, b1.reshape(1, D),
                         Wlin, blin.reshape(1, D))

# --- scband reference (transcript-rebuilt; emitter-appended) ---
"""Pipeline reference for scband-basic-gnn-19198503813482 (READ-ONLY COPY).

The authoritative reference and input builder live on the scoring server;
editing this copy changes nothing except your own understanding.
"""

import jax, jax.numpy as jnp
import numpy as np

N = 10000
E = 320000
D = 128  # in = hidden = out = 128


def setup_inputs(seed: int = 0) -> dict:
    key = jax.random.key(seed)
    ks = jax.random.split(key, 12)
    scale = 1.0 / np.sqrt(D)
    x = jax.random.normal(ks[0], (N, D), dtype=jnp.float32)
    edge_index = jax.random.randint(ks[1], (2, E), 0, N, dtype=jnp.int32)
    # SAGE-style conv params: out = x @ Wl.T + mean_agg @ Wr.T + b
    W0l = scale * jax.random.normal(ks[2], (D, D), dtype=jnp.float32)
    W0r = scale * jax.random.normal(ks[3], (D, D), dtype=jnp.float32)
    b0 = jnp.zeros((D,), dtype=jnp.float32)
    W1l = scale * jax.random.normal(ks[4], (D, D), dtype=jnp.float32)
    W1r = scale * jax.random.normal(ks[5], (D, D), dtype=jnp.float32)
    b1 = jnp.zeros((D,), dtype=jnp.float32)
    Wlin = scale * jax.random.normal(ks[6], (D, D), dtype=jnp.float32)
    blin = jnp.zeros((D,), dtype=jnp.float32)
    return {"x": x, "edge_index": edge_index, "W0l": W0l, "W0r": W0r, "b0": b0,
            "W1l": W1l, "W1r": W1r, "b1": b1, "Wlin": Wlin, "blin": blin}


def _sage_conv(x, edge_index, Wl, Wr, b):
    src = edge_index[0]
    dst = edge_index[1]
    msgs = jnp.take(x, src, axis=0)                       # gather (SparseCore)
    agg = jax.ops.segment_sum(msgs, dst, num_segments=N)  # scatter-add
    deg = jax.ops.segment_sum(jnp.ones((msgs.shape[0],), x.dtype), dst, num_segments=N)
    mean = agg / jnp.clip(deg, 1.0)[:, None]              # mean aggregation (aggr='mean')
    return x @ Wl.T + mean @ Wr.T + b


def reference(x, edge_index, W0l, W0r, b0, W1l, W1r, b1, Wlin, blin):
    # conv 0 (in -> hidden), then relu (dropout is identity in eval mode)
    h = _sage_conv(x, edge_index, W0l, W0r, b0)
    h = jax.nn.relu(h)
    # conv 1 (hidden -> hidden); i == conv_layers-1 -> break before act
    h = _sage_conv(h, edge_index, W1l, W1r, b1)
    # one linear layer (conv_layers=2 < num_layers=3), hidden -> out, break before act
    h = h @ Wlin.T + blin
    return h

if __name__ == "__main__":
    import jax
    _d = setup_inputs()
    print(jax.jit(kernel)(*tuple(_d.values())))

</pallas_src>

<mosaic_0001>
#map = affine_map<(d0, d1) -> (0, 0, 0, 0, 0)>
#map1 = affine_map<(d0, d1) -> (0, 0)>
#map2 = affine_map<(d0, d1) -> (0, 0, 0)>
#map3 = affine_map<(d0, d1) -> (0)>
module attributes {stable_mosaic.version = 14 : i64} {
  func.func @agg_kernel(%arg0: i32, %arg1: i32, %arg2: memref<2x32x2x40x125xi32, #tpu.memory_space<hbm>>, %arg3: memref<10000x128xf32, #tpu.memory_space<hbm>>, %arg4: memref<2x10000x128xf32, #tpu.memory_space<hbm>>, %arg5: memref<20000xf32, #tpu.memory_space<hbm>>, %arg6: memref<40x125xi32, #tpu.memory_space<vmem>>, %arg7: memref<40x125xi32, #tpu.memory_space<vmem>>, %arg8: memref<125x128xf32, #tpu.memory_space<vmem>>, %arg9: memref<125x128xf32, #tpu.memory_space<vmem>>, %arg10: memref<40x128xf32, #tpu.memory_space<vmem>>, %arg11: memref<10000x128xf32, #tpu.memory_space<vmem_shared>>, %arg12: memref<!tpu.dma_semaphore, #tpu.memory_space<semaphore_mem>>, %arg13: memref<!tpu.dma_semaphore, #tpu.memory_space<semaphore_mem>>, %arg14: memref<!tpu.dma_semaphore, #tpu.memory_space<semaphore_mem>>, %arg15: memref<!tpu.dma_semaphore, #tpu.memory_space<semaphore_mem>>, %arg16: memref<!tpu.dma_semaphore, #tpu.memory_space<semaphore_mem>>, %arg17: memref<640xf32, #tpu.memory_space<vmem>>, %arg18: memref<128xf32, #tpu.memory_space<vmem>>, %arg19: memref<10000xf32, #tpu.memory_space<vmem_shared>>, %arg20: memref<!tpu.dma_semaphore, #tpu.memory_space<semaphore_mem>>) attributes {dimension_semantics = [#tpu.dimension_semantics<core_parallel>, #tpu.dimension_semantics<subcore_parallel>], iteration_bounds = array<i64: 2, 16>, scalar_prefetch = 0 : i64, scratch_operands = 15 : i64, tpu.core_type = #tpu.core_type<sc_vector_subcore>, window_params = [{transform_indices = #map}, {transform_indices = #map1}, {transform_indices = #map2}, {transform_indices = #map3}]} {
    %mul3A = arith.constant 2 : i32
    %mul3A_0 = arith.muli %arg1, %mul3A : i32
    %add3A = arith.addi %mul3A_0, %arg0 : i32
    %scan3A = arith.constant 0 : i32
    %scan3A_1 = arith.constant 0 : i32
    %scan3A_2 = arith.constant 320 : i32
    %scan3A_3 = arith.addi %scan3A_1, %scan3A_2 : i32
    %scan3A_4 = arith.constant 1 : i32
    %scan3A_5 = scf.for %scan3A_264 = %scan3A_1 to %scan3A_3 step %scan3A_4 iter_args(%scan3A_265 = %scan3A) -> (i32)  : i32 {
      %broadcast_in_dim3A_266 = arith.constant 0.000000e+00 : f32
      %broadcast_in_dim3A_267 = vector.broadcast %broadcast_in_dim3A_266 : f32 to vector<16xf32>
      %jit3A = arith.constant 8 : i32
      %div3A = arith.divsi %scan3A_264, %jit3A : i32
      %sign3A = arith.constant 0 : i32
      %sign3A_268 = arith.cmpi sgt, %scan3A_264, %sign3A : i32
      %sign3A_269 = arith.extui %sign3A_268 : i1 to i32
      %sign3A_270 = arith.constant 0 : i32
      %sign3A_271 = arith.cmpi slt, %scan3A_264, %sign3A_270 : i32
      %sign3A_272 = arith.extui %sign3A_271 : i1 to i32
      %sign3A_273 = arith.subi %sign3A_269, %sign3A_272 : i32
      %sign3A_274 = arith.constant 0 : i32
      %sign3A_275 = arith.cmpi sgt, %jit3A, %sign3A_274 : i32
      %sign3A_276 = arith.extui %sign3A_275 : i1 to i32
      %sign3A_277 = arith.constant 0 : i32
      %sign3A_278 = arith.cmpi slt, %jit3A, %sign3A_277 : i32
      %sign3A_279 = arith.extui %sign3A_278 : i1 to i32
      %sign3A_280 = arith.subi %sign3A_276, %sign3A_279 : i32
      %ne3A = arith.cmpi ne, %sign3A_273, %sign3A_280 : i32
      %rem3A = arith.remsi %scan3A_264, %jit3A : i32
      %ne3A_281 = arith.constant 0 : i32
      %ne3A_282 = arith.cmpi ne, %rem3A, %ne3A_281 : i32
      %and3A = arith.andi %ne3A, %ne3A_282 : i1
      %sub3A = arith.constant 1 : i32
      %sub3A_283 = arith.subi %div3A, %sub3A : i32
      %select_n3A = arith.select %and3A, %sub3A_283, %div3A : i32
      %jit3A_284 = arith.constant 8 : i32
      %eq3A = arith.constant 0 : i32
      %eq3A_285 = arith.cmpi eq, %jit3A_284, %eq3A : i32
      %jit3A_286 = arith.constant 1 : i32
      %select_n3A_287 = arith.select %eq3A_285, %jit3A_286, %jit3A_284 : i32
      %rem3A_288 = arith.remsi %scan3A_264, %select_n3A_287 : i32
      %ne3A_289 = arith.constant 0 : i32
      %ne3A_290 = arith.cmpi ne, %rem3A_288, %ne3A_289 : i32
      %lt3A = arith.constant 0 : i32
      %lt3A_291 = arith.cmpi slt, %rem3A_288, %lt3A : i32
      %lt3A_292 = arith.constant 0 : i32
      %lt3A_293 = arith.cmpi slt, %select_n3A_287, %lt3A_292 : i32
      %ne3A_294 = arith.xori %lt3A_291, %lt3A_293 : i1
      %and3A_295 = arith.andi %ne3A_294, %ne3A_290 : i1
      %add3A_296 = arith.addi %rem3A_288, %select_n3A_287 : i32
      %select_n3A_297 = arith.select %and3A_295, %add3A_296, %rem3A_288 : i32
      %mul3A_298 = arith.constant 16 : i32
      %mul3A_299 = arith.muli %select_n3A_297, %mul3A_298 : i32
      %swap3A_300 = arith.index_cast %select_n3A : i32 to index
      %swap3A_301 = arith.index_cast %mul3A_299 : i32 to index
      %swap3A_302 = tpu.vector_load %arg10[%swap3A_300, %swap3A_301] {strides = array<i32>} : memref<40x128xf32, #tpu.memory_space<vmem>>, vector<1x16xf32>,
      %swap3A_303 = vector.shape_cast %swap3A_302 : vector<1x16xf32> to vector<16xf32>
      %swap3A_304 = vector.shape_cast %broadcast_in_dim3A_267 : vector<16xf32> to vector<1x16xf32>
      tpu.vector_store %arg10[%swap3A_300, %swap3A_301], %swap3A_304 {strides = array<i32>} : memref<40x128xf32, #tpu.memory_space<vmem>>, vector<1x16xf32>,
      %scan3A_305 = arith.constant 0 : i32
      scf.yield %scan3A_305 : i32
    }
    %scan3A_6 = arith.constant 320 : i32
    %scan3A_7 = arith.constant 0 : i32
    %scan3A_8 = arith.constant 0 : i32
    %scan3A_9 = arith.constant 40 : i32
    %scan3A_10 = arith.addi %scan3A_8, %scan3A_9 : i32
    %scan3A_11 = arith.constant 1 : i32
    %scan3A_12 = scf.for %scan3A_264 = %scan3A_8 to %scan3A_10 step %scan3A_11 iter_args(%scan3A_265 = %scan3A_7) -> (i32)  : i32 {
      %broadcast_in_dim3A_266 = arith.constant 0.000000e+00 : f32
      %broadcast_in_dim3A_267 = vector.broadcast %broadcast_in_dim3A_266 : f32 to vector<16xf32>
      %mul3A_268 = arith.constant 16 : i32
      %mul3A_269 = arith.muli %scan3A_264, %mul3A_268 : i32
      %swap3A_270 = arith.index_cast %mul3A_269 : i32 to index
      %swap3A_271 = tpu.vector_load %arg17[%swap3A_270] {strides = array<i32>} : memref<640xf32, #tpu.memory_space<vmem>>, vector<16xf32>,
      %swap3A_272 = vector.shape_cast %swap3A_271 : vector<16xf32> to vector<16xf32>
      %swap3A_273 = vector.shape_cast %broadcast_in_dim3A_267 : vector<16xf32> to vector<16xf32>
      tpu.vector_store %arg17[%swap3A_270], %swap3A_273 {strides = array<i32>} : memref<640xf32, #tpu.memory_space<vmem>>, vector<16xf32>,
      %scan3A_274 = arith.constant 0 : i32
      scf.yield %scan3A_274 : i32
    }
    %scan3A_13 = arith.constant 40 : i32
    %broadcast_in_dim3A = arith.constant 1.000000e+00 : f32
    %broadcast_in_dim3A_14 = vector.broadcast %broadcast_in_dim3A : f32 to vector<16xf32>
    %swap3A = arith.constant 0 : index
    %swap3A_15 = tpu.vector_load %arg18[%swap3A] {strides = array<i32>} : memref<128xf32, #tpu.memory_space<vmem>>, vector<16xf32>,
    %swap3A_16 = vector.shape_cast %swap3A_15 : vector<16xf32> to vector<16xf32>
    %swap3A_17 = vector.shape_cast %broadcast_in_dim3A_14 : vector<16xf32> to vector<16xf32>
    tpu.vector_store %arg18[%swap3A], %swap3A_17 {strides = array<i32>} : memref<128xf32, #tpu.memory_space<vmem>>, vector<16xf32>,
    %broadcast_in_dim3A_18 = arith.constant 1.000000e+00 : f32
    %broadcast_in_dim3A_19 = vector.broadcast %broadcast_in_dim3A_18 : f32 to vector<16xf32>
    %swap3A_20 = arith.constant 16 : index
    %swap3A_21 = tpu.vector_load %arg18[%swap3A_20] {strides = array<i32>} : memref<128xf32, #tpu.memory_space<vmem>>, vector<16xf32>,
    %swap3A_22 = vector.shape_cast %swap3A_21 : vector<16xf32> to vector<16xf32>
    %swap3A_23 = vector.shape_cast %broadcast_in_dim3A_19 : vector<16xf32> to vector<16xf32>
    tpu.vector_store %arg18[%swap3A_20], %swap3A_23 {strides = array<i32>} : memref<128xf32, #tpu.memory_space<vmem>>, vector<16xf32>,
    %broadcast_in_dim3A_24 = arith.constant 1.000000e+00 : f32
    %broadcast_in_dim3A_25 = vector.broadcast %broadcast_in_dim3A_24 : f32 to vector<16xf32>
    %swap3A_26 = arith.constant 32 : index
    %swap3A_27 = tpu.vector_load %arg18[%swap3A_26] {strides = array<i32>} : memref<128xf32, #tpu.memory_space<vmem>>, vector<16xf32>,
    %swap3A_28 = vector.shape_cast %swap3A_27 : vector<16xf32> to vector<16xf32>
    %swap3A_29 = vector.shape_cast %broadcast_in_dim3A_25 : vector<16xf32> to vector<16xf32>
    tpu.vector_store %arg18[%swap3A_26], %swap3A_29 {strides = array<i32>} : memref<128xf32, #tpu.memory_space<vmem>>, vector<16xf32>,
    %broadcast_in_dim3A_30 = arith.constant 1.000000e+00 : f32
    %broadcast_in_dim3A_31 = vector.broadcast %broadcast_in_dim3A_30 : f32 to vector<16xf32>
    %swap3A_32 = arith.constant 48 : index
    %swap3A_33 = tpu.vector_load %arg18[%swap3A_32] {strides = array<i32>} : memref<128xf32, #tpu.memory_space<vmem>>, vector<16xf32>,
    %swap3A_34 = vector.shape_cast %swap3A_33 : vector<16xf32> to vector<16xf32>
    %swap3A_35 = vector.shape_cast %broadcast_in_dim3A_31 : vector<16xf32> to vector<16xf32>
    tpu.vector_store %arg18[%swap3A_32], %swap3A_35 {strides = array<i32>} : memref<128xf32, #tpu.memory_space<vmem>>, vector<16xf32>,
    %broadcast_in_dim3A_36 = arith.constant 1.000000e+00 : f32
    %broadcast_in_dim3A_37 = vector.broadcast %broadcast_in_dim3A_36 : f32 to vector<16xf32>
    %swap3A_38 = arith.constant 64 : index
    %swap3A_39 = tpu.vector_load %arg18[%swap3A_38] {strides = array<i32>} : memref<128xf32, #tpu.memory_space<vmem>>, vector<16xf32>,
    %swap3A_40 = vector.shape_cast %swap3A_39 : vector<16xf32> to vector<16xf32>
    %swap3A_41 = vector.shape_cast %broadcast_in_dim3A_37 : vector<16xf32> to vector<16xf32>
    tpu.vector_store %arg18[%swap3A_38], %swap3A_41 {strides = array<i32>} : memref<128xf32, #tpu.memory_space<vmem>>, vector<16xf32>,
    %broadcast_in_dim3A_42 = arith.constant 1.000000e+00 : f32
    %broadcast_in_dim3A_43 = vector.broadcast %broadcast_in_dim3A_42 : f32 to vector<16xf32>
    %swap3A_44 = arith.constant 80 : index
    %swap3A_45 = tpu.vector_load %arg18[%swap3A_44] {strides = array<i32>} : memref<128xf32, #tpu.memory_space<vmem>>, vector<16xf32>,
    %swap3A_46 = vector.shape_cast %swap3A_45 : vector<16xf32> to vector<16xf32>
    %swap3A_47 = vector.shape_cast %broadcast_in_dim3A_43 : vector<16xf32> to vector<16xf32>
    tpu.vector_store %arg18[%swap3A_44], %swap3A_47 {strides = array<i32>} : memref<128xf32, #tpu.memory_space<vmem>>, vector<16xf32>,
    %broadcast_in_dim3A_48 = arith.constant 1.000000e+00 : f32
    %broadcast_in_dim3A_49 = vector.broadcast %broadcast_in_dim3A_48 : f32 to vector<16xf32>
    %swap3A_50 = arith.constant 96 : index
    %swap3A_51 = tpu.vector_load %arg18[%swap3A_50] {strides = array<i32>} : memref<128xf32, #tpu.memory_space<vmem>>, vector<16xf32>,
    %swap3A_52 = vector.shape_cast %swap3A_51 : vector<16xf32> to vector<16xf32>
    %swap3A_53 = vector.shape_cast %broadcast_in_dim3A_49 : vector<16xf32> to vector<16xf32>
    tpu.vector_store %arg18[%swap3A_50], %swap3A_53 {strides = array<i32>} : memref<128xf32, #tpu.memory_space<vmem>>, vector<16xf32>,
    %broadcast_in_dim3A_54 = arith.constant 1.000000e+00 : f32
    %broadcast_in_dim3A_55 = vector.broadcast %broadcast_in_dim3A_54 : f32 to vector<16xf32>
    %swap3A_56 = arith.constant 112 : index
    %swap3A_57 = tpu.vector_load %arg18[%swap3A_56] {strides = array<i32>} : memref<128xf32, #tpu.memory_space<vmem>>, vector<16xf32>,
    %swap3A_58 = vector.shape_cast %swap3A_57 : vector<16xf32> to vector<16xf32>
    %swap3A_59 = vector.shape_cast %broadcast_in_dim3A_55 : vector<16xf32> to vector<16xf32>
    tpu.vector_store %arg18[%swap3A_56], %swap3A_59 {strides = array<i32>} : memref<128xf32, #tpu.memory_space<vmem>>, vector<16xf32>,
    %mul3A_60 = arith.constant 624 : i32
    %mul3A_61 = arith.muli %arg1, %mul3A_60 : i32
    %multiple_of3A = tpu.assume_multiple %mul3A_61, 8 : i32
    %scan3A_62 = arith.constant 0 : i32
    %scan3A_63 = arith.constant 0 : i32
    %scan3A_64 = arith.constant 16 : i32
    %scan3A_65 = arith.addi %scan3A_63, %scan3A_64 : i32
    %scan3A_66 = arith.constant 1 : i32
    %scan3A_67 = scf.for %scan3A_264 = %scan3A_63 to %scan3A_65 step %scan3A_66 iter_args(%scan3A_265 = %scan3A_62) -> (i32)  : i32 {
      %mul3A_266 = arith.constant 624 : i32
      %mul3A_267 = arith.muli %arg1, %mul3A_266 : i32
      %mul3A_268 = arith.constant 40 : i32
      %mul3A_269 = arith.muli %scan3A_264, %mul3A_268 : i32
      %add3A_270 = arith.addi %mul3A_267, %mul3A_269 : i32
      %multiple_of3A_271 = tpu.assume_multiple %add3A_270, 8 : i32
      %dma_start3A_272 = arith.constant 0 : i32
      %dma_start3A_273 = tpu.memref_slice %arg11[%multiple_of3A_271, %dma_start3A_272] : memref<10000x128xf32, #tpu.memory_space<vmem_shared>> -> memref<40x128xf32, #tpu.memory_space<vmem_shared>>
      %dma_start3A_274 = arith.constant 0 : i32
      %dma_start3A_275 = tpu.memref_slice %arg11[%multiple_of3A_271, %dma_start3A_274] : memref<10000x128xf32, #tpu.memory_space<vmem_shared>> -> memref<40x128xf32, #tpu.memory_space<vmem_shared>>
      tpu.enqueue_dma source(%arg10 : memref<40x128xf32, #tpu.memory_space<vmem>>) target(%dma_start3A_275 : memref<40x128xf32, #tpu.memory_space<vmem_shared>>) target_semaphore(%arg16 : memref<!tpu.dma_semaphore, #tpu.memory_space<semaphore_mem>>)
      %scan3A_276 = arith.constant 0 : i32
      scf.yield %scan3A_276 : i32
    }
    %scan3A_68 = arith.constant 16 : i32
    %dma_start3A = tpu.memref_slice %arg19[%multiple_of3A] : memref<10000xf32, #tpu.memory_space<vmem_shared>> -> memref<640xf32, #tpu.memory_space<vmem_shared>>
    %dma_start3A_69 = tpu.memref_slice %arg19[%multiple_of3A] : memref<10000xf32, #tpu.memory_space<vmem_shared>> -> memref<640xf32, #tpu.memory_space<vmem_shared>>
    tpu.enqueue_dma source(%arg17 : memref<640xf32, #tpu.memory_space<vmem>>) target(%dma_start3A_69 : memref<640xf32, #tpu.memory_space<vmem_shared>>) target_semaphore(%arg16 : memref<!tpu.dma_semaphore, #tpu.memory_space<semaphore_mem>>)
    %run_scoped3A = arith.constant 0 : i32
    %run_scoped3A_70 = arith.constant 0 : i32
    "tpu.region"() ({
      %run_scoped3A_264 = tpu.sem_alloc : memref<!tpu.dma_semaphore, #tpu.memory_space<semaphore_mem>>
      %dma_start3A_265 = arith.constant 0 : i32
      %dma_start3A_266 = arith.constant 0 : i32
      %dma_start3A_267 = tpu.memref_slice %arg2[%run_scoped3A, %add3A, %run_scoped3A_70, %dma_start3A_265, %dma_start3A_266] : memref<2x32x2x40x125xi32, #tpu.memory_space<hbm>> -> memref<1x1x1x40x125xi32, #tpu.memory_space<hbm>>
      %dma_start3A_268 = tpu.memref_squeeze %dma_start3A_267 : memref<1x1x1x40x125xi32, #tpu.memory_space<hbm>> -> memref<40x125xi32, #tpu.memory_space<hbm>>
      %dma_start3A_269 = arith.constant 0 : i32
      %dma_start3A_270 = arith.constant 0 : i32
      %dma_start3A_271 = tpu.memref_slice %arg2[%run_scoped3A, %add3A, %run_scoped3A_70, %dma_start3A_269, %dma_start3A_270] : memref<2x32x2x40x125xi32, #tpu.memory_space<hbm>> -> memref<1x1x1x40x125xi32, #tpu.memory_space<hbm>>
      %dma_start3A_272 = tpu.memref_squeeze %dma_start3A_271 : memref<1x1x1x40x125xi32, #tpu.memory_space<hbm>> -> memref<40x125xi32, #tpu.memory_space<hbm>>
      tpu.enqueue_dma source(%dma_start3A_272 : memref<40x125xi32, #tpu.memory_space<hbm>>) target(%arg6 : memref<40x125xi32, #tpu.memory_space<vmem>>) target_semaphore(%run_scoped3A_264 : memref<!tpu.dma_semaphore, #tpu.memory_space<semaphore_mem>>)
      %dma_wait3A_273 = arith.constant 0 : i32
      %dma_wait3A_274 = arith.constant 0 : i32
      %dma_wait3A_275 = tpu.memref_slice %arg2[%run_scoped3A, %add3A, %run_scoped3A_70, %dma_wait3A_273, %dma_wait3A_274] : memref<2x32x2x40x125xi32, #tpu.memory_space<hbm>> -> memref<1x1x1x40x125xi32, #tpu.memory_space<hbm>>
      %dma_wait3A_276 = tpu.memref_squeeze %dma_wait3A_275 : memref<1x1x1x40x125xi32, #tpu.memory_space<hbm>> -> memref<40x125xi32, #tpu.memory_space<hbm>>
      %dma_wait3A_277 = arith.constant 0 : i32
      %dma_wait3A_278 = arith.constant 0 : i32
      %dma_wait3A_279 = tpu.memref_slice %arg2[%run_scoped3A, %add3A, %run_scoped3A_70, %dma_wait3A_277, %dma_wait3A_278] : memref<2x32x2x40x125xi32, #tpu.memory_space<hbm>> -> memref<1x1x1x40x125xi32, #tpu.memory_space<hbm>>
      %dma_wait3A_280 = tpu.memref_squeeze %dma_wait3A_279 : memref<1x1x1x40x125xi32, #tpu.memory_space<hbm>> -> memref<40x125xi32, #tpu.memory_space<hbm>>
      tpu.wait_dma2 semaphore(%run_scoped3A_264 : memref<!tpu.dma_semaphore, #tpu.memory_space<semaphore_mem>>) src(%dma_wait3A_280 : memref<40x125xi32, #tpu.memory_space<hbm>>) dst(%arg6 : memref<40x125xi32, #tpu.memory_space<vmem>>)
      tpu.yield
    }) : () -> ()
    %run_scoped3A_71 = arith.constant 1 : i32
    %run_scoped3A_72 = arith.constant 0 : i32
    "tpu.region"() ({
      %run_scoped3A_264 = tpu.sem_alloc : memref<!tpu.dma_semaphore, #tpu.memory_space<semaphore_mem>>
      %dma_start3A_265 = arith.constant 0 : i32
      %dma_start3A_266 = arith.constant 0 : i32
      %dma_start3A_267 = tpu.memref_slice %arg2[%run_scoped3A_71, %add3A, %run_scoped3A_72, %dma_start3A_265, %dma_start3A_266] : memref<2x32x2x40x125xi32, #tpu.memory_space<hbm>> -> memref<1x1x1x40x125xi32, #tpu.memory_space<hbm>>
      %dma_start3A_268 = tpu.memref_squeeze %dma_start3A_267 : memref<1x1x1x40x125xi32, #tpu.memory_space<hbm>> -> memref<40x125xi32, #tpu.memory_space<hbm>>
      %dma_start3A_269 = arith.constant 0 : i32
      %dma_start3A_270 = arith.constant 0 : i32
      %dma_start3A_271 = tpu.memref_slice %arg2[%run_scoped3A_71, %add3A, %run_scoped3A_72, %dma_start3A_269, %dma_start3A_270] : memref<2x32x2x40x125xi32, #tpu.memory_space<hbm>> -> memref<1x1x1x40x125xi32, #tpu.memory_space<hbm>>
      %dma_start3A_272 = tpu.memref_squeeze %dma_start3A_271 : memref<1x1x1x40x125xi32, #tpu.memory_space<hbm>> -> memref<40x125xi32, #tpu.memory_space<hbm>>
      tpu.enqueue_dma source(%dma_start3A_272 : memref<40x125xi32, #tpu.memory_space<hbm>>) target(%arg7 : memref<40x125xi32, #tpu.memory_space<vmem>>) target_semaphore(%run_scoped3A_264 : memref<!tpu.dma_semaphore, #tpu.memory_space<semaphore_mem>>)
      %dma_wait3A_273 = arith.constant 0 : i32
      %dma_wait3A_274 = arith.constant 0 : i32
      %dma_wait3A_275 = tpu.memref_slice %arg2[%run_scoped3A_71, %add3A, %run_scoped3A_72, %dma_wait3A_273, %dma_wait3A_274] : memref<2x32x2x40x125xi32, #tpu.memory_space<hbm>> -> memref<1x1x1x40x125xi32, #tpu.memory_space<hbm>>
      %dma_wait3A_276 = tpu.memref_squeeze %dma_wait3A_275 : memref<1x1x1x40x125xi32, #tpu.memory_space<hbm>> -> memref<40x125xi32, #tpu.memory_space<hbm>>
      %dma_wait3A_277 = arith.constant 0 : i32
      %dma_wait3A_278 = arith.constant 0 : i32
      %dma_wait3A_279 = tpu.memref_slice %arg2[%run_scoped3A_71, %add3A, %run_scoped3A_72, %dma_wait3A_277, %dma_wait3A_278] : memref<2x32x2x40x125xi32, #tpu.memory_space<hbm>> -> memref<1x1x1x40x125xi32, #tpu.memory_space<hbm>>
      %dma_wait3A_280 = tpu.memref_squeeze %dma_wait3A_279 : memref<1x1x1x40x125xi32, #tpu.memory_space<hbm>> -> memref<40x125xi32, #tpu.memory_space<hbm>>
      tpu.wait_dma2 semaphore(%run_scoped3A_264 : memref<!tpu.dma_semaphore, #tpu.memory_space<semaphore_mem>>) src(%dma_wait3A_280 : memref<40x125xi32, #tpu.memory_space<hbm>>) dst(%arg7 : memref<40x125xi32, #tpu.memory_space<vmem>>)
      tpu.yield
    }) : () -> ()
    %dma_start3A_73 = arith.constant 0 : i32
    %dma_start3A_74 = arith.constant 0 : i32
    %dma_start3A_75 = tpu.memref_slice %arg6[%dma_start3A_73, %dma_start3A_74] : memref<40x125xi32, #tpu.memory_space<vmem>> -> memref<1x125xi32, #tpu.memory_space<vmem>>
    %dma_start3A_76 = tpu.memref_squeeze %dma_start3A_75 : memref<1x125xi32, #tpu.memory_space<vmem>> -> memref<125xi32, #tpu.memory_space<vmem>>
    %dma_start3A_77 = arith.constant 0 : i32
    %dma_start3A_78 = arith.constant 0 : i32
    %dma_start3A_79 = tpu.memref_slice %arg3[%dma_start3A_77, %dma_start3A_78] : memref<10000x128xf32, #tpu.memory_space<hbm>> -> memref<10000x128xf32, #tpu.memory_space<hbm>>
    tpu.enqueue_indirect_dma source(%dma_start3A_79 : memref<10000x128xf32, #tpu.memory_space<hbm>>) target(%arg8 : memref<125x128xf32, #tpu.memory_space<vmem>>) offsets(%dma_start3A_76 : memref<125xi32, #tpu.memory_space<vmem>>) semaphore(%arg12 : memref<!tpu.dma_semaphore, #tpu.memory_space<semaphore_mem>>)
    %dma_start3A_80 = arith.constant 1 : i32
    %dma_start3A_81 = arith.constant 0 : i32
    %dma_start3A_82 = tpu.memref_slice %arg6[%dma_start3A_80, %dma_start3A_81] : memref<40x125xi32, #tpu.memory_space<vmem>> -> memref<1x125xi32, #tpu.memory_space<vmem>>
    %dma_start3A_83 = tpu.memref_squeeze %dma_start3A_82 : memref<1x125xi32, #tpu.memory_space<vmem>> -> memref<125xi32, #tpu.memory_space<vmem>>
    %dma_start3A_84 = arith.constant 0 : i32
    %dma_start3A_85 = arith.constant 0 : i32
    %dma_start3A_86 = tpu.memref_slice %arg3[%dma_start3A_84, %dma_start3A_85] : memref<10000x128xf32, #tpu.memory_space<hbm>> -> memref<10000x128xf32, #tpu.memory_space<hbm>>
    tpu.enqueue_indirect_dma source(%dma_start3A_86 : memref<10000x128xf32, #tpu.memory_space<hbm>>) target(%arg9 : memref<125x128xf32, #tpu.memory_space<vmem>>) offsets(%dma_start3A_83 : memref<125xi32, #tpu.memory_space<vmem>>) semaphore(%arg13 : memref<!tpu.dma_semaphore, #tpu.memory_space<semaphore_mem>>)
    %scan3A_87 = arith.constant 0 : i32
    %scan3A_88 = arith.constant 0 : i32
    %scan3A_89 = arith.constant 16 : i32
    %scan3A_90 = arith.addi %scan3A_88, %scan3A_89 : i32
    %scan3A_91 = arith.constant 1 : i32
    %scan3A_92 = scf.for %scan3A_264 = %scan3A_88 to %scan3A_90 step %scan3A_91 iter_args(%scan3A_265 = %scan3A_87) -> (i32)  : i32 {
      %mul3A_266 = arith.constant 624 : i32
      %mul3A_267 = arith.muli %arg1, %mul3A_266 : i32
      %mul3A_268 = arith.constant 40 : i32
      %mul3A_269 = arith.muli %scan3A_264, %mul3A_268 : i32
      %add3A_270 = arith.addi %mul3A_267, %mul3A_269 : i32
      %multiple_of3A_271 = tpu.assume_multiple %add3A_270, 8 : i32
      %dma_wait3A_272 = arith.constant 0 : i32
      %dma_wait3A_273 = tpu.memref_slice %arg11[%multiple_of3A_271, %dma_wait3A_272] : memref<10000x128xf32, #tpu.memory_space<vmem_shared>> -> memref<40x128xf32, #tpu.memory_space<vmem_shared>>
      %dma_wait3A_274 = arith.constant 0 : i32
      %dma_wait3A_275 = tpu.memref_slice %arg11[%multiple_of3A_271, %dma_wait3A_274] : memref<10000x128xf32, #tpu.memory_space<vmem_shared>> -> memref<40x128xf32, #tpu.memory_space<vmem_shared>>
      tpu.wait_dma2 semaphore(%arg16 : memref<!tpu.dma_semaphore, #tpu.memory_space<semaphore_mem>>) src(%arg10 : memref<40x128xf32, #tpu.memory_space<vmem>>) dst(%dma_wait3A_275 : memref<40x128xf32, #tpu.memory_space<vmem_shared>>)
      %scan3A_276 = arith.constant 0 : i32
      scf.yield %scan3A_276 : i32
    }
    %scan3A_93 = arith.constant 16 : i32
    %dma_wait3A = tpu.memref_slice %arg19[%multiple_of3A] : memref<10000xf32, #tpu.memory_space<vmem_shared>> -> memref<640xf32, #tpu.memory_space<vmem_shared>>
    %dma_wait3A_94 = tpu.memref_slice %arg19[%multiple_of3A] : memref<10000xf32, #tpu.memory_space<vmem_shared>> -> memref<640xf32, #tpu.memory_space<vmem_shared>>
    tpu.wait_dma2 semaphore(%arg16 : memref<!tpu.dma_semaphore, #tpu.memory_space<semaphore_mem>>) src(%arg17 : memref<640xf32, #tpu.memory_space<vmem>>) dst(%dma_wait3A_94 : memref<640xf32, #tpu.memory_space<vmem_shared>>)
    %barrier3A = arith.constant 0 : index
    tpu.barrier barrier_id(%barrier3A)
    %scan3A_95 = arith.constant 0 : i32
    %scan3A_96 = arith.constant 0 : i32
    %scan3A_97 = arith.constant 19 : i32
    %scan3A_98 = arith.addi %scan3A_96, %scan3A_97 : i32
    %scan3A_99 = arith.constant 1 : i32
    %scan3A_100 = scf.for %scan3A_264 = %scan3A_96 to %scan3A_98 step %scan3A_99 iter_args(%scan3A_265 = %scan3A_95) -> (i32)  : i32 {
      %mul3A_266 = arith.constant 2 : i32
      %mul3A_267 = arith.muli %scan3A_264, %mul3A_266 : i32
      %dma_wait3A_268 = arith.constant 0 : i32
      %dma_wait3A_269 = tpu.memref_slice %arg6[%mul3A_267, %dma_wait3A_268] : memref<40x125xi32, #tpu.memory_space<vmem>> -> memref<1x125xi32, #tpu.memory_space<vmem>>
      %dma_wait3A_270 = tpu.memref_squeeze %dma_wait3A_269 : memref<1x125xi32, #tpu.memory_space<vmem>> -> memref<125xi32, #tpu.memory_space<vmem>>
      %dma_wait3A_271 = arith.constant 0 : i32
      %dma_wait3A_272 = arith.constant 0 : i32
      %dma_wait3A_273 = tpu.memref_slice %arg3[%dma_wait3A_271, %dma_wait3A_272] : memref<10000x128xf32, #tpu.memory_space<hbm>> -> memref<10000x128xf32, #tpu.memory_space<hbm>>
      tpu.wait_indirect_dma semaphore(%arg12 : memref<!tpu.dma_semaphore, #tpu.memory_space<semaphore_mem>>) src(%dma_wait3A_273 : memref<10000x128xf32, #tpu.memory_space<hbm>>) dst(%arg8 : memref<125x128xf32, #tpu.memory_space<vmem>>)
      %dma_start3A_274 = arith.constant 0 : i32
      %dma_start3A_275 = tpu.memref_slice %arg7[%mul3A_267, %dma_start3A_274] : memref<40x125xi32, #tpu.memory_space<vmem>> -> memref<1x125xi32, #tpu.memory_space<vmem>>
      %dma_start3A_276 = tpu.memref_squeeze %dma_start3A_275 : memref<1x125xi32, #tpu.memory_space<vmem>> -> memref<125xi32, #tpu.memory_space<vmem>>
      %dma_start3A_277 = arith.constant 0 : i32
      %dma_start3A_278 = arith.constant 0 : i32
      %dma_start3A_279 = tpu.memref_slice %arg11[%dma_start3A_277, %dma_start3A_278] : memref<10000x128xf32, #tpu.memory_space<vmem_shared>> -> memref<10000x128xf32, #tpu.memory_space<vmem_shared>>
      tpu.enqueue_indirect_dma source(%arg8 : memref<125x128xf32, #tpu.memory_space<vmem>>) target(%dma_start3A_279 : memref<10000x128xf32, #tpu.memory_space<vmem_shared>>) offsets(%dma_start3A_276 : memref<125xi32, #tpu.memory_space<vmem>>) semaphore(%arg14 : memref<!tpu.dma_semaphore, #tpu.memory_space<semaphore_mem>>) {add = true}
      %dma_start3A_280 = arith.constant 0 : i32
      %dma_start3A_281 = tpu.memref_slice %arg18[%dma_start3A_280] : memref<128xf32, #tpu.memory_space<vmem>> -> memref<125xf32, #tpu.memory_space<vmem>>
      %dma_start3A_282 = arith.constant 0 : i32
      %dma_start3A_283 = tpu.memref_slice %arg7[%mul3A_267, %dma_start3A_282] : memref<40x125xi32, #tpu.memory_space<vmem>> -> memref<1x125xi32, #tpu.memory_space<vmem>>
      %dma_start3A_284 = tpu.memref_squeeze %dma_start3A_283 : memref<1x125xi32, #tpu.memory_space<vmem>> -> memref<125xi32, #tpu.memory_space<vmem>>
      %dma_start3A_285 = arith.constant 0 : i32
      %dma_start3A_286 = tpu.memref_slice %arg19[%dma_start3A_285] : memref<10000xf32, #tpu.memory_space<vmem_shared>> -> memref<10000xf32, #tpu.memory_space<vmem_shared>>
      tpu.enqueue_indirect_dma source(%dma_start3A_281 : memref<125xf32, #tpu.memory_space<vmem>>) target(%dma_start3A_286 : memref<10000xf32, #tpu.memory_space<vmem_shared>>) offsets(%dma_start3A_284 : memref<125xi32, #tpu.memory_space<vmem>>) semaphore(%arg20 : memref<!tpu.dma_semaphore, #tpu.memory_space<semaphore_mem>>) {add = true}
      %add3A_287 = arith.constant 1 : i32
      %add3A_288 = arith.addi %mul3A_267, %add3A_287 : i32
      %dma_wait3A_289 = arith.constant 0 : i32
      %dma_wait3A_290 = tpu.memref_slice %arg6[%add3A_288, %dma_wait3A_289] : memref<40x125xi32, #tpu.memory_space<vmem>> -> memref<1x125xi32, #tpu.memory_space<vmem>>
      %dma_wait3A_291 = tpu.memref_squeeze %dma_wait3A_290 : memref<1x125xi32, #tpu.memory_space<vmem>> -> memref<125xi32, #tpu.memory_space<vmem>>
      %dma_wait3A_292 = arith.constant 0 : i32
      %dma_wait3A_293 = arith.constant 0 : i32
      %dma_wait3A_294 = tpu.memref_slice %arg3[%dma_wait3A_292, %dma_wait3A_293] : memref<10000x128xf32, #tpu.memory_space<hbm>> -> memref<10000x128xf32, #tpu.memory_space<hbm>>
      tpu.wait_indirect_dma semaphore(%arg13 : memref<!tpu.dma_semaphore, #tpu.memory_space<semaphore_mem>>) src(%dma_wait3A_294 : memref<10000x128xf32, #tpu.memory_space<hbm>>) dst(%arg9 : memref<125x128xf32, #tpu.memory_space<vmem>>)
      %add3A_295 = arith.constant 1 : i32
      %add3A_296 = arith.addi %mul3A_267, %add3A_295 : i32
      %dma_start3A_297 = arith.constant 0 : i32
      %dma_start3A_298 = tpu.memref_slice %arg7[%add3A_296, %dma_start3A_297] : memref<40x125xi32, #tpu.memory_space<vmem>> -> memref<1x125xi32, #tpu.memory_space<vmem>>
      %dma_start3A_299 = tpu.memref_squeeze %dma_start3A_298 : memref<1x125xi32, #tpu.memory_space<vmem>> -> memref<125xi32, #tpu.memory_space<vmem>>
      %dma_start3A_300 = arith.constant 0 : i32
      %dma_start3A_301 = arith.constant 0 : i32
      %dma_start3A_302 = tpu.memref_slice %arg11[%dma_start3A_300, %dma_start3A_301] : memref<10000x128xf32, #tpu.memory_space<vmem_shared>> -> memref<10000x128xf32, #tpu.memory_space<vmem_shared>>
      tpu.enqueue_indirect_dma source(%arg9 : memref<125x128xf32, #tpu.memory_space<vmem>>) target(%dma_start3A_302 : memref<10000x128xf32, #tpu.memory_space<vmem_shared>>) offsets(%dma_start3A_299 : memref<125xi32, #tpu.memory_space<vmem>>) semaphore(%arg15 : memref<!tpu.dma_semaphore, #tpu.memory_space<semaphore_mem>>) {add = true}
      %add3A_303 = arith.constant 1 : i32
      %add3A_304 = arith.addi %mul3A_267, %add3A_303 : i32
      %dma_start3A_305 = arith.constant 0 : i32
      %dma_start3A_306 = tpu.memref_slice %arg18[%dma_start3A_305] : memref<128xf32, #tpu.memory_space<vmem>> -> memref<125xf32, #tpu.memory_space<vmem>>
      %dma_start3A_307 = arith.constant 0 : i32
      %dma_start3A_308 = tpu.memref_slice %arg7[%add3A_304, %dma_start3A_307] : memref<40x125xi32, #tpu.memory_space<vmem>> -> memref<1x125xi32, #tpu.memory_space<vmem>>
      %dma_start3A_309 = tpu.memref_squeeze %dma_start3A_308 : memref<1x125xi32, #tpu.memory_space<vmem>> -> memref<125xi32, #tpu.memory_space<vmem>>
      %dma_start3A_310 = arith.constant 0 : i32
      %dma_start3A_311 = tpu.memref_slice %arg19[%dma_start3A_310] : memref<10000xf32, #tpu.memory_space<vmem_shared>> -> memref<10000xf32, #tpu.memory_space<vmem_shared>>
      tpu.enqueue_indirect_dma source(%dma_start3A_306 : memref<125xf32, #tpu.memory_space<vmem>>) target(%dma_start3A_311 : memref<10000xf32, #tpu.memory_space<vmem_shared>>) offsets(%dma_start3A_309 : memref<125xi32, #tpu.memory_space<vmem>>) semaphore(%arg20 : memref<!tpu.dma_semaphore, #tpu.memory_space<semaphore_mem>>) {add = true}
      %dma_wait3A_312 = arith.constant 0 : i32
      %dma_wait3A_313 = tpu.memref_slice %arg7[%mul3A_267, %dma_wait3A_312] : memref<40x125xi32, #tpu.memory_space<vmem>> -> memref<1x125xi32, #tpu.memory_space<vmem>>
      %dma_wait3A_314 = tpu.memref_squeeze %dma_wait3A_313 : memref<1x125xi32, #tpu.memory_space<vmem>> -> memref<125xi32, #tpu.memory_space<vmem>>
      %dma_wait3A_315 = arith.constant 0 : i32
      %dma_wait3A_316 = arith.constant 0 : i32
      %dma_wait3A_317 = tpu.memref_slice %arg11[%dma_wait3A_315, %dma_wait3A_316] : memref<10000x128xf32, #tpu.memory_space<vmem_shared>> -> memref<10000x128xf32, #tpu.memory_space<vmem_shared>>
      tpu.wait_indirect_dma semaphore(%arg14 : memref<!tpu.dma_semaphore, #tpu.memory_space<semaphore_mem>>) src(%arg8 : memref<125x128xf32, #tpu.memory_space<vmem>>) dst(%dma_wait3A_317 : memref<10000x128xf32, #tpu.memory_space<vmem_shared>>)
      %add3A_318 = arith.constant 2 : i32
      %add3A_319 = arith.addi %mul3A_267, %add3A_318 : i32
      %dma_start3A_320 = arith.constant 0 : i32
      %dma_start3A_321 = tpu.memref_slice %arg6[%add3A_319, %dma_start3A_320] : memref<40x125xi32, #tpu.memory_space<vmem>> -> memref<1x125xi32, #tpu.memory_space<vmem>>
      %dma_start3A_322 = tpu.memref_squeeze %dma_start3A_321 : memref<1x125xi32, #tpu.memory_space<vmem>> -> memref<125xi32, #tpu.memory_space<vmem>>
      %dma_start3A_323 = arith.constant 0 : i32
      %dma_start3A_324 = arith.constant 0 : i32
      %dma_start3A_325 = tpu.memref_slice %arg3[%dma_start3A_323, %dma_start3A_324] : memref<10000x128xf32, #tpu.memory_space<hbm>> -> memref<10000x128xf32, #tpu.memory_space<hbm>>
      tpu.enqueue_indirect_dma source(%dma_start3A_325 : memref<10000x128xf32, #tpu.memory_space<hbm>>) target(%arg8 : memref<125x128xf32, #tpu.memory_space<vmem>>) offsets(%dma_start3A_322 : memref<125xi32, #tpu.memory_space<vmem>>) semaphore(%arg12 : memref<!tpu.dma_semaphore, #tpu.memory_space<semaphore_mem>>)
      %add3A_326 = arith.constant 1 : i32
      %add3A_327 = arith.addi %mul3A_267, %add3A_326 : i32
      %dma_wait3A_328 = arith.constant 0 : i32
      %dma_wait3A_329 = tpu.memref_slice %arg7[%add3A_327, %dma_wait3A_328] : memref<40x125xi32, #tpu.memory_space<vmem>> -> memref<1x125xi32, #tpu.memory_space<vmem>>
      %dma_wait3A_330 = tpu.memref_squeeze %dma_wait3A_329 : memref<1x125xi32, #tpu.memory_space<vmem>> -> memref<125xi32, #tpu.memory_space<vmem>>
      %dma_wait3A_331 = arith.constant 0 : i32
      %dma_wait3A_332 = arith.constant 0 : i32
      %dma_wait3A_333 = tpu.memref_slice %arg11[%dma_wait3A_331, %dma_wait3A_332] : memref<10000x128xf32, #tpu.memory_space<vmem_shared>> -> memref<10000x128xf32, #tpu.memory_space<vmem_shared>>
      tpu.wait_indirect_dma semaphore(%arg15 : memref<!tpu.dma_semaphore, #tpu.memory_space<semaphore_mem>>) src(%arg9 : memref<125x128xf32, #tpu.memory_space<vmem>>) dst(%dma_wait3A_333 : memref<10000x128xf32, #tpu.memory_space<vmem_shared>>)
      %add3A_334 = arith.constant 3 : i32
      %add3A_335 = arith.addi %mul3A_267, %add3A_334 : i32
      %dma_start3A_336 = arith.constant 0 : i32
      %dma_start3A_337 = tpu.memref_slice %arg6[%add3A_335, %dma_start3A_336] : memref<40x125xi32, #tpu.memory_space<vmem>> -> memref<1x125xi32, #tpu.memory_space<vmem>>
      %dma_start3A_338 = tpu.memref_squeeze %dma_start3A_337 : memref<1x125xi32, #tpu.memory_space<vmem>> -> memref<125xi32, #tpu.memory_space<vmem>>
      %dma_start3A_339 = arith.constant 0 : i32
      %dma_start3A_340 = arith.constant 0 : i32
      %dma_start3A_341 = tpu.memref_slice %arg3[%dma_start3A_339, %dma_start3A_340] : memref<10000x128xf32, #tpu.memory_space<hbm>> -> memref<10000x128xf32, #tpu.memory_space<hbm>>
      tpu.enqueue_indirect_dma source(%dma_start3A_341 : memref<10000x128xf32, #tpu.memory_space<hbm>>) target(%arg9 : memref<125x128xf32, #tpu.memory_space<vmem>>) offsets(%dma_start3A_338 : memref<125xi32, #tpu.memory_space<vmem>>) semaphore(%arg13 : memref<!tpu.dma_semaphore, #tpu.memory_space<semaphore_mem>>)
      %scan3A_342 = arith.constant 0 : i32
      scf.yield %scan3A_342 : i32
    }
    %scan3A_101 = arith.constant 19 : i32
    %dma_wait3A_102 = arith.constant 38 : i32
    %dma_wait3A_103 = arith.constant 0 : i32
    %dma_wait3A_104 = tpu.memref_slice %arg6[%dma_wait3A_102, %dma_wait3A_103] : memref<40x125xi32, #tpu.memory_space<vmem>> -> memref<1x125xi32, #tpu.memory_space<vmem>>
    %dma_wait3A_105 = tpu.memref_squeeze %dma_wait3A_104 : memref<1x125xi32, #tpu.memory_space<vmem>> -> memref<125xi32, #tpu.memory_space<vmem>>
    %dma_wait3A_106 = arith.constant 0 : i32
    %dma_wait3A_107 = arith.constant 0 : i32
    %dma_wait3A_108 = tpu.memref_slice %arg3[%dma_wait3A_106, %dma_wait3A_107] : memref<10000x128xf32, #tpu.memory_space<hbm>> -> memref<10000x128xf32, #tpu.memory_space<hbm>>
    tpu.wait_indirect_dma semaphore(%arg12 : memref<!tpu.dma_semaphore, #tpu.memory_space<semaphore_mem>>) src(%dma_wait3A_108 : memref<10000x128xf32, #tpu.memory_space<hbm>>) dst(%arg8 : memref<125x128xf32, #tpu.memory_space<vmem>>)
    %dma_start3A_109 = arith.constant 38 : i32
    %dma_start3A_110 = arith.constant 0 : i32
    %dma_start3A_111 = tpu.memref_slice %arg7[%dma_start3A_109, %dma_start3A_110] : memref<40x125xi32, #tpu.memory_space<vmem>> -> memref<1x125xi32, #tpu.memory_space<vmem>>
    %dma_start3A_112 = tpu.memref_squeeze %dma_start3A_111 : memref<1x125xi32, #tpu.memory_space<vmem>> -> memref<125xi32, #tpu.memory_space<vmem>>
    %dma_start3A_113 = arith.constant 0 : i32
    %dma_start3A_114 = arith.constant 0 : i32
    %dma_start3A_115 = tpu.memref_slice %arg11[%dma_start3A_113, %dma_start3A_114] : memref<10000x128xf32, #tpu.memory_space<vmem_shared>> -> memref<10000x128xf32, #tpu.memory_space<vmem_shared>>
    tpu.enqueue_indirect_dma source(%arg8 : memref<125x128xf32, #tpu.memory_space<vmem>>) target(%dma_start3A_115 : memref<10000x128xf32, #tpu.memory_space<vmem_shared>>) offsets(%dma_start3A_112 : memref<125xi32, #tpu.memory_space<vmem>>) semaphore(%arg14 : memref<!tpu.dma_semaphore, #tpu.memory_space<semaphore_mem>>) {add = true}
    %dma_start3A_116 = arith.constant 38 : i32
    %dma_start3A_117 = arith.constant 0 : i32
    %dma_start3A_118 = tpu.memref_slice %arg18[%dma_start3A_117] : memref<128xf32, #tpu.memory_space<vmem>> -> memref<125xf32, #tpu.memory_space<vmem>>
    %dma_start3A_119 = arith.constant 0 : i32
    %dma_start3A_120 = tpu.memref_slice %arg7[%dma_start3A_116, %dma_start3A_119] : memref<40x125xi32, #tpu.memory_space<vmem>> -> memref<1x125xi32, #tpu.memory_space<vmem>>
    %dma_start3A_121 = tpu.memref_squeeze %dma_start3A_120 : memref<1x125xi32, #tpu.memory_space<vmem>> -> memref<125xi32, #tpu.memory_space<vmem>>
    %dma_start3A_122 = arith.constant 0 : i32
    %dma_start3A_123 = tpu.memref_slice %arg19[%dma_start3A_122] : memref<10000xf32, #tpu.memory_space<vmem_shared>> -> memref<10000xf32, #tpu.memory_space<vmem_shared>>
    tpu.enqueue_indirect_dma source(%dma_start3A_118 : memref<125xf32, #tpu.memory_space<vmem>>) target(%dma_start3A_123 : memref<10000xf32, #tpu.memory_space<vmem_shared>>) offsets(%dma_start3A_121 : memref<125xi32, #tpu.memory_space<vmem>>) semaphore(%arg20 : memref<!tpu.dma_semaphore, #tpu.memory_space<semaphore_mem>>) {add = true}
    %dma_wait3A_124 = arith.constant 39 : i32
    %dma_wait3A_125 = arith.constant 0 : i32
    %dma_wait3A_126 = tpu.memref_slice %arg6[%dma_wait3A_124, %dma_wait3A_125] : memref<40x125xi32, #tpu.memory_space<vmem>> -> memref<1x125xi32, #tpu.memory_space<vmem>>
    %dma_wait3A_127 = tpu.memref_squeeze %dma_wait3A_126 : memref<1x125xi32, #tpu.memory_space<vmem>> -> memref<125xi32, #tpu.memory_space<vmem>>
    %dma_wait3A_128 = arith.constant 0 : i32
    %dma_wait3A_129 = arith.constant 0 : i32
    %dma_wait3A_130 = tpu.memref_slice %arg3[%dma_wait3A_128, %dma_wait3A_129] : memref<10000x128xf32, #tpu.memory_space<hbm>> -> memref<10000x128xf32, #tpu.memory_space<hbm>>
    tpu.wait_indirect_dma semaphore(%arg13 : memref<!tpu.dma_semaphore, #tpu.memory_space<semaphore_mem>>) src(%dma_wait3A_130 : memref<10000x128xf32, #tpu.memory_space<hbm>>) dst(%arg9 : memref<125x128xf32, #tpu.memory_space<vmem>>)
    %dma_start3A_131 = arith.constant 39 : i32
    %dma_start3A_132 = arith.constant 0 : i32
    %dma_start3A_133 = tpu.memref_slice %arg7[%dma_start3A_131, %dma_start3A_132] : memref<40x125xi32, #tpu.memory_space<vmem>> -> memref<1x125xi32, #tpu.memory_space<vmem>>
    %dma_start3A_134 = tpu.memref_squeeze %dma_start3A_133 : memref<1x125xi32, #tpu.memory_space<vmem>> -> memref<125xi32, #tpu.memory_space<vmem>>
    %dma_start3A_135 = arith.constant 0 : i32
    %dma_start3A_136 = arith.constant 0 : i32
    %dma_start3A_137 = tpu.memref_slice %arg11[%dma_start3A_135, %dma_start3A_136] : memref<10000x128xf32, #tpu.memory_space<vmem_shared>> -> memref<10000x128xf32, #tpu.memory_space<vmem_shared>>
    tpu.enqueue_indirect_dma source(%arg9 : memref<125x128xf32, #tpu.memory_space<vmem>>) target(%dma_start3A_137 : memref<10000x128xf32, #tpu.memory_space<vmem_shared>>) offsets(%dma_start3A_134 : memref<125xi32, #tpu.memory_space<vmem>>) semaphore(%arg15 : memref<!tpu.dma_semaphore, #tpu.memory_space<semaphore_mem>>) {add = true}
    %dma_start3A_138 = arith.constant 39 : i32
    %dma_start3A_139 = arith.constant 0 : i32
    %dma_start3A_140 = tpu.memref_slice %arg18[%dma_start3A_139] : memref<128xf32, #tpu.memory_space<vmem>> -> memref<125xf32, #tpu.memory_space<vmem>>
    %dma_start3A_141 = arith.constant 0 : i32
    %dma_start3A_142 = tpu.memref_slice %arg7[%dma_start3A_138, %dma_start3A_141] : memref<40x125xi32, #tpu.memory_space<vmem>> -> memref<1x125xi32, #tpu.memory_space<vmem>>
    %dma_start3A_143 = tpu.memref_squeeze %dma_start3A_142 : memref<1x125xi32, #tpu.memory_space<vmem>> -> memref<125xi32, #tpu.memory_space<vmem>>
    %dma_start3A_144 = arith.constant 0 : i32
    %dma_start3A_145 = tpu.memref_slice %arg19[%dma_start3A_144] : memref<10000xf32, #tpu.memory_space<vmem_shared>> -> memref<10000xf32, #tpu.memory_space<vmem_shared>>
    tpu.enqueue_indirect_dma source(%dma_start3A_140 : memref<125xf32, #tpu.memory_space<vmem>>) target(%dma_start3A_145 : memref<10000xf32, #tpu.memory_space<vmem_shared>>) offsets(%dma_start3A_143 : memref<125xi32, #tpu.memory_space<vmem>>) semaphore(%arg20 : memref<!tpu.dma_semaphore, #tpu.memory_space<semaphore_mem>>) {add = true}
    %dma_wait3A_146 = arith.constant 38 : i32
    %dma_wait3A_147 = arith.constant 0 : i32
    %dma_wait3A_148 = tpu.memref_slice %arg7[%dma_wait3A_146, %dma_wait3A_147] : memref<40x125xi32, #tpu.memory_space<vmem>> -> memref<1x125xi32, #tpu.memory_space<vmem>>
    %dma_wait3A_149 = tpu.memref_squeeze %dma_wait3A_148 : memref<1x125xi32, #tpu.memory_space<vmem>> -> memref<125xi32, #tpu.memory_space<vmem>>
    %dma_wait3A_150 = arith.constant 0 : i32
    %dma_wait3A_151 = arith.constant 0 : i32
    %dma_wait3A_152 = tpu.memref_slice %arg11[%dma_wait3A_150, %dma_wait3A_151] : memref<10000x128xf32, #tpu.memory_space<vmem_shared>> -> memref<10000x128xf32, #tpu.memory_space<vmem_shared>>
    tpu.wait_indirect_dma semaphore(%arg14 : memref<!tpu.dma_semaphore, #tpu.memory_space<semaphore_mem>>) src(%arg8 : memref<125x128xf32, #tpu.memory_space<vmem>>) dst(%dma_wait3A_152 : memref<10000x128xf32, #tpu.memory_space<vmem_shared>>)
    %dma_wait3A_153 = arith.constant 39 : i32
    %dma_wait3A_154 = arith.constant 0 : i32
    %dma_wait3A_155 = tpu.memref_slice %arg7[%dma_wait3A_153, %dma_wait3A_154] : memref<40x125xi32, #tpu.memory_space<vmem>> -> memref<1x125xi32, #tpu.memory_space<vmem>>
    %dma_wait3A_156 = tpu.memref_squeeze %dma_wait3A_155 : memref<1x125xi32, #tpu.memory_space<vmem>> -> memref<125xi32, #tpu.memory_space<vmem>>
    %dma_wait3A_157 = arith.constant 0 : i32
    %dma_wait3A_158 = arith.constant 0 : i32
    %dma_wait3A_159 = tpu.memref_slice %arg11[%dma_wait3A_157, %dma_wait3A_158] : memref<10000x128xf32, #tpu.memory_space<vmem_shared>> -> memref<10000x128xf32, #tpu.memory_space<vmem_shared>>
    tpu.wait_indirect_dma semaphore(%arg15 : memref<!tpu.dma_semaphore, #tpu.memory_space<semaphore_mem>>) src(%arg9 : memref<125x128xf32, #tpu.memory_space<vmem>>) dst(%dma_wait3A_159 : memref<10000x128xf32, #tpu.memory_space<vmem_shared>>)
    %scan3A_160 = arith.constant 0 : i32
    %scan3A_161 = arith.constant 0 : i32
    %scan3A_162 = arith.constant 40 : i32
    %scan3A_163 = arith.addi %scan3A_161, %scan3A_162 : i32
    %scan3A_164 = arith.constant 1 : i32
    %scan3A_165 = scf.for %scan3A_264 = %scan3A_161 to %scan3A_163 step %scan3A_164 iter_args(%scan3A_265 = %scan3A_160) -> (i32)  : i32 {
      %dma_wait3A_266 = arith.constant 0 : i32
      %dma_wait3A_267 = tpu.memref_slice %arg18[%dma_wait3A_266] : memref<128xf32, #tpu.memory_space<vmem>> -> memref<125xf32, #tpu.memory_space<vmem>>
      %dma_wait3A_268 = arith.constant 0 : i32
      %dma_wait3A_269 = tpu.memref_slice %arg7[%scan3A_264, %dma_wait3A_268] : memref<40x125xi32, #tpu.memory_space<vmem>> -> memref<1x125xi32, #tpu.memory_space<vmem>>
      %dma_wait3A_270 = tpu.memref_squeeze %dma_wait3A_269 : memref<1x125xi32, #tpu.memory_space<vmem>> -> memref<125xi32, #tpu.memory_space<vmem>>
      %dma_wait3A_271 = arith.constant 0 : i32
      %dma_wait3A_272 = tpu.memref_slice %arg19[%dma_wait3A_271] : memref<10000xf32, #tpu.memory_space<vmem_shared>> -> memref<10000xf32, #tpu.memory_space<vmem_shared>>
      tpu.wait_indirect_dma semaphore(%arg20 : memref<!tpu.dma_semaphore, #tpu.memory_space<semaphore_mem>>) src(%dma_wait3A_267 : memref<125xf32, #tpu.memory_space<vmem>>) dst(%dma_wait3A_272 : memref<10000xf32, #tpu.memory_space<vmem_shared>>)
      %scan3A_273 = arith.constant 0 : i32
      scf.yield %scan3A_273 : i32
    }
    %scan3A_166 = arith.constant 40 : i32
    %run_scoped3A_167 = arith.constant 0 : i32
    %run_scoped3A_168 = arith.constant 1 : i32
    "tpu.region"() ({
      %run_scoped3A_264 = tpu.sem_alloc : memref<!tpu.dma_semaphore, #tpu.memory_space<semaphore_mem>>
      %dma_start3A_265 = arith.constant 0 : i32
      %dma_start3A_266 = arith.constant 0 : i32
      %dma_start3A_267 = tpu.memref_slice %arg2[%run_scoped3A_167, %add3A, %run_scoped3A_168, %dma_start3A_265, %dma_start3A_266] : memref<2x32x2x40x125xi32, #tpu.memory_space<hbm>> -> memref<1x1x1x40x125xi32, #tpu.memory_space<hbm>>
      %dma_start3A_268 = tpu.memref_squeeze %dma_start3A_267 : memref<1x1x1x40x125xi32, #tpu.memory_space<hbm>> -> memref<40x125xi32, #tpu.memory_space<hbm>>
      %dma_start3A_269 = arith.constant 0 : i32
      %dma_start3A_270 = arith.constant 0 : i32
      %dma_start3A_271 = tpu.memref_slice %arg2[%run_scoped3A_167, %add3A, %run_scoped3A_168, %dma_start3A_269, %dma_start3A_270] : memref<2x32x2x40x125xi32, #tpu.memory_space<hbm>> -> memref<1x1x1x40x125xi32, #tpu.memory_space<hbm>>
      %dma_start3A_272 = tpu.memref_squeeze %dma_start3A_271 : memref<1x1x1x40x125xi32, #tpu.memory_space<hbm>> -> memref<40x125xi32, #tpu.memory_space<hbm>>
      tpu.enqueue_dma source(%dma_start3A_272 : memref<40x125xi32, #tpu.memory_space<hbm>>) target(%arg6 : memref<40x125xi32, #tpu.memory_space<vmem>>) target_semaphore(%run_scoped3A_264 : memref<!tpu.dma_semaphore, #tpu.memory_space<semaphore_mem>>)
      %dma_wait3A_273 = arith.constant 0 : i32
      %dma_wait3A_274 = arith.constant 0 : i32
      %dma_wait3A_275 = tpu.memref_slice %arg2[%run_scoped3A_167, %add3A, %run_scoped3A_168, %dma_wait3A_273, %dma_wait3A_274] : memref<2x32x2x40x125xi32, #tpu.memory_space<hbm>> -> memref<1x1x1x40x125xi32, #tpu.memory_space<hbm>>
      %dma_wait3A_276 = tpu.memref_squeeze %dma_wait3A_275 : memref<1x1x1x40x125xi32, #tpu.memory_space<hbm>> -> memref<40x125xi32, #tpu.memory_space<hbm>>
      %dma_wait3A_277 = arith.constant 0 : i32
      %dma_wait3A_278 = arith.constant 0 : i32
      %dma_wait3A_279 = tpu.memref_slice %arg2[%run_scoped3A_167, %add3A, %run_scoped3A_168, %dma_wait3A_277, %dma_wait3A_278] : memref<2x32x2x40x125xi32, #tpu.memory_space<hbm>> -> memref<1x1x1x40x125xi32, #tpu.memory_space<hbm>>
      %dma_wait3A_280 = tpu.memref_squeeze %dma_wait3A_279 : memref<1x1x1x40x125xi32, #tpu.memory_space<hbm>> -> memref<40x125xi32, #tpu.memory_space<hbm>>
      tpu.wait_dma2 semaphore(%run_scoped3A_264 : memref<!tpu.dma_semaphore, #tpu.memory_space<semaphore_mem>>) src(%dma_wait3A_280 : memref<40x125xi32, #tpu.memory_space<hbm>>) dst(%arg6 : memref<40x125xi32, #tpu.memory_space<vmem>>)
      tpu.yield
    }) : () -> ()
    %run_scoped3A_169 = arith.constant 1 : i32
    %run_scoped3A_170 = arith.constant 1 : i32
    "tpu.region"() ({
      %run_scoped3A_264 = tpu.sem_alloc : memref<!tpu.dma_semaphore, #tpu.memory_space<semaphore_mem>>
      %dma_start3A_265 = arith.constant 0 : i32
      %dma_start3A_266 = arith.constant 0 : i32
      %dma_start3A_267 = tpu.memref_slice %arg2[%run_scoped3A_169, %add3A, %run_scoped3A_170, %dma_start3A_265, %dma_start3A_266] : memref<2x32x2x40x125xi32, #tpu.memory_space<hbm>> -> memref<1x1x1x40x125xi32, #tpu.memory_space<hbm>>
      %dma_start3A_268 = tpu.memref_squeeze %dma_start3A_267 : memref<1x1x1x40x125xi32, #tpu.memory_space<hbm>> -> memref<40x125xi32, #tpu.memory_space<hbm>>
      %dma_start3A_269 = arith.constant 0 : i32
      %dma_start3A_270 = arith.constant 0 : i32
      %dma_start3A_271 = tpu.memref_slice %arg2[%run_scoped3A_169, %add3A, %run_scoped3A_170, %dma_start3A_269, %dma_start3A_270] : memref<2x32x2x40x125xi32, #tpu.memory_space<hbm>> -> memref<1x1x1x40x125xi32, #tpu.memory_space<hbm>>
      %dma_start3A_272 = tpu.memref_squeeze %dma_start3A_271 : memref<1x1x1x40x125xi32, #tpu.memory_space<hbm>> -> memref<40x125xi32, #tpu.memory_space<hbm>>
      tpu.enqueue_dma source(%dma_start3A_272 : memref<40x125xi32, #tpu.memory_space<hbm>>) target(%arg7 : memref<40x125xi32, #tpu.memory_space<vmem>>) target_semaphore(%run_scoped3A_264 : memref<!tpu.dma_semaphore, #tpu.memory_space<semaphore_mem>>)
      %dma_wait3A_273 = arith.constant 0 : i32
      %dma_wait3A_274 = arith.constant 0 : i32
      %dma_wait3A_275 = tpu.memref_slice %arg2[%run_scoped3A_169, %add3A, %run_scoped3A_170, %dma_wait3A_273, %dma_wait3A_274] : memref<2x32x2x40x125xi32, #tpu.memory_space<hbm>> -> memref<1x1x1x40x125xi32, #tpu.memory_space<hbm>>
      %dma_wait3A_276 = tpu.memref_squeeze %dma_wait3A_275 : memref<1x1x1x40x125xi32, #tpu.memory_space<hbm>> -> memref<40x125xi32, #tpu.memory_space<hbm>>
      %dma_wait3A_277 = arith.constant 0 : i32
      %dma_wait3A_278 = arith.constant 0 : i32
      %dma_wait3A_279 = tpu.memref_slice %arg2[%run_scoped3A_169, %add3A, %run_scoped3A_170, %dma_wait3A_277, %dma_wait3A_278] : memref<2x32x2x40x125xi32, #tpu.memory_space<hbm>> -> memref<1x1x1x40x125xi32, #tpu.memory_space<hbm>>
      %dma_wait3A_280 = tpu.memref_squeeze %dma_wait3A_279 : memref<1x1x1x40x125xi32, #tpu.memory_space<hbm>> -> memref<40x125xi32, #tpu.memory_space<hbm>>
      tpu.wait_dma2 semaphore(%run_scoped3A_264 : memref<!tpu.dma_semaphore, #tpu.memory_space<semaphore_mem>>) src(%dma_wait3A_280 : memref<40x125xi32, #tpu.memory_space<hbm>>) dst(%arg7 : memref<40x125xi32, #tpu.memory_space<vmem>>)
      tpu.yield
    }) : () -> ()
    %dma_start3A_171 = arith.constant 0 : i32
    %dma_start3A_172 = arith.constant 0 : i32
    %dma_start3A_173 = tpu.memref_slice %arg6[%dma_start3A_171, %dma_start3A_172] : memref<40x125xi32, #tpu.memory_space<vmem>> -> memref<1x125xi32, #tpu.memory_space<vmem>>
    %dma_start3A_174 = tpu.memref_squeeze %dma_start3A_173 : memref<1x125xi32, #tpu.memory_space<vmem>> -> memref<125xi32, #tpu.memory_space<vmem>>
    %dma_start3A_175 = arith.constant 0 : i32
    %dma_start3A_176 = arith.constant 0 : i32
    %dma_start3A_177 = tpu.memref_slice %arg3[%dma_start3A_175, %dma_start3A_176] : memref<10000x128xf32, #tpu.memory_space<hbm>> -> memref<10000x128xf32, #tpu.memory_space<hbm>>
    tpu.enqueue_indirect_dma source(%dma_start3A_177 : memref<10000x128xf32, #tpu.memory_space<hbm>>) target(%arg8 : memref<125x128xf32, #tpu.memory_space<vmem>>) offsets(%dma_start3A_174 : memref<125xi32, #tpu.memory_space<vmem>>) semaphore(%arg12 : memref<!tpu.dma_semaphore, #tpu.memory_space<semaphore_mem>>)
    %dma_start3A_178 = arith.constant 1 : i32
    %dma_start3A_179 = arith.constant 0 : i32
    %dma_start3A_180 = tpu.memref_slice %arg6[%dma_start3A_178, %dma_start3A_179] : memref<40x125xi32, #tpu.memory_space<vmem>> -> memref<1x125xi32, #tpu.memory_space<vmem>>
    %dma_start3A_181 = tpu.memref_squeeze %dma_start3A_180 : memref<1x125xi32, #tpu.memory_space<vmem>> -> memref<125xi32, #tpu.memory_space<vmem>>
    %dma_start3A_182 = arith.constant 0 : i32
    %dma_start3A_183 = arith.constant 0 : i32
    %dma_start3A_184 = tpu.memref_slice %arg3[%dma_start3A_182, %dma_start3A_183] : memref<10000x128xf32, #tpu.memory_space<hbm>> -> memref<10000x128xf32, #tpu.memory_space<hbm>>
    tpu.enqueue_indirect_dma source(%dma_start3A_184 : memref<10000x128xf32, #tpu.memory_space<hbm>>) target(%arg9 : memref<125x128xf32, #tpu.memory_space<vmem>>) offsets(%dma_start3A_181 : memref<125xi32, #tpu.memory_space<vmem>>) semaphore(%arg13 : memref<!tpu.dma_semaphore, #tpu.memory_space<semaphore_mem>>)
    %scan3A_185 = arith.constant 0 : i32
    %scan3A_186 = arith.constant 0 : i32
    %scan3A_187 = arith.constant 19 : i32
    %scan3A_188 = arith.addi %scan3A_186, %scan3A_187 : i32
    %scan3A_189 = arith.constant 1 : i32
    %scan3A_190 = scf.for %scan3A_264 = %scan3A_186 to %scan3A_188 step %scan3A_189 iter_args(%scan3A_265 = %scan3A_185) -> (i32)  : i32 {
      %mul3A_266 = arith.constant 2 : i32
      %mul3A_267 = arith.muli %scan3A_264, %mul3A_266 : i32
      %dma_wait3A_268 = arith.constant 0 : i32
      %dma_wait3A_269 = tpu.memref_slice %arg6[%mul3A_267, %dma_wait3A_268] : memref<40x125xi32, #tpu.memory_space<vmem>> -> memref<1x125xi32, #tpu.memory_space<vmem>>
      %dma_wait3A_270 = tpu.memref_squeeze %dma_wait3A_269 : memref<1x125xi32, #tpu.memory_space<vmem>> -> memref<125xi32, #tpu.memory_space<vmem>>
      %dma_wait3A_271 = arith.constant 0 : i32
      %dma_wait3A_272 = arith.constant 0 : i32
      %dma_wait3A_273 = tpu.memref_slice %arg3[%dma_wait3A_271, %dma_wait3A_272] : memref<10000x128xf32, #tpu.memory_space<hbm>> -> memref<10000x128xf32, #tpu.memory_space<hbm>>
      tpu.wait_indirect_dma semaphore(%arg12 : memref<!tpu.dma_semaphore, #tpu.memory_space<semaphore_mem>>) src(%dma_wait3A_273 : memref<10000x128xf32, #tpu.memory_space<hbm>>) dst(%arg8 : memref<125x128xf32, #tpu.memory_space<vmem>>)
      %dma_start3A_274 = arith.constant 0 : i32
      %dma_start3A_275 = tpu.memref_slice %arg7[%mul3A_267, %dma_start3A_274] : memref<40x125xi32, #tpu.memory_space<vmem>> -> memref<1x125xi32, #tpu.memory_space<vmem>>
      %dma_start3A_276 = tpu.memref_squeeze %dma_start3A_275 : memref<1x125xi32, #tpu.memory_space<vmem>> -> memref<125xi32, #tpu.memory_space<vmem>>
      %dma_start3A_277 = arith.constant 0 : i32
      %dma_start3A_278 = arith.constant 0 : i32
      %dma_start3A_279 = tpu.memref_slice %arg11[%dma_start3A_277, %dma_start3A_278] : memref<10000x128xf32, #tpu.memory_space<vmem_shared>> -> memref<10000x128xf32, #tpu.memory_space<vmem_shared>>
      tpu.enqueue_indirect_dma source(%arg8 : memref<125x128xf32, #tpu.memory_space<vmem>>) target(%dma_start3A_279 : memref<10000x128xf32, #tpu.memory_space<vmem_shared>>) offsets(%dma_start3A_276 : memref<125xi32, #tpu.memory_space<vmem>>) semaphore(%arg14 : memref<!tpu.dma_semaphore, #tpu.memory_space<semaphore_mem>>) {add = true}
      %dma_start3A_280 = arith.constant 0 : i32
      %dma_start3A_281 = tpu.memref_slice %arg18[%dma_start3A_280] : memref<128xf32, #tpu.memory_space<vmem>> -> memref<125xf32, #tpu.memory_space<vmem>>
      %dma_start3A_282 = arith.constant 0 : i32
      %dma_start3A_283 = tpu.memref_slice %arg7[%mul3A_267, %dma_start3A_282] : memref<40x125xi32, #tpu.memory_space<vmem>> -> memref<1x125xi32, #tpu.memory_space<vmem>>
      %dma_start3A_284 = tpu.memref_squeeze %dma_start3A_283 : memref<1x125xi32, #tpu.memory_space<vmem>> -> memref<125xi32, #tpu.memory_space<vmem>>
      %dma_start3A_285 = arith.constant 0 : i32
      %dma_start3A_286 = tpu.memref_slice %arg19[%dma_start3A_285] : memref<10000xf32, #tpu.memory_space<vmem_shared>> -> memref<10000xf32, #tpu.memory_space<vmem_shared>>
      tpu.enqueue_indirect_dma source(%dma_start3A_281 : memref<125xf32, #tpu.memory_space<vmem>>) target(%dma_start3A_286 : memref<10000xf32, #tpu.memory_space<vmem_shared>>) offsets(%dma_start3A_284 : memref<125xi32, #tpu.memory_space<vmem>>) semaphore(%arg20 : memref<!tpu.dma_semaphore, #tpu.memory_space<semaphore_mem>>) {add = true}
      %add3A_287 = arith.constant 1 : i32
      %add3A_288 = arith.addi %mul3A_267, %add3A_287 : i32
      %dma_wait3A_289 = arith.constant 0 : i32
      %dma_wait3A_290 = tpu.memref_slice %arg6[%add3A_288, %dma_wait3A_289] : memref<40x125xi32, #tpu.memory_space<vmem>> -> memref<1x125xi32, #tpu.memory_space<vmem>>
      %dma_wait3A_291 = tpu.memref_squeeze %dma_wait3A_290 : memref<1x125xi32, #tpu.memory_space<vmem>> -> memref<125xi32, #tpu.memory_space<vmem>>
      %dma_wait3A_292 = arith.constant 0 : i32
      %dma_wait3A_293 = arith.constant 0 : i32
      %dma_wait3A_294 = tpu.memref_slice %arg3[%dma_wait3A_292, %dma_wait3A_293] : memref<10000x128xf32, #tpu.memory_space<hbm>> -> memref<10000x128xf32, #tpu.memory_space<hbm>>
      tpu.wait_indirect_dma semaphore(%arg13 : memref<!tpu.dma_semaphore, #tpu.memory_space<semaphore_mem>>) src(%dma_wait3A_294 : memref<10000x128xf32, #tpu.memory_space<hbm>>) dst(%arg9 : memref<125x128xf32, #tpu.memory_space<vmem>>)
      %add3A_295 = arith.constant 1 : i32
      %add3A_296 = arith.addi %mul3A_267, %add3A_295 : i32
      %dma_start3A_297 = arith.constant 0 : i32
      %dma_start3A_298 = tpu.memref_slice %arg7[%add3A_296, %dma_start3A_297] : memref<40x125xi32, #tpu.memory_space<vmem>> -> memref<1x125xi32, #tpu.memory_space<vmem>>
      %dma_start3A_299 = tpu.memref_squeeze %dma_start3A_298 : memref<1x125xi32, #tpu.memory_space<vmem>> -> memref<125xi32, #tpu.memory_space<vmem>>
      %dma_start3A_300 = arith.constant 0 : i32
      %dma_start3A_301 = arith.constant 0 : i32
      %dma_start3A_302 = tpu.memref_slice %arg11[%dma_start3A_300, %dma_start3A_301] : memref<10000x128xf32, #tpu.memory_space<vmem_shared>> -> memref<10000x128xf32, #tpu.memory_space<vmem_shared>>
      tpu.enqueue_indirect_dma source(%arg9 : memref<125x128xf32, #tpu.memory_space<vmem>>) target(%dma_start3A_302 : memref<10000x128xf32, #tpu.memory_space<vmem_shared>>) offsets(%dma_start3A_299 : memref<125xi32, #tpu.memory_space<vmem>>) semaphore(%arg15 : memref<!tpu.dma_semaphore, #tpu.memory_space<semaphore_mem>>) {add = true}
      %add3A_303 = arith.constant 1 : i32
      %add3A_304 = arith.addi %mul3A_267, %add3A_303 : i32
      %dma_start3A_305 = arith.constant 0 : i32
      %dma_start3A_306 = tpu.memref_slice %arg18[%dma_start3A_305] : memref<128xf32, #tpu.memory_space<vmem>> -> memref<125xf32, #tpu.memory_space<vmem>>
      %dma_start3A_307 = arith.constant 0 : i32
      %dma_start3A_308 = tpu.memref_slice %arg7[%add3A_304, %dma_start3A_307] : memref<40x125xi32, #tpu.memory_space<vmem>> -> memref<1x125xi32, #tpu.memory_space<vmem>>
      %dma_start3A_309 = tpu.memref_squeeze %dma_start3A_308 : memref<1x125xi32, #tpu.memory_space<vmem>> -> memref<125xi32, #tpu.memory_space<vmem>>
      %dma_start3A_310 = arith.constant 0 : i32
      %dma_start3A_311 = tpu.memref_slice %arg19[%dma_start3A_310] : memref<10000xf32, #tpu.memory_space<vmem_shared>> -> memref<10000xf32, #tpu.memory_space<vmem_shared>>
      tpu.enqueue_indirect_dma source(%dma_start3A_306 : memref<125xf32, #tpu.memory_space<vmem>>) target(%dma_start3A_311 : memref<10000xf32, #tpu.memory_space<vmem_shared>>) offsets(%dma_start3A_309 : memref<125xi32, #tpu.memory_space<vmem>>) semaphore(%arg20 : memref<!tpu.dma_semaphore, #tpu.memory_space<semaphore_mem>>) {add = true}
      %dma_wait3A_312 = arith.constant 0 : i32
      %dma_wait3A_313 = tpu.memref_slice %arg7[%mul3A_267, %dma_wait3A_312] : memref<40x125xi32, #tpu.memory_space<vmem>> -> memref<1x125xi32, #tpu.memory_space<vmem>>
      %dma_wait3A_314 = tpu.memref_squeeze %dma_wait3A_313 : memref<1x125xi32, #tpu.memory_space<vmem>> -> memref<125xi32, #tpu.memory_space<vmem>>
      %dma_wait3A_315 = arith.constant 0 : i32
      %dma_wait3A_316 = arith.constant 0 : i32
      %dma_wait3A_317 = tpu.memref_slice %arg11[%dma_wait3A_315, %dma_wait3A_316] : memref<10000x128xf32, #tpu.memory_space<vmem_shared>> -> memref<10000x128xf32, #tpu.memory_space<vmem_shared>>
      tpu.wait_indirect_dma semaphore(%arg14 : memref<!tpu.dma_semaphore, #tpu.memory_space<semaphore_mem>>) src(%arg8 : memref<125x128xf32, #tpu.memory_space<vmem>>) dst(%dma_wait3A_317 : memref<10000x128xf32, #tpu.memory_space<vmem_shared>>)
      %add3A_318 = arith.constant 2 : i32
      %add3A_319 = arith.addi %mul3A_267, %add3A_318 : i32
      %dma_start3A_320 = arith.constant 0 : i32
      %dma_start3A_321 = tpu.memref_slice %arg6[%add3A_319, %dma_start3A_320] : memref<40x125xi32, #tpu.memory_space<vmem>> -> memref<1x125xi32, #tpu.memory_space<vmem>>
      %dma_start3A_322 = tpu.memref_squeeze %dma_start3A_321 : memref<1x125xi32, #tpu.memory_space<vmem>> -> memref<125xi32, #tpu.memory_space<vmem>>
      %dma_start3A_323 = arith.constant 0 : i32
      %dma_start3A_324 = arith.constant 0 : i32
      %dma_start3A_325 = tpu.memref_slice %arg3[%dma_start3A_323, %dma_start3A_324] : memref<10000x128xf32, #tpu.memory_space<hbm>> -> memref<10000x128xf32, #tpu.memory_space<hbm>>
      tpu.enqueue_indirect_dma source(%dma_start3A_325 : memref<10000x128xf32, #tpu.memory_space<hbm>>) target(%arg8 : memref<125x128xf32, #tpu.memory_space<vmem>>) offsets(%dma_start3A_322 : memref<125xi32, #tpu.memory_space<vmem>>) semaphore(%arg12 : memref<!tpu.dma_semaphore, #tpu.memory_space<semaphore_mem>>)
      %add3A_326 = arith.constant 1 : i32
      %add3A_327 = arith.addi %mul3A_267, %add3A_326 : i32
      %dma_wait3A_328 = arith.constant 0 : i32
      %dma_wait3A_329 = tpu.memref_slice %arg7[%add3A_327, %dma_wait3A_328] : memref<40x125xi32, #tpu.memory_space<vmem>> -> memref<1x125xi32, #tpu.memory_space<vmem>>
      %dma_wait3A_330 = tpu.memref_squeeze %dma_wait3A_329 : memref<1x125xi32, #tpu.memory_space<vmem>> -> memref<125xi32, #tpu.memory_space<vmem>>
      %dma_wait3A_331 = arith.constant 0 : i32
      %dma_wait3A_332 = arith.constant 0 : i32
      %dma_wait3A_333 = tpu.memref_slice %arg11[%dma_wait3A_331, %dma_wait3A_332] : memref<10000x128xf32, #tpu.memory_space<vmem_shared>> -> memref<10000x128xf32, #tpu.memory_space<vmem_shared>>
      tpu.wait_indirect_dma semaphore(%arg15 : memref<!tpu.dma_semaphore, #tpu.memory_space<semaphore_mem>>) src(%arg9 : memref<125x128xf32, #tpu.memory_space<vmem>>) dst(%dma_wait3A_333 : memref<10000x128xf32, #tpu.memory_space<vmem_shared>>)
      %add3A_334 = arith.constant 3 : i32
      %add3A_335 = arith.addi %mul3A_267, %add3A_334 : i32
      %dma_start3A_336 = arith.constant 0 : i32
      %dma_start3A_337 = tpu.memref_slice %arg6[%add3A_335, %dma_start3A_336] : memref<40x125xi32, #tpu.memory_space<vmem>> -> memref<1x125xi32, #tpu.memory_space<vmem>>
      %dma_start3A_338 = tpu.memref_squeeze %dma_start3A_337 : memref<1x125xi32, #tpu.memory_space<vmem>> -> memref<125xi32, #tpu.memory_space<vmem>>
      %dma_start3A_339 = arith.constant 0 : i32
      %dma_start3A_340 = arith.constant 0 : i32
      %dma_start3A_341 = tpu.memref_slice %arg3[%dma_start3A_339, %dma_start3A_340] : memref<10000x128xf32, #tpu.memory_space<hbm>> -> memref<10000x128xf32, #tpu.memory_space<hbm>>
      tpu.enqueue_indirect_dma source(%dma_start3A_341 : memref<10000x128xf32, #tpu.memory_space<hbm>>) target(%arg9 : memref<125x128xf32, #tpu.memory_space<vmem>>) offsets(%dma_start3A_338 : memref<125xi32, #tpu.memory_space<vmem>>) semaphore(%arg13 : memref<!tpu.dma_semaphore, #tpu.memory_space<semaphore_mem>>)
      %scan3A_342 = arith.constant 0 : i32
      scf.yield %scan3A_342 : i32
    }
    %scan3A_191 = arith.constant 19 : i32
    %dma_wait3A_192 = arith.constant 38 : i32
    %dma_wait3A_193 = arith.constant 0 : i32
    %dma_wait3A_194 = tpu.memref_slice %arg6[%dma_wait3A_192, %dma_wait3A_193] : memref<40x125xi32, #tpu.memory_space<vmem>> -> memref<1x125xi32, #tpu.memory_space<vmem>>
    %dma_wait3A_195 = tpu.memref_squeeze %dma_wait3A_194 : memref<1x125xi32, #tpu.memory_space<vmem>> -> memref<125xi32, #tpu.memory_space<vmem>>
    %dma_wait3A_196 = arith.constant 0 : i32
    %dma_wait3A_197 = arith.constant 0 : i32
    %dma_wait3A_198 = tpu.memref_slice %arg3[%dma_wait3A_196, %dma_wait3A_197] : memref<10000x128xf32, #tpu.memory_space<hbm>> -> memref<10000x128xf32, #tpu.memory_space<hbm>>
    tpu.wait_indirect_dma semaphore(%arg12 : memref<!tpu.dma_semaphore, #tpu.memory_space<semaphore_mem>>) src(%dma_wait3A_198 : memref<10000x128xf32, #tpu.memory_space<hbm>>) dst(%arg8 : memref<125x128xf32, #tpu.memory_space<vmem>>)
    %dma_start3A_199 = arith.constant 38 : i32
    %dma_start3A_200 = arith.constant 0 : i32
    %dma_start3A_201 = tpu.memref_slice %arg7[%dma_start3A_199, %dma_start3A_200] : memref<40x125xi32, #tpu.memory_space<vmem>> -> memref<1x125xi32, #tpu.memory_space<vmem>>
    %dma_start3A_202 = tpu.memref_squeeze %dma_start3A_201 : memref<1x125xi32, #tpu.memory_space<vmem>> -> memref<125xi32, #tpu.memory_space<vmem>>
    %dma_start3A_203 = arith.constant 0 : i32
    %dma_start3A_204 = arith.constant 0 : i32
    %dma_start3A_205 = tpu.memref_slice %arg11[%dma_start3A_203, %dma_start3A_204] : memref<10000x128xf32, #tpu.memory_space<vmem_shared>> -> memref<10000x128xf32, #tpu.memory_space<vmem_shared>>
    tpu.enqueue_indirect_dma source(%arg8 : memref<125x128xf32, #tpu.memory_space<vmem>>) target(%dma_start3A_205 : memref<10000x128xf32, #tpu.memory_space<vmem_shared>>) offsets(%dma_start3A_202 : memref<125xi32, #tpu.memory_space<vmem>>) semaphore(%arg14 : memref<!tpu.dma_semaphore, #tpu.memory_space<semaphore_mem>>) {add = true}
    %dma_start3A_206 = arith.constant 38 : i32
    %dma_start3A_207 = arith.constant 0 : i32
    %dma_start3A_208 = tpu.memref_slice %arg18[%dma_start3A_207] : memref<128xf32, #tpu.memory_space<vmem>> -> memref<125xf32, #tpu.memory_space<vmem>>
    %dma_start3A_209 = arith.constant 0 : i32
    %dma_start3A_210 = tpu.memref_slice %arg7[%dma_start3A_206, %dma_start3A_209] : memref<40x125xi32, #tpu.memory_space<vmem>> -> memref<1x125xi32, #tpu.memory_space<vmem>>
    %dma_start3A_211 = tpu.memref_squeeze %dma_start3A_210 : memref<1x125xi32, #tpu.memory_space<vmem>> -> memref<125xi32, #tpu.memory_space<vmem>>
    %dma_start3A_212 = arith.constant 0 : i32
    %dma_start3A_213 = tpu.memref_slice %arg19[%dma_start3A_212] : memref<10000xf32, #tpu.memory_space<vmem_shared>> -> memref<10000xf32, #tpu.memory_space<vmem_shared>>
    tpu.enqueue_indirect_dma source(%dma_start3A_208 : memref<125xf32, #tpu.memory_space<vmem>>) target(%dma_start3A_213 : memref<10000xf32, #tpu.memory_space<vmem_shared>>) offsets(%dma_start3A_211 : memref<125xi32, #tpu.memory_space<vmem>>) semaphore(%arg20 : memref<!tpu.dma_semaphore, #tpu.memory_space<semaphore_mem>>) {add = true}
    %dma_wait3A_214 = arith.constant 39 : i32
    %dma_wait3A_215 = arith.constant 0 : i32
    %dma_wait3A_216 = tpu.memref_slice %arg6[%dma_wait3A_214, %dma_wait3A_215] : memref<40x125xi32, #tpu.memory_space<vmem>> -> memref<1x125xi32, #tpu.memory_space<vmem>>
    %dma_wait3A_217 = tpu.memref_squeeze %dma_wait3A_216 : memref<1x125xi32, #tpu.memory_space<vmem>> -> memref<125xi32, #tpu.memory_space<vmem>>
    %dma_wait3A_218 = arith.constant 0 : i32
    %dma_wait3A_219 = arith.constant 0 : i32
    %dma_wait3A_220 = tpu.memref_slice %arg3[%dma_wait3A_218, %dma_wait3A_219] : memref<10000x128xf32, #tpu.memory_space<hbm>> -> memref<10000x128xf32, #tpu.memory_space<hbm>>
    tpu.wait_indirect_dma semaphore(%arg13 : memref<!tpu.dma_semaphore, #tpu.memory_space<semaphore_mem>>) src(%dma_wait3A_220 : memref<10000x128xf32, #tpu.memory_space<hbm>>) dst(%arg9 : memref<125x128xf32, #tpu.memory_space<vmem>>)
    %dma_start3A_221 = arith.constant 39 : i32
    %dma_start3A_222 = arith.constant 0 : i32
    %dma_start3A_223 = tpu.memref_slice %arg7[%dma_start3A_221, %dma_start3A_222] : memref<40x125xi32, #tpu.memory_space<vmem>> -> memref<1x125xi32, #tpu.memory_space<vmem>>
    %dma_start3A_224 = tpu.memref_squeeze %dma_start3A_223 : memref<1x125xi32, #tpu.memory_space<vmem>> -> memref<125xi32, #tpu.memory_space<vmem>>
    %dma_start3A_225 = arith.constant 0 : i32
    %dma_start3A_226 = arith.constant 0 : i32
    %dma_start3A_227 = tpu.memref_slice %arg11[%dma_start3A_225, %dma_start3A_226] : memref<10000x128xf32, #tpu.memory_space<vmem_shared>> -> memref<10000x128xf32, #tpu.memory_space<vmem_shared>>
    tpu.enqueue_indirect_dma source(%arg9 : memref<125x128xf32, #tpu.memory_space<vmem>>) target(%dma_start3A_227 : memref<10000x128xf32, #tpu.memory_space<vmem_shared>>) offsets(%dma_start3A_224 : memref<125xi32, #tpu.memory_space<vmem>>) semaphore(%arg15 : memref<!tpu.dma_semaphore, #tpu.memory_space<semaphore_mem>>) {add = true}
    %dma_start3A_228 = arith.constant 39 : i32
    %dma_start3A_229 = arith.constant 0 : i32
    %dma_start3A_230 = tpu.memref_slice %arg18[%dma_start3A_229] : memref<128xf32, #tpu.memory_space<vmem>> -> memref<125xf32, #tpu.memory_space<vmem>>
    %dma_start3A_231 = arith.constant 0 : i32
    %dma_start3A_232 = tpu.memref_slice %arg7[%dma_start3A_228, %dma_start3A_231] : memref<40x125xi32, #tpu.memory_space<vmem>> -> memref<1x125xi32, #tpu.memory_space<vmem>>
    %dma_start3A_233 = tpu.memref_squeeze %dma_start3A_232 : memref<1x125xi32, #tpu.memory_space<vmem>> -> memref<125xi32, #tpu.memory_space<vmem>>
    %dma_start3A_234 = arith.constant 0 : i32
    %dma_start3A_235 = tpu.memref_slice %arg19[%dma_start3A_234] : memref<10000xf32, #tpu.memory_space<vmem_shared>> -> memref<10000xf32, #tpu.memory_space<vmem_shared>>
    tpu.enqueue_indirect_dma source(%dma_start3A_230 : memref<125xf32, #tpu.memory_space<vmem>>) target(%dma_start3A_235 : memref<10000xf32, #tpu.memory_space<vmem_shared>>) offsets(%dma_start3A_233 : memref<125xi32, #tpu.memory_space<vmem>>) semaphore(%arg20 : memref<!tpu.dma_semaphore, #tpu.memory_space<semaphore_mem>>) {add = true}
    %dma_wait3A_236 = arith.constant 38 : i32
    %dma_wait3A_237 = arith.constant 0 : i32
    %dma_wait3A_238 = tpu.memref_slice %arg7[%dma_wait3A_236, %dma_wait3A_237] : memref<40x125xi32, #tpu.memory_space<vmem>> -> memref<1x125xi32, #tpu.memory_space<vmem>>
    %dma_wait3A_239 = tpu.memref_squeeze %dma_wait3A_238 : memref<1x125xi32, #tpu.memory_space<vmem>> -> memref<125xi32, #tpu.memory_space<vmem>>
    %dma_wait3A_240 = arith.constant 0 : i32
    %dma_wait3A_241 = arith.constant 0 : i32
    %dma_wait3A_242 = tpu.memref_slice %arg11[%dma_wait3A_240, %dma_wait3A_241] : memref<10000x128xf32, #tpu.memory_space<vmem_shared>> -> memref<10000x128xf32, #tpu.memory_space<vmem_shared>>
    tpu.wait_indirect_dma semaphore(%arg14 : memref<!tpu.dma_semaphore, #tpu.memory_space<semaphore_mem>>) src(%arg8 : memref<125x128xf32, #tpu.memory_space<vmem>>) dst(%dma_wait3A_242 : memref<10000x128xf32, #tpu.memory_space<vmem_shared>>)
    %dma_wait3A_243 = arith.constant 39 : i32
    %dma_wait3A_244 = arith.constant 0 : i32
    %dma_wait3A_245 = tpu.memref_slice %arg7[%dma_wait3A_243, %dma_wait3A_244] : memref<40x125xi32, #tpu.memory_space<vmem>> -> memref<1x125xi32, #tpu.memory_space<vmem>>
    %dma_wait3A_246 = tpu.memref_squeeze %dma_wait3A_245 : memref<1x125xi32, #tpu.memory_space<vmem>> -> memref<125xi32, #tpu.memory_space<vmem>>
    %dma_wait3A_247 = arith.constant 0 : i32
    %dma_wait3A_248 = arith.constant 0 : i32
    %dma_wait3A_249 = tpu.memref_slice %arg11[%dma_wait3A_247, %dma_wait3A_248] : memref<10000x128xf32, #tpu.memory_space<vmem_shared>> -> memref<10000x128xf32, #tpu.memory_space<vmem_shared>>
    tpu.wait_indirect_dma semaphore(%arg15 : memref<!tpu.dma_semaphore, #tpu.memory_space<semaphore_mem>>) src(%arg9 : memref<125x128xf32, #tpu.memory_space<vmem>>) dst(%dma_wait3A_249 : memref<10000x128xf32, #tpu.memory_space<vmem_shared>>)
    %scan3A_250 = arith.constant 0 : i32
    %scan3A_251 = arith.constant 0 : i32
    %scan3A_252 = arith.constant 40 : i32
    %scan3A_253 = arith.addi %scan3A_251, %scan3A_252 : i32
    %scan3A_254 = arith.constant 1 : i32
    %scan3A_255 = scf.for %scan3A_264 = %scan3A_251 to %scan3A_253 step %scan3A_254 iter_args(%scan3A_265 = %scan3A_250) -> (i32)  : i32 {
      %dma_wait3A_266 = arith.constant 0 : i32
      %dma_wait3A_267 = tpu.memref_slice %arg18[%dma_wait3A_266] : memref<128xf32, #tpu.memory_space<vmem>> -> memref<125xf32, #tpu.memory_space<vmem>>
      %dma_wait3A_268 = arith.constant 0 : i32
      %dma_wait3A_269 = tpu.memref_slice %arg7[%scan3A_264, %dma_wait3A_268] : memref<40x125xi32, #tpu.memory_space<vmem>> -> memref<1x125xi32, #tpu.memory_space<vmem>>
      %dma_wait3A_270 = tpu.memref_squeeze %dma_wait3A_269 : memref<1x125xi32, #tpu.memory_space<vmem>> -> memref<125xi32, #tpu.memory_space<vmem>>
      %dma_wait3A_271 = arith.constant 0 : i32
      %dma_wait3A_272 = tpu.memref_slice %arg19[%dma_wait3A_271] : memref<10000xf32, #tpu.memory_space<vmem_shared>> -> memref<10000xf32, #tpu.memory_space<vmem_shared>>
      tpu.wait_indirect_dma semaphore(%arg20 : memref<!tpu.dma_semaphore, #tpu.memory_space<semaphore_mem>>) src(%dma_wait3A_267 : memref<125xf32, #tpu.memory_space<vmem>>) dst(%dma_wait3A_272 : memref<10000xf32, #tpu.memory_space<vmem_shared>>)
      %scan3A_273 = arith.constant 0 : i32
      scf.yield %scan3A_273 : i32
    }
    %scan3A_256 = arith.constant 40 : i32
    %barrier3A_257 = arith.constant 0 : index
    tpu.barrier barrier_id(%barrier3A_257)
    "tpu.region"() ({
      %run_scoped3A_264 = tpu.sem_alloc : memref<!tpu.dma_semaphore, #tpu.memory_space<semaphore_mem>>
      %dma_start3A_265 = arith.constant 0 : i32
      %dma_start3A_266 = tpu.memref_slice %arg4[%arg0, %multiple_of3A, %dma_start3A_265] : memref<2x10000x128xf32, #tpu.memory_space<hbm>> -> memref<1x640x128xf32, #tpu.memory_space<hbm>>
      %dma_start3A_267 = tpu.memref_squeeze %dma_start3A_266 : memref<1x640x128xf32, #tpu.memory_space<hbm>> -> memref<640x128xf32, #tpu.memory_space<hbm>>
      %dma_start3A_268 = arith.constant 0 : i32
      %dma_start3A_269 = tpu.memref_slice %arg11[%multiple_of3A, %dma_start3A_268] : memref<10000x128xf32, #tpu.memory_space<vmem_shared>> -> memref<640x128xf32, #tpu.memory_space<vmem_shared>>
      tpu.enqueue_dma source(%dma_start3A_269 : memref<640x128xf32, #tpu.memory_space<vmem_shared>>) target(%dma_start3A_267 : memref<640x128xf32, #tpu.memory_space<hbm>>) target_semaphore(%run_scoped3A_264 : memref<!tpu.dma_semaphore, #tpu.memory_space<semaphore_mem>>)
      %dma_wait3A_270 = arith.constant 0 : i32
      %dma_wait3A_271 = tpu.memref_slice %arg4[%arg0, %multiple_of3A, %dma_wait3A_270] : memref<2x10000x128xf32, #tpu.memory_space<hbm>> -> memref<1x640x128xf32, #tpu.memory_space<hbm>>
      %dma_wait3A_272 = tpu.memref_squeeze %dma_wait3A_271 : memref<1x640x128xf32, #tpu.memory_space<hbm>> -> memref<640x128xf32, #tpu.memory_space<hbm>>
      %dma_wait3A_273 = arith.constant 0 : i32
      %dma_wait3A_274 = tpu.memref_slice %arg11[%multiple_of3A, %dma_wait3A_273] : memref<10000x128xf32, #tpu.memory_space<vmem_shared>> -> memref<640x128xf32, #tpu.memory_space<vmem_shared>>
      tpu.wait_dma2 semaphore(%run_scoped3A_264 : memref<!tpu.dma_semaphore, #tpu.memory_space<semaphore_mem>>) src(%dma_wait3A_274 : memref<640x128xf32, #tpu.memory_space<vmem_shared>>) dst(%dma_wait3A_272 : memref<640x128xf32, #tpu.memory_space<hbm>>)
      tpu.yield
    }) : () -> ()
    "tpu.region"() ({
      %run_scoped3A_264 = tpu.sem_alloc : memref<!tpu.dma_semaphore, #tpu.memory_space<semaphore_mem>>
      %dma_start3A_265 = tpu.memref_slice %arg19[%multiple_of3A] : memref<10000xf32, #tpu.memory_space<vmem_shared>> -> memref<640xf32, #tpu.memory_space<vmem_shared>>
      %dma_start3A_266 = tpu.memref_slice %arg19[%multiple_of3A] : memref<10000xf32, #tpu.memory_space<vmem_shared>> -> memref<640xf32, #tpu.memory_space<vmem_shared>>
      tpu.enqueue_dma source(%dma_start3A_266 : memref<640xf32, #tpu.memory_space<vmem_shared>>) target(%arg17 : memref<640xf32, #tpu.memory_space<vmem>>) target_semaphore(%run_scoped3A_264 : memref<!tpu.dma_semaphore, #tpu.memory_space<semaphore_mem>>)
      %dma_wait3A_267 = tpu.memref_slice %arg19[%multiple_of3A] : memref<10000xf32, #tpu.memory_space<vmem_shared>> -> memref<640xf32, #tpu.memory_space<vmem_shared>>
      %dma_wait3A_268 = tpu.memref_slice %arg19[%multiple_of3A] : memref<10000xf32, #tpu.memory_space<vmem_shared>> -> memref<640xf32, #tpu.memory_space<vmem_shared>>
      tpu.wait_dma2 semaphore(%run_scoped3A_264 : memref<!tpu.dma_semaphore, #tpu.memory_space<semaphore_mem>>) src(%dma_wait3A_268 : memref<640xf32, #tpu.memory_space<vmem_shared>>) dst(%arg17 : memref<640xf32, #tpu.memory_space<vmem>>)
      tpu.yield
    }) : () -> ()
    %mul3A_258 = arith.constant 10000 : i32
    %mul3A_259 = arith.muli %arg0, %mul3A_258 : i32
    %mul3A_260 = arith.constant 624 : i32
    %mul3A_261 = arith.muli %arg1, %mul3A_260 : i32
    %add3A_262 = arith.addi %mul3A_259, %mul3A_261 : i32
    %multiple_of3A_263 = tpu.assume_multiple %add3A_262, 8 : i32
    "tpu.region"() ({
      %run_scoped3A_264 = tpu.sem_alloc : memref<!tpu.dma_semaphore, #tpu.memory_space<semaphore_mem>>
      %dma_start3A_265 = tpu.memref_slice %arg5[%multiple_of3A_263] : memref<20000xf32, #tpu.memory_space<hbm>> -> memref<640xf32, #tpu.memory_space<hbm>>
      %dma_start3A_266 = tpu.memref_slice %arg5[%multiple_of3A_263] : memref<20000xf32, #tpu.memory_space<hbm>> -> memref<640xf32, #tpu.memory_space<hbm>>
      tpu.enqueue_dma source(%arg17 : memref<640xf32, #tpu.memory_space<vmem>>) target(%dma_start3A_266 : memref<640xf32, #tpu.memory_space<hbm>>) target_semaphore(%run_scoped3A_264 : memref<!tpu.dma_semaphore, #tpu.memory_space<semaphore_mem>>)
      %dma_wait3A_267 = tpu.memref_slice %arg5[%multiple_of3A_263] : memref<20000xf32, #tpu.memory_space<hbm>> -> memref<640xf32, #tpu.memory_space<hbm>>
      %dma_wait3A_268 = tpu.memref_slice %arg5[%multiple_of3A_263] : memref<20000xf32, #tpu.memory_space<hbm>> -> memref<640xf32, #tpu.memory_space<hbm>>
      tpu.wait_dma2 semaphore(%run_scoped3A_264 : memref<!tpu.dma_semaphore, #tpu.memory_space<semaphore_mem>>) src(%arg17 : memref<640xf32, #tpu.memory_space<vmem>>) dst(%dma_wait3A_268 : memref<640xf32, #tpu.memory_space<hbm>>)
      tpu.yield
    }) : () -> ()
    return
  }
}

#map = affine_map<(d0, d1) -> (0, 0, 0, 0, 0)>
#map1 = affine_map<(d0, d1) -> (0, 0)>
#map2 = affine_map<(d0, d1) -> (0, 0, 0)>
module attributes {stable_mosaic.version = 14 : i64} {
  func.func @agg_kernel(%arg0: i32, %arg1: i32, %arg2: memref<2x32x2x40x125xi32, #tpu.memory_space<hbm>>, %arg3: memref<10000x128xf32, #tpu.memory_space<hbm>>, %arg4: memref<2x10000x128xf32, #tpu.memory_space<hbm>>, %arg5: memref<40x125xi32, #tpu.memory_space<vmem>>, %arg6: memref<40x125xi32, #tpu.memory_space<vmem>>, %arg7: memref<125x128xf32, #tpu.memory_space<vmem>>, %arg8: memref<125x128xf32, #tpu.memory_space<vmem>>, %arg9: memref<40x128xf32, #tpu.memory_space<vmem>>, %arg10: memref<10000x128xf32, #tpu.memory_space<vmem_shared>>, %arg11: memref<!tpu.dma_semaphore, #tpu.memory_space<semaphore_mem>>, %arg12: memref<!tpu.dma_semaphore, #tpu.memory_space<semaphore_mem>>, %arg13: memref<!tpu.dma_semaphore, #tpu.memory_space<semaphore_mem>>, %arg14: memref<!tpu.dma_semaphore, #tpu.memory_space<semaphore_mem>>, %arg15: memref<!tpu.dma_semaphore, #tpu.memory_space<semaphore_mem>>) attributes {dimension_semantics = [#tpu.dimension_semantics<core_parallel>, #tpu.dimension_semantics<subcore_parallel>], iteration_bounds = array<i64: 2, 16>, scalar_prefetch = 0 : i64, scratch_operands = 11 : i64, tpu.core_type = #tpu.core_type<sc_vector_subcore>, window_params = [{transform_indices = #map}, {transform_indices = #map1}, {transform_indices = #map2}]} {
    %mul3A = arith.constant 2 : i32
    %mul3A_0 = arith.muli %arg1, %mul3A : i32
    %add3A = arith.addi %mul3A_0, %arg0 : i32
    %scan3A = arith.constant 0 : i32
    %scan3A_1 = arith.constant 0 : i32
    %scan3A_2 = arith.constant 320 : i32
    %scan3A_3 = arith.addi %scan3A_1, %scan3A_2 : i32
    %scan3A_4 = arith.constant 1 : i32
    %scan3A_5 = scf.for %scan3A_155 = %scan3A_1 to %scan3A_3 step %scan3A_4 iter_args(%scan3A_156 = %scan3A) -> (i32)  : i32 {
      %broadcast_in_dim3A = arith.constant 0.000000e+00 : f32
      %broadcast_in_dim3A_157 = vector.broadcast %broadcast_in_dim3A : f32 to vector<16xf32>
      %jit3A = arith.constant 8 : i32
      %div3A = arith.divsi %scan3A_155, %jit3A : i32
      %sign3A = arith.constant 0 : i32
      %sign3A_158 = arith.cmpi sgt, %scan3A_155, %sign3A : i32
      %sign3A_159 = arith.extui %sign3A_158 : i1 to i32
      %sign3A_160 = arith.constant 0 : i32
      %sign3A_161 = arith.cmpi slt, %scan3A_155, %sign3A_160 : i32
      %sign3A_162 = arith.extui %sign3A_161 : i1 to i32
      %sign3A_163 = arith.subi %sign3A_159, %sign3A_162 : i32
      %sign3A_164 = arith.constant 0 : i32
      %sign3A_165 = arith.cmpi sgt, %jit3A, %sign3A_164 : i32
      %sign3A_166 = arith.extui %sign3A_165 : i1 to i32
      %sign3A_167 = arith.constant 0 : i32
      %sign3A_168 = arith.cmpi slt, %jit3A, %sign3A_167 : i32
      %sign3A_169 = arith.extui %sign3A_168 : i1 to i32
      %sign3A_170 = arith.subi %sign3A_166, %sign3A_169 : i32
      %ne3A = arith.cmpi ne, %sign3A_163, %sign3A_170 : i32
      %rem3A = arith.remsi %scan3A_155, %jit3A : i32
      %ne3A_171 = arith.constant 0 : i32
      %ne3A_172 = arith.cmpi ne, %rem3A, %ne3A_171 : i32
      %and3A = arith.andi %ne3A, %ne3A_172 : i1
      %sub3A = arith.constant 1 : i32
      %sub3A_173 = arith.subi %div3A, %sub3A : i32
      %select_n3A = arith.select %and3A, %sub3A_173, %div3A : i32
      %jit3A_174 = arith.constant 8 : i32
      %eq3A = arith.constant 0 : i32
      %eq3A_175 = arith.cmpi eq, %jit3A_174, %eq3A : i32
      %jit3A_176 = arith.constant 1 : i32
      %select_n3A_177 = arith.select %eq3A_175, %jit3A_176, %jit3A_174 : i32
      %rem3A_178 = arith.remsi %scan3A_155, %select_n3A_177 : i32
      %ne3A_179 = arith.constant 0 : i32
      %ne3A_180 = arith.cmpi ne, %rem3A_178, %ne3A_179 : i32
      %lt3A = arith.constant 0 : i32
      %lt3A_181 = arith.cmpi slt, %rem3A_178, %lt3A : i32
      %lt3A_182 = arith.constant 0 : i32
      %lt3A_183 = arith.cmpi slt, %select_n3A_177, %lt3A_182 : i32
      %ne3A_184 = arith.xori %lt3A_181, %lt3A_183 : i1
      %and3A_185 = arith.andi %ne3A_184, %ne3A_180 : i1
      %add3A_186 = arith.addi %rem3A_178, %select_n3A_177 : i32
      %select_n3A_187 = arith.select %and3A_185, %add3A_186, %rem3A_178 : i32
      %mul3A_188 = arith.constant 16 : i32
      %mul3A_189 = arith.muli %select_n3A_187, %mul3A_188 : i32
      %swap3A = arith.index_cast %select_n3A : i32 to index
      %swap3A_190 = arith.index_cast %mul3A_189 : i32 to index
      %swap3A_191 = tpu.vector_load %arg9[%swap3A, %swap3A_190] {strides = array<i32>} : memref<40x128xf32, #tpu.memory_space<vmem>>, vector<1x16xf32>,
      %swap3A_192 = vector.shape_cast %swap3A_191 : vector<1x16xf32> to vector<16xf32>
      %swap3A_193 = vector.shape_cast %broadcast_in_dim3A_157 : vector<16xf32> to vector<1x16xf32>
      tpu.vector_store %arg9[%swap3A, %swap3A_190], %swap3A_193 {strides = array<i32>} : memref<40x128xf32, #tpu.memory_space<vmem>>, vector<1x16xf32>,
      %scan3A_194 = arith.constant 0 : i32
      scf.yield %scan3A_194 : i32
    }
    %scan3A_6 = arith.constant 320 : i32
    %mul3A_7 = arith.constant 624 : i32
    %mul3A_8 = arith.muli %arg1, %mul3A_7 : i32
    %multiple_of3A = tpu.assume_multiple %mul3A_8, 8 : i32
    %scan3A_9 = arith.constant 0 : i32
    %scan3A_10 = arith.constant 0 : i32
    %scan3A_11 = arith.constant 16 : i32
    %scan3A_12 = arith.addi %scan3A_10, %scan3A_11 : i32
    %scan3A_13 = arith.constant 1 : i32
    %scan3A_14 = scf.for %scan3A_155 = %scan3A_10 to %scan3A_12 step %scan3A_13 iter_args(%scan3A_156 = %scan3A_9) -> (i32)  : i32 {
      %mul3A_157 = arith.constant 624 : i32
      %mul3A_158 = arith.muli %arg1, %mul3A_157 : i32
      %mul3A_159 = arith.constant 40 : i32
      %mul3A_160 = arith.muli %scan3A_155, %mul3A_159 : i32
      %add3A_161 = arith.addi %mul3A_158, %mul3A_160 : i32
      %multiple_of3A_162 = tpu.assume_multiple %add3A_161, 8 : i32
      %dma_start3A_163 = arith.constant 0 : i32
      %dma_start3A_164 = tpu.memref_slice %arg10[%multiple_of3A_162, %dma_start3A_163] : memref<10000x128xf32, #tpu.memory_space<vmem_shared>> -> memref<40x128xf32, #tpu.memory_space<vmem_shared>>
      %dma_start3A_165 = arith.constant 0 : i32
      %dma_start3A_166 = tpu.memref_slice %arg10[%multiple_of3A_162, %dma_start3A_165] : memref<10000x128xf32, #tpu.memory_space<vmem_shared>> -> memref<40x128xf32, #tpu.memory_space<vmem_shared>>
      tpu.enqueue_dma source(%arg9 : memref<40x128xf32, #tpu.memory_space<vmem>>) target(%dma_start3A_166 : memref<40x128xf32, #tpu.memory_space<vmem_shared>>) target_semaphore(%arg15 : memref<!tpu.dma_semaphore, #tpu.memory_space<semaphore_mem>>)
      %scan3A_167 = arith.constant 0 : i32
      scf.yield %scan3A_167 : i32
    }
    %scan3A_15 = arith.constant 16 : i32
    %run_scoped3A = arith.constant 0 : i32
    %run_scoped3A_16 = arith.constant 0 : i32
    "tpu.region"() ({
      %run_scoped3A_155 = tpu.sem_alloc : memref<!tpu.dma_semaphore, #tpu.memory_space<semaphore_mem>>
      %dma_start3A_156 = arith.constant 0 : i32
      %dma_start3A_157 = arith.constant 0 : i32
      %dma_start3A_158 = tpu.memref_slice %arg2[%run_scoped3A, %add3A, %run_scoped3A_16, %dma_start3A_156, %dma_start3A_157] : memref<2x32x2x40x125xi32, #tpu.memory_space<hbm>> -> memref<1x1x1x40x125xi32, #tpu.memory_space<hbm>>
      %dma_start3A_159 = tpu.memref_squeeze %dma_start3A_158 : memref<1x1x1x40x125xi32, #tpu.memory_space<hbm>> -> memref<40x125xi32, #tpu.memory_space<hbm>>
      %dma_start3A_160 = arith.constant 0 : i32
      %dma_start3A_161 = arith.constant 0 : i32
      %dma_start3A_162 = tpu.memref_slice %arg2[%run_scoped3A, %add3A, %run_scoped3A_16, %dma_start3A_160, %dma_start3A_161] : memref<2x32x2x40x125xi32, #tpu.memory_space<hbm>> -> memref<1x1x1x40x125xi32, #tpu.memory_space<hbm>>
      %dma_start3A_163 = tpu.memref_squeeze %dma_start3A_162 : memref<1x1x1x40x125xi32, #tpu.memory_space<hbm>> -> memref<40x125xi32, #tpu.memory_space<hbm>>
      tpu.enqueue_dma source(%dma_start3A_163 : memref<40x125xi32, #tpu.memory_space<hbm>>) target(%arg5 : memref<40x125xi32, #tpu.memory_space<vmem>>) target_semaphore(%run_scoped3A_155 : memref<!tpu.dma_semaphore, #tpu.memory_space<semaphore_mem>>)
      %dma_wait3A_164 = arith.constant 0 : i32
      %dma_wait3A_165 = arith.constant 0 : i32
      %dma_wait3A_166 = tpu.memref_slice %arg2[%run_scoped3A, %add3A, %run_scoped3A_16, %dma_wait3A_164, %dma_wait3A_165] : memref<2x32x2x40x125xi32, #tpu.memory_space<hbm>> -> memref<1x1x1x40x125xi32, #tpu.memory_space<hbm>>
      %dma_wait3A_167 = tpu.memref_squeeze %dma_wait3A_166 : memref<1x1x1x40x125xi32, #tpu.memory_space<hbm>> -> memref<40x125xi32, #tpu.memory_space<hbm>>
      %dma_wait3A_168 = arith.constant 0 : i32
      %dma_wait3A_169 = arith.constant 0 : i32
      %dma_wait3A_170 = tpu.memref_slice %arg2[%run_scoped3A, %add3A, %run_scoped3A_16, %dma_wait3A_168, %dma_wait3A_169] : memref<2x32x2x40x125xi32, #tpu.memory_space<hbm>> -> memref<1x1x1x40x125xi32, #tpu.memory_space<hbm>>
      %dma_wait3A_171 = tpu.memref_squeeze %dma_wait3A_170 : memref<1x1x1x40x125xi32, #tpu.memory_space<hbm>> -> memref<40x125xi32, #tpu.memory_space<hbm>>
      tpu.wait_dma2 semaphore(%run_scoped3A_155 : memref<!tpu.dma_semaphore, #tpu.memory_space<semaphore_mem>>) src(%dma_wait3A_171 : memref<40x125xi32, #tpu.memory_space<hbm>>) dst(%arg5 : memref<40x125xi32, #tpu.memory_space<vmem>>)
      tpu.yield
    }) : () -> ()
    %run_scoped3A_17 = arith.constant 1 : i32
    %run_scoped3A_18 = arith.constant 0 : i32
    "tpu.region"() ({
      %run_scoped3A_155 = tpu.sem_alloc : memref<!tpu.dma_semaphore, #tpu.memory_space<semaphore_mem>>
      %dma_start3A_156 = arith.constant 0 : i32
      %dma_start3A_157 = arith.constant 0 : i32
      %dma_start3A_158 = tpu.memref_slice %arg2[%run_scoped3A_17, %add3A, %run_scoped3A_18, %dma_start3A_156, %dma_start3A_157] : memref<2x32x2x40x125xi32, #tpu.memory_space<hbm>> -> memref<1x1x1x40x125xi32, #tpu.memory_space<hbm>>
      %dma_start3A_159 = tpu.memref_squeeze %dma_start3A_158 : memref<1x1x1x40x125xi32, #tpu.memory_space<hbm>> -> memref<40x125xi32, #tpu.memory_space<hbm>>
      %dma_start3A_160 = arith.constant 0 : i32
      %dma_start3A_161 = arith.constant 0 : i32
      %dma_start3A_162 = tpu.memref_slice %arg2[%run_scoped3A_17, %add3A, %run_scoped3A_18, %dma_start3A_160, %dma_start3A_161] : memref<2x32x2x40x125xi32, #tpu.memory_space<hbm>> -> memref<1x1x1x40x125xi32, #tpu.memory_space<hbm>>
      %dma_start3A_163 = tpu.memref_squeeze %dma_start3A_162 : memref<1x1x1x40x125xi32, #tpu.memory_space<hbm>> -> memref<40x125xi32, #tpu.memory_space<hbm>>
      tpu.enqueue_dma source(%dma_start3A_163 : memref<40x125xi32, #tpu.memory_space<hbm>>) target(%arg6 : memref<40x125xi32, #tpu.memory_space<vmem>>) target_semaphore(%run_scoped3A_155 : memref<!tpu.dma_semaphore, #tpu.memory_space<semaphore_mem>>)
      %dma_wait3A_164 = arith.constant 0 : i32
      %dma_wait3A_165 = arith.constant 0 : i32
      %dma_wait3A_166 = tpu.memref_slice %arg2[%run_scoped3A_17, %add3A, %run_scoped3A_18, %dma_wait3A_164, %dma_wait3A_165] : memref<2x32x2x40x125xi32, #tpu.memory_space<hbm>> -> memref<1x1x1x40x125xi32, #tpu.memory_space<hbm>>
      %dma_wait3A_167 = tpu.memref_squeeze %dma_wait3A_166 : memref<1x1x1x40x125xi32, #tpu.memory_space<hbm>> -> memref<40x125xi32, #tpu.memory_space<hbm>>
      %dma_wait3A_168 = arith.constant 0 : i32
      %dma_wait3A_169 = arith.constant 0 : i32
      %dma_wait3A_170 = tpu.memref_slice %arg2[%run_scoped3A_17, %add3A, %run_scoped3A_18, %dma_wait3A_168, %dma_wait3A_169] : memref<2x32x2x40x125xi32, #tpu.memory_space<hbm>> -> memref<1x1x1x40x125xi32, #tpu.memory_space<hbm>>
      %dma_wait3A_171 = tpu.memref_squeeze %dma_wait3A_170 : memref<1x1x1x40x125xi32, #tpu.memory_space<hbm>> -> memref<40x125xi32, #tpu.memory_space<hbm>>
      tpu.wait_dma2 semaphore(%run_scoped3A_155 : memref<!tpu.dma_semaphore, #tpu.memory_space<semaphore_mem>>) src(%dma_wait3A_171 : memref<40x125xi32, #tpu.memory_space<hbm>>) dst(%arg6 : memref<40x125xi32, #tpu.memory_space<vmem>>)
      tpu.yield
    }) : () -> ()
    %dma_start3A = arith.constant 0 : i32
    %dma_start3A_19 = arith.constant 0 : i32
    %dma_start3A_20 = tpu.memref_slice %arg5[%dma_start3A, %dma_start3A_19] : memref<40x125xi32, #tpu.memory_space<vmem>> -> memref<1x125xi32, #tpu.memory_space<vmem>>
    %dma_start3A_21 = tpu.memref_squeeze %dma_start3A_20 : memref<1x125xi32, #tpu.memory_space<vmem>> -> memref<125xi32, #tpu.memory_space<vmem>>
    %dma_start3A_22 = arith.constant 0 : i32
    %dma_start3A_23 = arith.constant 0 : i32
    %dma_start3A_24 = tpu.memref_slice %arg3[%dma_start3A_22, %dma_start3A_23] : memref<10000x128xf32, #tpu.memory_space<hbm>> -> memref<10000x128xf32, #tpu.memory_space<hbm>>
    tpu.enqueue_indirect_dma source(%dma_start3A_24 : memref<10000x128xf32, #tpu.memory_space<hbm>>) target(%arg7 : memref<125x128xf32, #tpu.memory_space<vmem>>) offsets(%dma_start3A_21 : memref<125xi32, #tpu.memory_space<vmem>>) semaphore(%arg11 : memref<!tpu.dma_semaphore, #tpu.memory_space<semaphore_mem>>)
    %dma_start3A_25 = arith.constant 1 : i32
    %dma_start3A_26 = arith.constant 0 : i32
    %dma_start3A_27 = tpu.memref_slice %arg5[%dma_start3A_25, %dma_start3A_26] : memref<40x125xi32, #tpu.memory_space<vmem>> -> memref<1x125xi32, #tpu.memory_space<vmem>>
    %dma_start3A_28 = tpu.memref_squeeze %dma_start3A_27 : memref<1x125xi32, #tpu.memory_space<vmem>> -> memref<125xi32, #tpu.memory_space<vmem>>
    %dma_start3A_29 = arith.constant 0 : i32
    %dma_start3A_30 = arith.constant 0 : i32
    %dma_start3A_31 = tpu.memref_slice %arg3[%dma_start3A_29, %dma_start3A_30] : memref<10000x128xf32, #tpu.memory_space<hbm>> -> memref<10000x128xf32, #tpu.memory_space<hbm>>
    tpu.enqueue_indirect_dma source(%dma_start3A_31 : memref<10000x128xf32, #tpu.memory_space<hbm>>) target(%arg8 : memref<125x128xf32, #tpu.memory_space<vmem>>) offsets(%dma_start3A_28 : memref<125xi32, #tpu.memory_space<vmem>>) semaphore(%arg12 : memref<!tpu.dma_semaphore, #tpu.memory_space<semaphore_mem>>)
    %scan3A_32 = arith.constant 0 : i32
    %scan3A_33 = arith.constant 0 : i32
    %scan3A_34 = arith.constant 16 : i32
    %scan3A_35 = arith.addi %scan3A_33, %scan3A_34 : i32
    %scan3A_36 = arith.constant 1 : i32
    %scan3A_37 = scf.for %scan3A_155 = %scan3A_33 to %scan3A_35 step %scan3A_36 iter_args(%scan3A_156 = %scan3A_32) -> (i32)  : i32 {
      %mul3A_157 = arith.constant 624 : i32
      %mul3A_158 = arith.muli %arg1, %mul3A_157 : i32
      %mul3A_159 = arith.constant 40 : i32
      %mul3A_160 = arith.muli %scan3A_155, %mul3A_159 : i32
      %add3A_161 = arith.addi %mul3A_158, %mul3A_160 : i32
      %multiple_of3A_162 = tpu.assume_multiple %add3A_161, 8 : i32
      %dma_wait3A_163 = arith.constant 0 : i32
      %dma_wait3A_164 = tpu.memref_slice %arg10[%multiple_of3A_162, %dma_wait3A_163] : memref<10000x128xf32, #tpu.memory_space<vmem_shared>> -> memref<40x128xf32, #tpu.memory_space<vmem_shared>>
      %dma_wait3A_165 = arith.constant 0 : i32
      %dma_wait3A_166 = tpu.memref_slice %arg10[%multiple_of3A_162, %dma_wait3A_165] : memref<10000x128xf32, #tpu.memory_space<vmem_shared>> -> memref<40x128xf32, #tpu.memory_space<vmem_shared>>
      tpu.wait_dma2 semaphore(%arg15 : memref<!tpu.dma_semaphore, #tpu.memory_space<semaphore_mem>>) src(%arg9 : memref<40x128xf32, #tpu.memory_space<vmem>>) dst(%dma_wait3A_166 : memref<40x128xf32, #tpu.memory_space<vmem_shared>>)
      %scan3A_167 = arith.constant 0 : i32
      scf.yield %scan3A_167 : i32
    }
    %scan3A_38 = arith.constant 16 : i32
    %barrier3A = arith.constant 0 : index
    tpu.barrier barrier_id(%barrier3A)
    %scan3A_39 = arith.constant 0 : i32
    %scan3A_40 = arith.constant 0 : i32
    %scan3A_41 = arith.constant 19 : i32
    %scan3A_42 = arith.addi %scan3A_40, %scan3A_41 : i32
    %scan3A_43 = arith.constant 1 : i32
    %scan3A_44 = scf.for %scan3A_155 = %scan3A_40 to %scan3A_42 step %scan3A_43 iter_args(%scan3A_156 = %scan3A_39) -> (i32)  : i32 {
      %mul3A_157 = arith.constant 2 : i32
      %mul3A_158 = arith.muli %scan3A_155, %mul3A_157 : i32
      %dma_wait3A_159 = arith.constant 0 : i32
      %dma_wait3A_160 = tpu.memref_slice %arg5[%mul3A_158, %dma_wait3A_159] : memref<40x125xi32, #tpu.memory_space<vmem>> -> memref<1x125xi32, #tpu.memory_space<vmem>>
      %dma_wait3A_161 = tpu.memref_squeeze %dma_wait3A_160 : memref<1x125xi32, #tpu.memory_space<vmem>> -> memref<125xi32, #tpu.memory_space<vmem>>
      %dma_wait3A_162 = arith.constant 0 : i32
      %dma_wait3A_163 = arith.constant 0 : i32
      %dma_wait3A_164 = tpu.memref_slice %arg3[%dma_wait3A_162, %dma_wait3A_163] : memref<10000x128xf32, #tpu.memory_space<hbm>> -> memref<10000x128xf32, #tpu.memory_space<hbm>>
      tpu.wait_indirect_dma semaphore(%arg11 : memref<!tpu.dma_semaphore, #tpu.memory_space<semaphore_mem>>) src(%dma_wait3A_164 : memref<10000x128xf32, #tpu.memory_space<hbm>>) dst(%arg7 : memref<125x128xf32, #tpu.memory_space<vmem>>)
      %dma_start3A_165 = arith.constant 0 : i32
      %dma_start3A_166 = tpu.memref_slice %arg6[%mul3A_158, %dma_start3A_165] : memref<40x125xi32, #tpu.memory_space<vmem>> -> memref<1x125xi32, #tpu.memory_space<vmem>>
      %dma_start3A_167 = tpu.memref_squeeze %dma_start3A_166 : memref<1x125xi32, #tpu.memory_space<vmem>> -> memref<125xi32, #tpu.memory_space<vmem>>
      %dma_start3A_168 = arith.constant 0 : i32
      %dma_start3A_169 = arith.constant 0 : i32
      %dma_start3A_170 = tpu.memref_slice %arg10[%dma_start3A_168, %dma_start3A_169] : memref<10000x128xf32, #tpu.memory_space<vmem_shared>> -> memref<10000x128xf32, #tpu.memory_space<vmem_shared>>
      tpu.enqueue_indirect_dma source(%arg7 : memref<125x128xf32, #tpu.memory_space<vmem>>) target(%dma_start3A_170 : memref<10000x128xf32, #tpu.memory_space<vmem_shared>>) offsets(%dma_start3A_167 : memref<125xi32, #tpu.memory_space<vmem>>) semaphore(%arg13 : memref<!tpu.dma_semaphore, #tpu.memory_space<semaphore_mem>>) {add = true}
      %add3A_171 = arith.constant 1 : i32
      %add3A_172 = arith.addi %mul3A_158, %add3A_171 : i32
      %dma_wait3A_173 = arith.constant 0 : i32
      %dma_wait3A_174 = tpu.memref_slice %arg5[%add3A_172, %dma_wait3A_173] : memref<40x125xi32, #tpu.memory_space<vmem>> -> memref<1x125xi32, #tpu.memory_space<vmem>>
      %dma_wait3A_175 = tpu.memref_squeeze %dma_wait3A_174 : memref<1x125xi32, #tpu.memory_space<vmem>> -> memref<125xi32, #tpu.memory_space<vmem>>
      %dma_wait3A_176 = arith.constant 0 : i32
      %dma_wait3A_177 = arith.constant 0 : i32
      %dma_wait3A_178 = tpu.memref_slice %arg3[%dma_wait3A_176, %dma_wait3A_177] : memref<10000x128xf32, #tpu.memory_space<hbm>> -> memref<10000x128xf32, #tpu.memory_space<hbm>>
      tpu.wait_indirect_dma semaphore(%arg12 : memref<!tpu.dma_semaphore, #tpu.memory_space<semaphore_mem>>) src(%dma_wait3A_178 : memref<10000x128xf32, #tpu.memory_space<hbm>>) dst(%arg8 : memref<125x128xf32, #tpu.memory_space<vmem>>)
      %add3A_179 = arith.constant 1 : i32
      %add3A_180 = arith.addi %mul3A_158, %add3A_179 : i32
      %dma_start3A_181 = arith.constant 0 : i32
      %dma_start3A_182 = tpu.memref_slice %arg6[%add3A_180, %dma_start3A_181] : memref<40x125xi32, #tpu.memory_space<vmem>> -> memref<1x125xi32, #tpu.memory_space<vmem>>
      %dma_start3A_183 = tpu.memref_squeeze %dma_start3A_182 : memref<1x125xi32, #tpu.memory_space<vmem>> -> memref<125xi32, #tpu.memory_space<vmem>>
      %dma_start3A_184 = arith.constant 0 : i32
      %dma_start3A_185 = arith.constant 0 : i32
      %dma_start3A_186 = tpu.memref_slice %arg10[%dma_start3A_184, %dma_start3A_185] : memref<10000x128xf32, #tpu.memory_space<vmem_shared>> -> memref<10000x128xf32, #tpu.memory_space<vmem_shared>>
      tpu.enqueue_indirect_dma source(%arg8 : memref<125x128xf32, #tpu.memory_space<vmem>>) target(%dma_start3A_186 : memref<10000x128xf32, #tpu.memory_space<vmem_shared>>) offsets(%dma_start3A_183 : memref<125xi32, #tpu.memory_space<vmem>>) semaphore(%arg14 : memref<!tpu.dma_semaphore, #tpu.memory_space<semaphore_mem>>) {add = true}
      %add3A_187 = arith.constant 1 : i32
      %add3A_188 = arith.addi %mul3A_158, %add3A_187 : i32
      %dma_wait3A_189 = arith.constant 0 : i32
      %dma_wait3A_190 = tpu.memref_slice %arg6[%mul3A_158, %dma_wait3A_189] : memref<40x125xi32, #tpu.memory_space<vmem>> -> memref<1x125xi32, #tpu.memory_space<vmem>>
      %dma_wait3A_191 = tpu.memref_squeeze %dma_wait3A_190 : memref<1x125xi32, #tpu.memory_space<vmem>> -> memref<125xi32, #tpu.memory_space<vmem>>
      %dma_wait3A_192 = arith.constant 0 : i32
      %dma_wait3A_193 = arith.constant 0 : i32
      %dma_wait3A_194 = tpu.memref_slice %arg10[%dma_wait3A_192, %dma_wait3A_193] : memref<10000x128xf32, #tpu.memory_space<vmem_shared>> -> memref<10000x128xf32, #tpu.memory_space<vmem_shared>>
      tpu.wait_indirect_dma semaphore(%arg13 : memref<!tpu.dma_semaphore, #tpu.memory_space<semaphore_mem>>) src(%arg7 : memref<125x128xf32, #tpu.memory_space<vmem>>) dst(%dma_wait3A_194 : memref<10000x128xf32, #tpu.memory_space<vmem_shared>>)
      %add3A_195 = arith.constant 2 : i32
      %add3A_196 = arith.addi %mul3A_158, %add3A_195 : i32
      %dma_start3A_197 = arith.constant 0 : i32
      %dma_start3A_198 = tpu.memref_slice %arg5[%add3A_196, %dma_start3A_197] : memref<40x125xi32, #tpu.memory_space<vmem>> -> memref<1x125xi32, #tpu.memory_space<vmem>>
      %dma_start3A_199 = tpu.memref_squeeze %dma_start3A_198 : memref<1x125xi32, #tpu.memory_space<vmem>> -> memref<125xi32, #tpu.memory_space<vmem>>
      %dma_start3A_200 = arith.constant 0 : i32
      %dma_start3A_201 = arith.constant 0 : i32
      %dma_start3A_202 = tpu.memref_slice %arg3[%dma_start3A_200, %dma_start3A_201] : memref<10000x128xf32, #tpu.memory_space<hbm>> -> memref<10000x128xf32, #tpu.memory_space<hbm>>
      tpu.enqueue_indirect_dma source(%dma_start3A_202 : memref<10000x128xf32, #tpu.memory_space<hbm>>) target(%arg7 : memref<125x128xf32, #tpu.memory_space<vmem>>) offsets(%dma_start3A_199 : memref<125xi32, #tpu.memory_space<vmem>>) semaphore(%arg11 : memref<!tpu.dma_semaphore, #tpu.memory_space<semaphore_mem>>)
      %add3A_203 = arith.constant 1 : i32
      %add3A_204 = arith.addi %mul3A_158, %add3A_203 : i32
      %dma_wait3A_205 = arith.constant 0 : i32
      %dma_wait3A_206 = tpu.memref_slice %arg6[%add3A_204, %dma_wait3A_205] : memref<40x125xi32, #tpu.memory_space<vmem>> -> memref<1x125xi32, #tpu.memory_space<vmem>>
      %dma_wait3A_207 = tpu.memref_squeeze %dma_wait3A_206 : memref<1x125xi32, #tpu.memory_space<vmem>> -> memref<125xi32, #tpu.memory_space<vmem>>
      %dma_wait3A_208 = arith.constant 0 : i32
      %dma_wait3A_209 = arith.constant 0 : i32
      %dma_wait3A_210 = tpu.memref_slice %arg10[%dma_wait3A_208, %dma_wait3A_209] : memref<10000x128xf32, #tpu.memory_space<vmem_shared>> -> memref<10000x128xf32, #tpu.memory_space<vmem_shared>>
      tpu.wait_indirect_dma semaphore(%arg14 : memref<!tpu.dma_semaphore, #tpu.memory_space<semaphore_mem>>) src(%arg8 : memref<125x128xf32, #tpu.memory_space<vmem>>) dst(%dma_wait3A_210 : memref<10000x128xf32, #tpu.memory_space<vmem_shared>>)
      %add3A_211 = arith.constant 3 : i32
      %add3A_212 = arith.addi %mul3A_158, %add3A_211 : i32
      %dma_start3A_213 = arith.constant 0 : i32
      %dma_start3A_214 = tpu.memref_slice %arg5[%add3A_212, %dma_start3A_213] : memref<40x125xi32, #tpu.memory_space<vmem>> -> memref<1x125xi32, #tpu.memory_space<vmem>>
      %dma_start3A_215 = tpu.memref_squeeze %dma_start3A_214 : memref<1x125xi32, #tpu.memory_space<vmem>> -> memref<125xi32, #tpu.memory_space<vmem>>
      %dma_start3A_216 = arith.constant 0 : i32
      %dma_start3A_217 = arith.constant 0 : i32
      %dma_start3A_218 = tpu.memref_slice %arg3[%dma_start3A_216, %dma_start3A_217] : memref<10000x128xf32, #tpu.memory_space<hbm>> -> memref<10000x128xf32, #tpu.memory_space<hbm>>
      tpu.enqueue_indirect_dma source(%dma_start3A_218 : memref<10000x128xf32, #tpu.memory_space<hbm>>) target(%arg8 : memref<125x128xf32, #tpu.memory_space<vmem>>) offsets(%dma_start3A_215 : memref<125xi32, #tpu.memory_space<vmem>>) semaphore(%arg12 : memref<!tpu.dma_semaphore, #tpu.memory_space<semaphore_mem>>)
      %scan3A_219 = arith.constant 0 : i32
      scf.yield %scan3A_219 : i32
    }
    %scan3A_45 = arith.constant 19 : i32
    %dma_wait3A = arith.constant 38 : i32
    %dma_wait3A_46 = arith.constant 0 : i32
    %dma_wait3A_47 = tpu.memref_slice %arg5[%dma_wait3A, %dma_wait3A_46] : memref<40x125xi32, #tpu.memory_space<vmem>> -> memref<1x125xi32, #tpu.memory_space<vmem>>
    %dma_wait3A_48 = tpu.memref_squeeze %dma_wait3A_47 : memref<1x125xi32, #tpu.memory_space<vmem>> -> memref<125xi32, #tpu.memory_space<vmem>>
    %dma_wait3A_49 = arith.constant 0 : i32
    %dma_wait3A_50 = arith.constant 0 : i32
    %dma_wait3A_51 = tpu.memref_slice %arg3[%dma_wait3A_49, %dma_wait3A_50] : memref<10000x128xf32, #tpu.memory_space<hbm>> -> memref<10000x128xf32, #tpu.memory_space<hbm>>
    tpu.wait_indirect_dma semaphore(%arg11 : memref<!tpu.dma_semaphore, #tpu.memory_space<semaphore_mem>>) src(%dma_wait3A_51 : memref<10000x128xf32, #tpu.memory_space<hbm>>) dst(%arg7 : memref<125x128xf32, #tpu.memory_space<vmem>>)
    %dma_start3A_52 = arith.constant 38 : i32
    %dma_start3A_53 = arith.constant 0 : i32
    %dma_start3A_54 = tpu.memref_slice %arg6[%dma_start3A_52, %dma_start3A_53] : memref<40x125xi32, #tpu.memory_space<vmem>> -> memref<1x125xi32, #tpu.memory_space<vmem>>
    %dma_start3A_55 = tpu.memref_squeeze %dma_start3A_54 : memref<1x125xi32, #tpu.memory_space<vmem>> -> memref<125xi32, #tpu.memory_space<vmem>>
    %dma_start3A_56 = arith.constant 0 : i32
    %dma_start3A_57 = arith.constant 0 : i32
    %dma_start3A_58 = tpu.memref_slice %arg10[%dma_start3A_56, %dma_start3A_57] : memref<10000x128xf32, #tpu.memory_space<vmem_shared>> -> memref<10000x128xf32, #tpu.memory_space<vmem_shared>>
    tpu.enqueue_indirect_dma source(%arg7 : memref<125x128xf32, #tpu.memory_space<vmem>>) target(%dma_start3A_58 : memref<10000x128xf32, #tpu.memory_space<vmem_shared>>) offsets(%dma_start3A_55 : memref<125xi32, #tpu.memory_space<vmem>>) semaphore(%arg13 : memref<!tpu.dma_semaphore, #tpu.memory_space<semaphore_mem>>) {add = true}
    %dma_wait3A_59 = arith.constant 39 : i32
    %dma_wait3A_60 = arith.constant 0 : i32
    %dma_wait3A_61 = tpu.memref_slice %arg5[%dma_wait3A_59, %dma_wait3A_60] : memref<40x125xi32, #tpu.memory_space<vmem>> -> memref<1x125xi32, #tpu.memory_space<vmem>>
    %dma_wait3A_62 = tpu.memref_squeeze %dma_wait3A_61 : memref<1x125xi32, #tpu.memory_space<vmem>> -> memref<125xi32, #tpu.memory_space<vmem>>
    %dma_wait3A_63 = arith.constant 0 : i32
    %dma_wait3A_64 = arith.constant 0 : i32
    %dma_wait3A_65 = tpu.memref_slice %arg3[%dma_wait3A_63, %dma_wait3A_64] : memref<10000x128xf32, #tpu.memory_space<hbm>> -> memref<10000x128xf32, #tpu.memory_space<hbm>>
    tpu.wait_indirect_dma semaphore(%arg12 : memref<!tpu.dma_semaphore, #tpu.memory_space<semaphore_mem>>) src(%dma_wait3A_65 : memref<10000x128xf32, #tpu.memory_space<hbm>>) dst(%arg8 : memref<125x128xf32, #tpu.memory_space<vmem>>)
    %dma_start3A_66 = arith.constant 39 : i32
    %dma_start3A_67 = arith.constant 0 : i32
    %dma_start3A_68 = tpu.memref_slice %arg6[%dma_start3A_66, %dma_start3A_67] : memref<40x125xi32, #tpu.memory_space<vmem>> -> memref<1x125xi32, #tpu.memory_space<vmem>>
    %dma_start3A_69 = tpu.memref_squeeze %dma_start3A_68 : memref<1x125xi32, #tpu.memory_space<vmem>> -> memref<125xi32, #tpu.memory_space<vmem>>
    %dma_start3A_70 = arith.constant 0 : i32
    %dma_start3A_71 = arith.constant 0 : i32
    %dma_start3A_72 = tpu.memref_slice %arg10[%dma_start3A_70, %dma_start3A_71] : memref<10000x128xf32, #tpu.memory_space<vmem_shared>> -> memref<10000x128xf32, #tpu.memory_space<vmem_shared>>
    tpu.enqueue_indirect_dma source(%arg8 : memref<125x128xf32, #tpu.memory_space<vmem>>) target(%dma_start3A_72 : memref<10000x128xf32, #tpu.memory_space<vmem_shared>>) offsets(%dma_start3A_69 : memref<125xi32, #tpu.memory_space<vmem>>) semaphore(%arg14 : memref<!tpu.dma_semaphore, #tpu.memory_space<semaphore_mem>>) {add = true}
    %dma_wait3A_73 = arith.constant 38 : i32
    %dma_wait3A_74 = arith.constant 0 : i32
    %dma_wait3A_75 = tpu.memref_slice %arg6[%dma_wait3A_73, %dma_wait3A_74] : memref<40x125xi32, #tpu.memory_space<vmem>> -> memref<1x125xi32, #tpu.memory_space<vmem>>
    %dma_wait3A_76 = tpu.memref_squeeze %dma_wait3A_75 : memref<1x125xi32, #tpu.memory_space<vmem>> -> memref<125xi32, #tpu.memory_space<vmem>>
    %dma_wait3A_77 = arith.constant 0 : i32
    %dma_wait3A_78 = arith.constant 0 : i32
    %dma_wait3A_79 = tpu.memref_slice %arg10[%dma_wait3A_77, %dma_wait3A_78] : memref<10000x128xf32, #tpu.memory_space<vmem_shared>> -> memref<10000x128xf32, #tpu.memory_space<vmem_shared>>
    tpu.wait_indirect_dma semaphore(%arg13 : memref<!tpu.dma_semaphore, #tpu.memory_space<semaphore_mem>>) src(%arg7 : memref<125x128xf32, #tpu.memory_space<vmem>>) dst(%dma_wait3A_79 : memref<10000x128xf32, #tpu.memory_space<vmem_shared>>)
    %dma_wait3A_80 = arith.constant 39 : i32
    %dma_wait3A_81 = arith.constant 0 : i32
    %dma_wait3A_82 = tpu.memref_slice %arg6[%dma_wait3A_80, %dma_wait3A_81] : memref<40x125xi32, #tpu.memory_space<vmem>> -> memref<1x125xi32, #tpu.memory_space<vmem>>
    %dma_wait3A_83 = tpu.memref_squeeze %dma_wait3A_82 : memref<1x125xi32, #tpu.memory_space<vmem>> -> memref<125xi32, #tpu.memory_space<vmem>>
    %dma_wait3A_84 = arith.constant 0 : i32
    %dma_wait3A_85 = arith.constant 0 : i32
    %dma_wait3A_86 = tpu.memref_slice %arg10[%dma_wait3A_84, %dma_wait3A_85] : memref<10000x128xf32, #tpu.memory_space<vmem_shared>> -> memref<10000x128xf32, #tpu.memory_space<vmem_shared>>
    tpu.wait_indirect_dma semaphore(%arg14 : memref<!tpu.dma_semaphore, #tpu.memory_space<semaphore_mem>>) src(%arg8 : memref<125x128xf32, #tpu.memory_space<vmem>>) dst(%dma_wait3A_86 : memref<10000x128xf32, #tpu.memory_space<vmem_shared>>)
    %run_scoped3A_87 = arith.constant 0 : i32
    %run_scoped3A_88 = arith.constant 1 : i32
    "tpu.region"() ({
      %run_scoped3A_155 = tpu.sem_alloc : memref<!tpu.dma_semaphore, #tpu.memory_space<semaphore_mem>>
      %dma_start3A_156 = arith.constant 0 : i32
      %dma_start3A_157 = arith.constant 0 : i32
      %dma_start3A_158 = tpu.memref_slice %arg2[%run_scoped3A_87, %add3A, %run_scoped3A_88, %dma_start3A_156, %dma_start3A_157] : memref<2x32x2x40x125xi32, #tpu.memory_space<hbm>> -> memref<1x1x1x40x125xi32, #tpu.memory_space<hbm>>
      %dma_start3A_159 = tpu.memref_squeeze %dma_start3A_158 : memref<1x1x1x40x125xi32, #tpu.memory_space<hbm>> -> memref<40x125xi32, #tpu.memory_space<hbm>>
      %dma_start3A_160 = arith.constant 0 : i32
      %dma_start3A_161 = arith.constant 0 : i32
      %dma_start3A_162 = tpu.memref_slice %arg2[%run_scoped3A_87, %add3A, %run_scoped3A_88, %dma_start3A_160, %dma_start3A_161] : memref<2x32x2x40x125xi32, #tpu.memory_space<hbm>> -> memref<1x1x1x40x125xi32, #tpu.memory_space<hbm>>
      %dma_start3A_163 = tpu.memref_squeeze %dma_start3A_162 : memref<1x1x1x40x125xi32, #tpu.memory_space<hbm>> -> memref<40x125xi32, #tpu.memory_space<hbm>>
      tpu.enqueue_dma source(%dma_start3A_163 : memref<40x125xi32, #tpu.memory_space<hbm>>) target(%arg5 : memref<40x125xi32, #tpu.memory_space<vmem>>) target_semaphore(%run_scoped3A_155 : memref<!tpu.dma_semaphore, #tpu.memory_space<semaphore_mem>>)
      %dma_wait3A_164 = arith.constant 0 : i32
      %dma_wait3A_165 = arith.constant 0 : i32
      %dma_wait3A_166 = tpu.memref_slice %arg2[%run_scoped3A_87, %add3A, %run_scoped3A_88, %dma_wait3A_164, %dma_wait3A_165] : memref<2x32x2x40x125xi32, #tpu.memory_space<hbm>> -> memref<1x1x1x40x125xi32, #tpu.memory_space<hbm>>
      %dma_wait3A_167 = tpu.memref_squeeze %dma_wait3A_166 : memref<1x1x1x40x125xi32, #tpu.memory_space<hbm>> -> memref<40x125xi32, #tpu.memory_space<hbm>>
      %dma_wait3A_168 = arith.constant 0 : i32
      %dma_wait3A_169 = arith.constant 0 : i32
      %dma_wait3A_170 = tpu.memref_slice %arg2[%run_scoped3A_87, %add3A, %run_scoped3A_88, %dma_wait3A_168, %dma_wait3A_169] : memref<2x32x2x40x125xi32, #tpu.memory_space<hbm>> -> memref<1x1x1x40x125xi32, #tpu.memory_space<hbm>>
      %dma_wait3A_171 = tpu.memref_squeeze %dma_wait3A_170 : memref<1x1x1x40x125xi32, #tpu.memory_space<hbm>> -> memref<40x125xi32, #tpu.memory_space<hbm>>
      tpu.wait_dma2 semaphore(%run_scoped3A_155 : memref<!tpu.dma_semaphore, #tpu.memory_space<semaphore_mem>>) src(%dma_wait3A_171 : memref<40x125xi32, #tpu.memory_space<hbm>>) dst(%arg5 : memref<40x125xi32, #tpu.memory_space<vmem>>)
      tpu.yield
    }) : () -> ()
    %run_scoped3A_89 = arith.constant 1 : i32
    %run_scoped3A_90 = arith.constant 1 : i32
    "tpu.region"() ({
      %run_scoped3A_155 = tpu.sem_alloc : memref<!tpu.dma_semaphore, #tpu.memory_space<semaphore_mem>>
      %dma_start3A_156 = arith.constant 0 : i32
      %dma_start3A_157 = arith.constant 0 : i32
      %dma_start3A_158 = tpu.memref_slice %arg2[%run_scoped3A_89, %add3A, %run_scoped3A_90, %dma_start3A_156, %dma_start3A_157] : memref<2x32x2x40x125xi32, #tpu.memory_space<hbm>> -> memref<1x1x1x40x125xi32, #tpu.memory_space<hbm>>
      %dma_start3A_159 = tpu.memref_squeeze %dma_start3A_158 : memref<1x1x1x40x125xi32, #tpu.memory_space<hbm>> -> memref<40x125xi32, #tpu.memory_space<hbm>>
      %dma_start3A_160 = arith.constant 0 : i32
      %dma_start3A_161 = arith.constant 0 : i32
      %dma_start3A_162 = tpu.memref_slice %arg2[%run_scoped3A_89, %add3A, %run_scoped3A_90, %dma_start3A_160, %dma_start3A_161] : memref<2x32x2x40x125xi32, #tpu.memory_space<hbm>> -> memref<1x1x1x40x125xi32, #tpu.memory_space<hbm>>
      %dma_start3A_163 = tpu.memref_squeeze %dma_start3A_162 : memref<1x1x1x40x125xi32, #tpu.memory_space<hbm>> -> memref<40x125xi32, #tpu.memory_space<hbm>>
      tpu.enqueue_dma source(%dma_start3A_163 : memref<40x125xi32, #tpu.memory_space<hbm>>) target(%arg6 : memref<40x125xi32, #tpu.memory_space<vmem>>) target_semaphore(%run_scoped3A_155 : memref<!tpu.dma_semaphore, #tpu.memory_space<semaphore_mem>>)
      %dma_wait3A_164 = arith.constant 0 : i32
      %dma_wait3A_165 = arith.constant 0 : i32
      %dma_wait3A_166 = tpu.memref_slice %arg2[%run_scoped3A_89, %add3A, %run_scoped3A_90, %dma_wait3A_164, %dma_wait3A_165] : memref<2x32x2x40x125xi32, #tpu.memory_space<hbm>> -> memref<1x1x1x40x125xi32, #tpu.memory_space<hbm>>
      %dma_wait3A_167 = tpu.memref_squeeze %dma_wait3A_166 : memref<1x1x1x40x125xi32, #tpu.memory_space<hbm>> -> memref<40x125xi32, #tpu.memory_space<hbm>>
      %dma_wait3A_168 = arith.constant 0 : i32
      %dma_wait3A_169 = arith.constant 0 : i32
      %dma_wait3A_170 = tpu.memref_slice %arg2[%run_scoped3A_89, %add3A, %run_scoped3A_90, %dma_wait3A_168, %dma_wait3A_169] : memref<2x32x2x40x125xi32, #tpu.memory_space<hbm>> -> memref<1x1x1x40x125xi32, #tpu.memory_space<hbm>>
      %dma_wait3A_171 = tpu.memref_squeeze %dma_wait3A_170 : memref<1x1x1x40x125xi32, #tpu.memory_space<hbm>> -> memref<40x125xi32, #tpu.memory_space<hbm>>
      tpu.wait_dma2 semaphore(%run_scoped3A_155 : memref<!tpu.dma_semaphore, #tpu.memory_space<semaphore_mem>>) src(%dma_wait3A_171 : memref<40x125xi32, #tpu.memory_space<hbm>>) dst(%arg6 : memref<40x125xi32, #tpu.memory_space<vmem>>)
      tpu.yield
    }) : () -> ()
    %dma_start3A_91 = arith.constant 0 : i32
    %dma_start3A_92 = arith.constant 0 : i32
    %dma_start3A_93 = tpu.memref_slice %arg5[%dma_start3A_91, %dma_start3A_92] : memref<40x125xi32, #tpu.memory_space<vmem>> -> memref<1x125xi32, #tpu.memory_space<vmem>>
    %dma_start3A_94 = tpu.memref_squeeze %dma_start3A_93 : memref<1x125xi32, #tpu.memory_space<vmem>> -> memref<125xi32, #tpu.memory_space<vmem>>
    %dma_start3A_95 = arith.constant 0 : i32
    %dma_start3A_96 = arith.constant 0 : i32
    %dma_start3A_97 = tpu.memref_slice %arg3[%dma_start3A_95, %dma_start3A_96] : memref<10000x128xf32, #tpu.memory_space<hbm>> -> memref<10000x128xf32, #tpu.memory_space<hbm>>
    tpu.enqueue_indirect_dma source(%dma_start3A_97 : memref<10000x128xf32, #tpu.memory_space<hbm>>) target(%arg7 : memref<125x128xf32, #tpu.memory_space<vmem>>) offsets(%dma_start3A_94 : memref<125xi32, #tpu.memory_space<vmem>>) semaphore(%arg11 : memref<!tpu.dma_semaphore, #tpu.memory_space<semaphore_mem>>)
    %dma_start3A_98 = arith.constant 1 : i32
    %dma_start3A_99 = arith.constant 0 : i32
    %dma_start3A_100 = tpu.memref_slice %arg5[%dma_start3A_98, %dma_start3A_99] : memref<40x125xi32, #tpu.memory_space<vmem>> -> memref<1x125xi32, #tpu.memory_space<vmem>>
    %dma_start3A_101 = tpu.memref_squeeze %dma_start3A_100 : memref<1x125xi32, #tpu.memory_space<vmem>> -> memref<125xi32, #tpu.memory_space<vmem>>
    %dma_start3A_102 = arith.constant 0 : i32
    %dma_start3A_103 = arith.constant 0 : i32
    %dma_start3A_104 = tpu.memref_slice %arg3[%dma_start3A_102, %dma_start3A_103] : memref<10000x128xf32, #tpu.memory_space<hbm>> -> memref<10000x128xf32, #tpu.memory_space<hbm>>
    tpu.enqueue_indirect_dma source(%dma_start3A_104 : memref<10000x128xf32, #tpu.memory_space<hbm>>) target(%arg8 : memref<125x128xf32, #tpu.memory_space<vmem>>) offsets(%dma_start3A_101 : memref<125xi32, #tpu.memory_space<vmem>>) semaphore(%arg12 : memref<!tpu.dma_semaphore, #tpu.memory_space<semaphore_mem>>)
    %scan3A_105 = arith.constant 0 : i32
    %scan3A_106 = arith.constant 0 : i32
    %scan3A_107 = arith.constant 19 : i32
    %scan3A_108 = arith.addi %scan3A_106, %scan3A_107 : i32
    %scan3A_109 = arith.constant 1 : i32
    %scan3A_110 = scf.for %scan3A_155 = %scan3A_106 to %scan3A_108 step %scan3A_109 iter_args(%scan3A_156 = %scan3A_105) -> (i32)  : i32 {
      %mul3A_157 = arith.constant 2 : i32
      %mul3A_158 = arith.muli %scan3A_155, %mul3A_157 : i32
      %dma_wait3A_159 = arith.constant 0 : i32
      %dma_wait3A_160 = tpu.memref_slice %arg5[%mul3A_158, %dma_wait3A_159] : memref<40x125xi32, #tpu.memory_space<vmem>> -> memref<1x125xi32, #tpu.memory_space<vmem>>
      %dma_wait3A_161 = tpu.memref_squeeze %dma_wait3A_160 : memref<1x125xi32, #tpu.memory_space<vmem>> -> memref<125xi32, #tpu.memory_space<vmem>>
      %dma_wait3A_162 = arith.constant 0 : i32
      %dma_wait3A_163 = arith.constant 0 : i32
      %dma_wait3A_164 = tpu.memref_slice %arg3[%dma_wait3A_162, %dma_wait3A_163] : memref<10000x128xf32, #tpu.memory_space<hbm>> -> memref<10000x128xf32, #tpu.memory_space<hbm>>
      tpu.wait_indirect_dma semaphore(%arg11 : memref<!tpu.dma_semaphore, #tpu.memory_space<semaphore_mem>>) src(%dma_wait3A_164 : memref<10000x128xf32, #tpu.memory_space<hbm>>) dst(%arg7 : memref<125x128xf32, #tpu.memory_space<vmem>>)
      %dma_start3A_165 = arith.constant 0 : i32
      %dma_start3A_166 = tpu.memref_slice %arg6[%mul3A_158, %dma_start3A_165] : memref<40x125xi32, #tpu.memory_space<vmem>> -> memref<1x125xi32, #tpu.memory_space<vmem>>
      %dma_start3A_167 = tpu.memref_squeeze %dma_start3A_166 : memref<1x125xi32, #tpu.memory_space<vmem>> -> memref<125xi32, #tpu.memory_space<vmem>>
      %dma_start3A_168 = arith.constant 0 : i32
      %dma_start3A_169 = arith.constant 0 : i32
      %dma_start3A_170 = tpu.memref_slice %arg10[%dma_start3A_168, %dma_start3A_169] : memref<10000x128xf32, #tpu.memory_space<vmem_shared>> -> memref<10000x128xf32, #tpu.memory_space<vmem_shared>>
      tpu.enqueue_indirect_dma source(%arg7 : memref<125x128xf32, #tpu.memory_space<vmem>>) target(%dma_start3A_170 : memref<10000x128xf32, #tpu.memory_space<vmem_shared>>) offsets(%dma_start3A_167 : memref<125xi32, #tpu.memory_space<vmem>>) semaphore(%arg13 : memref<!tpu.dma_semaphore, #tpu.memory_space<semaphore_mem>>) {add = true}
      %add3A_171 = arith.constant 1 : i32
      %add3A_172 = arith.addi %mul3A_158, %add3A_171 : i32
      %dma_wait3A_173 = arith.constant 0 : i32
      %dma_wait3A_174 = tpu.memref_slice %arg5[%add3A_172, %dma_wait3A_173] : memref<40x125xi32, #tpu.memory_space<vmem>> -> memref<1x125xi32, #tpu.memory_space<vmem>>
      %dma_wait3A_175 = tpu.memref_squeeze %dma_wait3A_174 : memref<1x125xi32, #tpu.memory_space<vmem>> -> memref<125xi32, #tpu.memory_space<vmem>>
      %dma_wait3A_176 = arith.constant 0 : i32
      %dma_wait3A_177 = arith.constant 0 : i32
      %dma_wait3A_178 = tpu.memref_slice %arg3[%dma_wait3A_176, %dma_wait3A_177] : memref<10000x128xf32, #tpu.memory_space<hbm>> -> memref<10000x128xf32, #tpu.memory_space<hbm>>
      tpu.wait_indirect_dma semaphore(%arg12 : memref<!tpu.dma_semaphore, #tpu.memory_space<semaphore_mem>>) src(%dma_wait3A_178 : memref<10000x128xf32, #tpu.memory_space<hbm>>) dst(%arg8 : memref<125x128xf32, #tpu.memory_space<vmem>>)
      %add3A_179 = arith.constant 1 : i32
      %add3A_180 = arith.addi %mul3A_158, %add3A_179 : i32
      %dma_start3A_181 = arith.constant 0 : i32
      %dma_start3A_182 = tpu.memref_slice %arg6[%add3A_180, %dma_start3A_181] : memref<40x125xi32, #tpu.memory_space<vmem>> -> memref<1x125xi32, #tpu.memory_space<vmem>>
      %dma_start3A_183 = tpu.memref_squeeze %dma_start3A_182 : memref<1x125xi32, #tpu.memory_space<vmem>> -> memref<125xi32, #tpu.memory_space<vmem>>
      %dma_start3A_184 = arith.constant 0 : i32
      %dma_start3A_185 = arith.constant 0 : i32
      %dma_start3A_186 = tpu.memref_slice %arg10[%dma_start3A_184, %dma_start3A_185] : memref<10000x128xf32, #tpu.memory_space<vmem_shared>> -> memref<10000x128xf32, #tpu.memory_space<vmem_shared>>
      tpu.enqueue_indirect_dma source(%arg8 : memref<125x128xf32, #tpu.memory_space<vmem>>) target(%dma_start3A_186 : memref<10000x128xf32, #tpu.memory_space<vmem_shared>>) offsets(%dma_start3A_183 : memref<125xi32, #tpu.memory_space<vmem>>) semaphore(%arg14 : memref<!tpu.dma_semaphore, #tpu.memory_space<semaphore_mem>>) {add = true}
      %add3A_187 = arith.constant 1 : i32
      %add3A_188 = arith.addi %mul3A_158, %add3A_187 : i32
      %dma_wait3A_189 = arith.constant 0 : i32
      %dma_wait3A_190 = tpu.memref_slice %arg6[%mul3A_158, %dma_wait3A_189] : memref<40x125xi32, #tpu.memory_space<vmem>> -> memref<1x125xi32, #tpu.memory_space<vmem>>
      %dma_wait3A_191 = tpu.memref_squeeze %dma_wait3A_190 : memref<1x125xi32, #tpu.memory_space<vmem>> -> memref<125xi32, #tpu.memory_space<vmem>>
      %dma_wait3A_192 = arith.constant 0 : i32
      %dma_wait3A_193 = arith.constant 0 : i32
      %dma_wait3A_194 = tpu.memref_slice %arg10[%dma_wait3A_192, %dma_wait3A_193] : memref<10000x128xf32, #tpu.memory_space<vmem_shared>> -> memref<10000x128xf32, #tpu.memory_space<vmem_shared>>
      tpu.wait_indirect_dma semaphore(%arg13 : memref<!tpu.dma_semaphore, #tpu.memory_space<semaphore_mem>>) src(%arg7 : memref<125x128xf32, #tpu.memory_space<vmem>>) dst(%dma_wait3A_194 : memref<10000x128xf32, #tpu.memory_space<vmem_shared>>)
      %add3A_195 = arith.constant 2 : i32
      %add3A_196 = arith.addi %mul3A_158, %add3A_195 : i32
      %dma_start3A_197 = arith.constant 0 : i32
      %dma_start3A_198 = tpu.memref_slice %arg5[%add3A_196, %dma_start3A_197] : memref<40x125xi32, #tpu.memory_space<vmem>> -> memref<1x125xi32, #tpu.memory_space<vmem>>
      %dma_start3A_199 = tpu.memref_squeeze %dma_start3A_198 : memref<1x125xi32, #tpu.memory_space<vmem>> -> memref<125xi32, #tpu.memory_space<vmem>>
      %dma_start3A_200 = arith.constant 0 : i32
      %dma_start3A_201 = arith.constant 0 : i32
      %dma_start3A_202 = tpu.memref_slice %arg3[%dma_start3A_200, %dma_start3A_201] : memref<10000x128xf32, #tpu.memory_space<hbm>> -> memref<10000x128xf32, #tpu.memory_space<hbm>>
      tpu.enqueue_indirect_dma source(%dma_start3A_202 : memref<10000x128xf32, #tpu.memory_space<hbm>>) target(%arg7 : memref<125x128xf32, #tpu.memory_space<vmem>>) offsets(%dma_start3A_199 : memref<125xi32, #tpu.memory_space<vmem>>) semaphore(%arg11 : memref<!tpu.dma_semaphore, #tpu.memory_space<semaphore_mem>>)
      %add3A_203 = arith.constant 1 : i32
      %add3A_204 = arith.addi %mul3A_158, %add3A_203 : i32
      %dma_wait3A_205 = arith.constant 0 : i32
      %dma_wait3A_206 = tpu.memref_slice %arg6[%add3A_204, %dma_wait3A_205] : memref<40x125xi32, #tpu.memory_space<vmem>> -> memref<1x125xi32, #tpu.memory_space<vmem>>
      %dma_wait3A_207 = tpu.memref_squeeze %dma_wait3A_206 : memref<1x125xi32, #tpu.memory_space<vmem>> -> memref<125xi32, #tpu.memory_space<vmem>>
      %dma_wait3A_208 = arith.constant 0 : i32
      %dma_wait3A_209 = arith.constant 0 : i32
      %dma_wait3A_210 = tpu.memref_slice %arg10[%dma_wait3A_208, %dma_wait3A_209] : memref<10000x128xf32, #tpu.memory_space<vmem_shared>> -> memref<10000x128xf32, #tpu.memory_space<vmem_shared>>
      tpu.wait_indirect_dma semaphore(%arg14 : memref<!tpu.dma_semaphore, #tpu.memory_space<semaphore_mem>>) src(%arg8 : memref<125x128xf32, #tpu.memory_space<vmem>>) dst(%dma_wait3A_210 : memref<10000x128xf32, #tpu.memory_space<vmem_shared>>)
      %add3A_211 = arith.constant 3 : i32
      %add3A_212 = arith.addi %mul3A_158, %add3A_211 : i32
      %dma_start3A_213 = arith.constant 0 : i32
      %dma_start3A_214 = tpu.memref_slice %arg5[%add3A_212, %dma_start3A_213] : memref<40x125xi32, #tpu.memory_space<vmem>> -> memref<1x125xi32, #tpu.memory_space<vmem>>
      %dma_start3A_215 = tpu.memref_squeeze %dma_start3A_214 : memref<1x125xi32, #tpu.memory_space<vmem>> -> memref<125xi32, #tpu.memory_space<vmem>>
      %dma_start3A_216 = arith.constant 0 : i32
      %dma_start3A_217 = arith.constant 0 : i32
      %dma_start3A_218 = tpu.memref_slice %arg3[%dma_start3A_216, %dma_start3A_217] : memref<10000x128xf32, #tpu.memory_space<hbm>> -> memref<10000x128xf32, #tpu.memory_space<hbm>>
      tpu.enqueue_indirect_dma source(%dma_start3A_218 : memref<10000x128xf32, #tpu.memory_space<hbm>>) target(%arg8 : memref<125x128xf32, #tpu.memory_space<vmem>>) offsets(%dma_start3A_215 : memref<125xi32, #tpu.memory_space<vmem>>) semaphore(%arg12 : memref<!tpu.dma_semaphore, #tpu.memory_space<semaphore_mem>>)
      %scan3A_219 = arith.constant 0 : i32
      scf.yield %scan3A_219 : i32
    }
    %scan3A_111 = arith.constant 19 : i32
    %dma_wait3A_112 = arith.constant 38 : i32
    %dma_wait3A_113 = arith.constant 0 : i32
    %dma_wait3A_114 = tpu.memref_slice %arg5[%dma_wait3A_112, %dma_wait3A_113] : memref<40x125xi32, #tpu.memory_space<vmem>> -> memref<1x125xi32, #tpu.memory_space<vmem>>
    %dma_wait3A_115 = tpu.memref_squeeze %dma_wait3A_114 : memref<1x125xi32, #tpu.memory_space<vmem>> -> memref<125xi32, #tpu.memory_space<vmem>>
    %dma_wait3A_116 = arith.constant 0 : i32
    %dma_wait3A_117 = arith.constant 0 : i32
    %dma_wait3A_118 = tpu.memref_slice %arg3[%dma_wait3A_116, %dma_wait3A_117] : memref<10000x128xf32, #tpu.memory_space<hbm>> -> memref<10000x128xf32, #tpu.memory_space<hbm>>
    tpu.wait_indirect_dma semaphore(%arg11 : memref<!tpu.dma_semaphore, #tpu.memory_space<semaphore_mem>>) src(%dma_wait3A_118 : memref<10000x128xf32, #tpu.memory_space<hbm>>) dst(%arg7 : memref<125x128xf32, #tpu.memory_space<vmem>>)
    %dma_start3A_119 = arith.constant 38 : i32
    %dma_start3A_120 = arith.constant 0 : i32
    %dma_start3A_121 = tpu.memref_slice %arg6[%dma_start3A_119, %dma_start3A_120] : memref<40x125xi32, #tpu.memory_space<vmem>> -> memref<1x125xi32, #tpu.memory_space<vmem>>
    %dma_start3A_122 = tpu.memref_squeeze %dma_start3A_121 : memref<1x125xi32, #tpu.memory_space<vmem>> -> memref<125xi32, #tpu.memory_space<vmem>>
    %dma_start3A_123 = arith.constant 0 : i32
    %dma_start3A_124 = arith.constant 0 : i32
    %dma_start3A_125 = tpu.memref_slice %arg10[%dma_start3A_123, %dma_start3A_124] : memref<10000x128xf32, #tpu.memory_space<vmem_shared>> -> memref<10000x128xf32, #tpu.memory_space<vmem_shared>>
    tpu.enqueue_indirect_dma source(%arg7 : memref<125x128xf32, #tpu.memory_space<vmem>>) target(%dma_start3A_125 : memref<10000x128xf32, #tpu.memory_space<vmem_shared>>) offsets(%dma_start3A_122 : memref<125xi32, #tpu.memory_space<vmem>>) semaphore(%arg13 : memref<!tpu.dma_semaphore, #tpu.memory_space<semaphore_mem>>) {add = true}
    %dma_wait3A_126 = arith.constant 39 : i32
    %dma_wait3A_127 = arith.constant 0 : i32
    %dma_wait3A_128 = tpu.memref_slice %arg5[%dma_wait3A_126, %dma_wait3A_127] : memref<40x125xi32, #tpu.memory_space<vmem>> -> memref<1x125xi32, #tpu.memory_space<vmem>>
    %dma_wait3A_129 = tpu.memref_squeeze %dma_wait3A_128 : memref<1x125xi32, #tpu.memory_space<vmem>> -> memref<125xi32, #tpu.memory_space<vmem>>
    %dma_wait3A_130 = arith.constant 0 : i32
    %dma_wait3A_131 = arith.constant 0 : i32
    %dma_wait3A_132 = tpu.memref_slice %arg3[%dma_wait3A_130, %dma_wait3A_131] : memref<10000x128xf32, #tpu.memory_space<hbm>> -> memref<10000x128xf32, #tpu.memory_space<hbm>>
    tpu.wait_indirect_dma semaphore(%arg12 : memref<!tpu.dma_semaphore, #tpu.memory_space<semaphore_mem>>) src(%dma_wait3A_132 : memref<10000x128xf32, #tpu.memory_space<hbm>>) dst(%arg8 : memref<125x128xf32, #tpu.memory_space<vmem>>)
    %dma_start3A_133 = arith.constant 39 : i32
    %dma_start3A_134 = arith.constant 0 : i32
    %dma_start3A_135 = tpu.memref_slice %arg6[%dma_start3A_133, %dma_start3A_134] : memref<40x125xi32, #tpu.memory_space<vmem>> -> memref<1x125xi32, #tpu.memory_space<vmem>>
    %dma_start3A_136 = tpu.memref_squeeze %dma_start3A_135 : memref<1x125xi32, #tpu.memory_space<vmem>> -> memref<125xi32, #tpu.memory_space<vmem>>
    %dma_start3A_137 = arith.constant 0 : i32
    %dma_start3A_138 = arith.constant 0 : i32
    %dma_start3A_139 = tpu.memref_slice %arg10[%dma_start3A_137, %dma_start3A_138] : memref<10000x128xf32, #tpu.memory_space<vmem_shared>> -> memref<10000x128xf32, #tpu.memory_space<vmem_shared>>
    tpu.enqueue_indirect_dma source(%arg8 : memref<125x128xf32, #tpu.memory_space<vmem>>) target(%dma_start3A_139 : memref<10000x128xf32, #tpu.memory_space<vmem_shared>>) offsets(%dma_start3A_136 : memref<125xi32, #tpu.memory_space<vmem>>) semaphore(%arg14 : memref<!tpu.dma_semaphore, #tpu.memory_space<semaphore_mem>>) {add = true}
    %dma_wait3A_140 = arith.constant 38 : i32
    %dma_wait3A_141 = arith.constant 0 : i32
    %dma_wait3A_142 = tpu.memref_slice %arg6[%dma_wait3A_140, %dma_wait3A_141] : memref<40x125xi32, #tpu.memory_space<vmem>> -> memref<1x125xi32, #tpu.memory_space<vmem>>
    %dma_wait3A_143 = tpu.memref_squeeze %dma_wait3A_142 : memref<1x125xi32, #tpu.memory_space<vmem>> -> memref<125xi32, #tpu.memory_space<vmem>>
    %dma_wait3A_144 = arith.constant 0 : i32
    %dma_wait3A_145 = arith.constant 0 : i32
    %dma_wait3A_146 = tpu.memref_slice %arg10[%dma_wait3A_144, %dma_wait3A_145] : memref<10000x128xf32, #tpu.memory_space<vmem_shared>> -> memref<10000x128xf32, #tpu.memory_space<vmem_shared>>
    tpu.wait_indirect_dma semaphore(%arg13 : memref<!tpu.dma_semaphore, #tpu.memory_space<semaphore_mem>>) src(%arg7 : memref<125x128xf32, #tpu.memory_space<vmem>>) dst(%dma_wait3A_146 : memref<10000x128xf32, #tpu.memory_space<vmem_shared>>)
    %dma_wait3A_147 = arith.constant 39 : i32
    %dma_wait3A_148 = arith.constant 0 : i32
    %dma_wait3A_149 = tpu.memref_slice %arg6[%dma_wait3A_147, %dma_wait3A_148] : memref<40x125xi32, #tpu.memory_space<vmem>> -> memref<1x125xi32, #tpu.memory_space<vmem>>
    %dma_wait3A_150 = tpu.memref_squeeze %dma_wait3A_149 : memref<1x125xi32, #tpu.memory_space<vmem>> -> memref<125xi32, #tpu.memory_space<vmem>>
    %dma_wait3A_151 = arith.constant 0 : i32
    %dma_wait3A_152 = arith.constant 0 : i32
    %dma_wait3A_153 = tpu.memref_slice %arg10[%dma_wait3A_151, %dma_wait3A_152] : memref<10000x128xf32, #tpu.memory_space<vmem_shared>> -> memref<10000x128xf32, #tpu.memory_space<vmem_shared>>
    tpu.wait_indirect_dma semaphore(%arg14 : memref<!tpu.dma_semaphore, #tpu.memory_space<semaphore_mem>>) src(%arg8 : memref<125x128xf32, #tpu.memory_space<vmem>>) dst(%dma_wait3A_153 : memref<10000x128xf32, #tpu.memory_space<vmem_shared>>)
    %barrier3A_154 = arith.constant 0 : index
    tpu.barrier barrier_id(%barrier3A_154)
    "tpu.region"() ({
      %run_scoped3A_155 = tpu.sem_alloc : memref<!tpu.dma_semaphore, #tpu.memory_space<semaphore_mem>>
      %dma_start3A_156 = arith.constant 0 : i32
      %dma_start3A_157 = tpu.memref_slice %arg4[%arg0, %multiple_of3A, %dma_start3A_156] : memref<2x10000x128xf32, #tpu.memory_space<hbm>> -> memref<1x640x128xf32, #tpu.memory_space<hbm>>
      %dma_start3A_158 = tpu.memref_squeeze %dma_start3A_157 : memref<1x640x128xf32, #tpu.memory_space<hbm>> -> memref<640x128xf32, #tpu.memory_space<hbm>>
      %dma_start3A_159 = arith.constant 0 : i32
      %dma_start3A_160 = tpu.memref_slice %arg10[%multiple_of3A, %dma_start3A_159] : memref<10000x128xf32, #tpu.memory_space<vmem_shared>> -> memref<640x128xf32, #tpu.memory_space<vmem_shared>>
      tpu.enqueue_dma source(%dma_start3A_160 : memref<640x128xf32, #tpu.memory_space<vmem_shared>>) target(%dma_start3A_158 : memref<640x128xf32, #tpu.memory_space<hbm>>) target_semaphore(%run_scoped3A_155 : memref<!tpu.dma_semaphore, #tpu.memory_space<semaphore_mem>>)
      %dma_wait3A_161 = arith.constant 0 : i32
      %dma_wait3A_162 = tpu.memref_slice %arg4[%arg0, %multiple_of3A, %dma_wait3A_161] : memref<2x10000x128xf32, #tpu.memory_space<hbm>> -> memref<1x640x128xf32, #tpu.memory_space<hbm>>
      %dma_wait3A_163 = tpu.memref_squeeze %dma_wait3A_162 : memref<1x640x128xf32, #tpu.memory_space<hbm>> -> memref<640x128xf32, #tpu.memory_space<hbm>>
      %dma_wait3A_164 = arith.constant 0 : i32
      %dma_wait3A_165 = tpu.memref_slice %arg10[%multiple_of3A, %dma_wait3A_164] : memref<10000x128xf32, #tpu.memory_space<vmem_shared>> -> memref<640x128xf32, #tpu.memory_space<vmem_shared>>
      tpu.wait_dma2 semaphore(%run_scoped3A_155 : memref<!tpu.dma_semaphore, #tpu.memory_space<semaphore_mem>>) src(%dma_wait3A_165 : memref<640x128xf32, #tpu.memory_space<vmem_shared>>) dst(%dma_wait3A_163 : memref<640x128xf32, #tpu.memory_space<hbm>>)
      tpu.yield
    }) : () -> ()
    return
  }
}

module attributes {stable_mosaic.version = 14 : i64} {
  func.func @_conv0_body(%arg0: i32, %arg1: memref<2000x128xf32, #tpu.memory_space<vmem>>, %arg2: memref<2x2000x128xf32, #tpu.memory_space<vmem>>, %arg3: memref<2x2000x1xf32, #tpu.memory_space<vmem>>, %arg4: memref<128x128xf32, #tpu.memory_space<vmem>>, %arg5: memref<128x128xf32, #tpu.memory_space<vmem>>, %arg6: memref<1x128xf32, #tpu.memory_space<vmem>>, %arg7: memref<2000x128xf32, #tpu.memory_space<vmem>>) attributes {dimension_semantics = [#tpu.dimension_semantics<arbitrary>], iteration_bounds = array<i64: 5>, scalar_prefetch = 0 : i64, scratch_operands = 0 : i64, tpu.core_type = #tpu.core_type<tc>, window_params = [{transform_indices = @transform_0, window_bounds = array<i64: 2000, 128>}, {transform_indices = @transform_1, window_bounds = array<i64: 2, 2000, 128>}, {transform_indices = @transform_2, window_bounds = array<i64: 2, 2000, 1>}, {pipeline_mode = #tpu.pipeline_mode<synchronous>, transform_indices = @transform_3, window_bounds = array<i64: 128, 128>}, {pipeline_mode = #tpu.pipeline_mode<synchronous>, transform_indices = @transform_4, window_bounds = array<i64: 128, 128>}, {pipeline_mode = #tpu.pipeline_mode<synchronous>, transform_indices = @transform_5, window_bounds = array<i64: 1, 128>}, {transform_indices = @transform_6, window_bounds = array<i64: 2000, 128>}]} {
    %get3A = arith.constant 0 : index
    %get3A_0 = arith.constant 0 : index
    %get3A_1 = arith.constant 0 : index
    %get3A_2 = vector.load %arg3[%get3A, %get3A_0, %get3A_1] : memref<2x2000x1xf32, #tpu.memory_space<vmem>>, vector<1x2000x1xf32>
    %get3A_3 = vector.shape_cast %get3A_2 : vector<1x2000x1xf32> to vector<2000x1xf32>
    %get3A_4 = arith.constant 1 : index
    %get3A_5 = arith.constant 0 : index
    %get3A_6 = arith.constant 0 : index
    %get3A_7 = vector.load %arg3[%get3A_4, %get3A_5, %get3A_6] : memref<2x2000x1xf32, #tpu.memory_space<vmem>>, vector<1x2000x1xf32>
    %get3A_8 = vector.shape_cast %get3A_7 : vector<1x2000x1xf32> to vector<2000x1xf32>
    %add3A = arith.addf %get3A_3, %get3A_8 : vector<2000x1xf32>
    %max3A = arith.constant 1.000000e+00 : f32
    %max3A_9 = vector.broadcast %max3A : f32 to vector<2000x1xf32>
    %max3A_10 = arith.maximumf %add3A, %max3A_9 : vector<2000x1xf32>
    %div3A = arith.constant 1.000000e+00 : f32
    %div3A_11 = vector.broadcast %div3A : f32 to vector<2000x1xf32>
    %div3A_12 = arith.divf %div3A_11, %max3A_10 : vector<2000x1xf32>
    %get3A_13 = arith.constant 0 : index
    %get3A_14 = arith.constant 0 : index
    %get3A_15 = arith.constant 0 : index
    %get3A_16 = vector.load %arg2[%get3A_13, %get3A_14, %get3A_15] : memref<2x2000x128xf32, #tpu.memory_space<vmem>>, vector<1x2000x128xf32>
    %get3A_17 = vector.shape_cast %get3A_16 : vector<1x2000x128xf32> to vector<2000x128xf32>
    %get3A_18 = arith.constant 1 : index
    %get3A_19 = arith.constant 0 : index
    %get3A_20 = arith.constant 0 : index
    %get3A_21 = vector.load %arg2[%get3A_18, %get3A_19, %get3A_20] : memref<2x2000x128xf32, #tpu.memory_space<vmem>>, vector<1x2000x128xf32>
    %get3A_22 = vector.shape_cast %get3A_21 : vector<1x2000x128xf32> to vector<2000x128xf32>
    %add3A_23 = arith.addf %get3A_17, %get3A_22 : vector<2000x128xf32>
    %mul3A = vector.broadcast %div3A_12 : vector<2000x1xf32> to vector<2000x128xf32>
    %mul3A_24 = arith.mulf %add3A_23, %mul3A : vector<2000x128xf32>
    %get3A_25 = arith.constant 0 : index
    %get3A_26 = arith.constant 0 : index
    %get3A_27 = vector.load %arg1[%get3A_25, %get3A_26] : memref<2000x128xf32, #tpu.memory_space<vmem>>, vector<2000x128xf32>
    %get3A_28 = arith.constant 0 : index
    %get3A_29 = arith.constant 0 : index
    %get3A_30 = vector.load %arg4[%get3A_28, %get3A_29] : memref<128x128xf32, #tpu.memory_space<vmem>>, vector<128x128xf32>
    %dot_general3A = arith.constant dense<0.000000e+00> : vector<2000x128xf32>
    %dot_general3A_31 = tpu.matmul %get3A_27, %get3A_30, %dot_general3A {dimension_numbers = #tpu.dot_dimension_numbers<[1], [1], [0], [0], [0, 0, 1, 0], [], []>, transpose_lhs_hint = false} : vector<2000x128xf32>, vector<128x128xf32>, vector<2000x128xf32> -> vector<2000x128xf32>
    %get3A_32 = arith.constant 0 : index
    %get3A_33 = arith.constant 0 : index
    %get3A_34 = vector.load %arg5[%get3A_32, %get3A_33] : memref<128x128xf32, #tpu.memory_space<vmem>>, vector<128x128xf32>
    %dot_general3A_35 = arith.constant dense<0.000000e+00> : vector<2000x128xf32>
    %dot_general3A_36 = tpu.matmul %mul3A_24, %get3A_34, %dot_general3A_35 {dimension_numbers = #tpu.dot_dimension_numbers<[1], [1], [0], [0], [0, 0, 1, 0], [], []>, transpose_lhs_hint = false} : vector<2000x128xf32>, vector<128x128xf32>, vector<2000x128xf32> -> vector<2000x128xf32>
    %add3A_37 = arith.addf %dot_general3A_31, %dot_general3A_36 : vector<2000x128xf32>
    %get3A_38 = arith.constant 0 : index
    %get3A_39 = arith.constant 0 : index
    %get3A_40 = vector.load %arg6[%get3A_38, %get3A_39] : memref<1x128xf32, #tpu.memory_space<vmem>>, vector<1x128xf32>
    %add3A_41 = vector.broadcast %get3A_40 : vector<1x128xf32> to vector<2000x128xf32>
    %add3A_42 = arith.addf %add3A_37, %add3A_41 : vector<2000x128xf32>
    %max3A_43 = arith.constant 0.000000e+00 : f32
    %max3A_44 = vector.broadcast %max3A_43 : f32 to vector<2000x128xf32>
    %max3A_45 = arith.maximumf %add3A_42, %max3A_44 : vector<2000x128xf32>
    %swap3A = arith.constant 0 : index
    %swap3A_46 = arith.constant 0 : index
    %swap3A_47 = vector.load %arg7[%swap3A, %swap3A_46] : memref<2000x128xf32, #tpu.memory_space<vmem>>, vector<2000x128xf32>
    tpu.vector_store %arg7[%swap3A, %swap3A_46], %max3A_45 {strides = array<i32>} : memref<2000x128xf32, #tpu.memory_space<vmem>>, vector<2000x128xf32>,
    return
  }
  func.func @transform_0(%arg0: i32) -> (i32, i32) {
    %c0_i32 = arith.constant 0 : i32
    %c0_i32_0 = arith.constant 0 : i32
    return %arg0, %c0_i32 : i32, i32
  }
  func.func @transform_1(%arg0: i32) -> (i32, i32, i32) {
    %c0_i32 = arith.constant 0 : i32
    %c0_i32_0 = arith.constant 0 : i32
    %c0_i32_1 = arith.constant 0 : i32
    return %c0_i32, %arg0, %c0_i32_0 : i32, i32, i32
  }
  func.func @transform_2(%arg0: i32) -> (i32, i32, i32) {
    %c0_i32 = arith.constant 0 : i32
    %c0_i32_0 = arith.constant 0 : i32
    %c0_i32_1 = arith.constant 0 : i32
    return %c0_i32, %arg0, %c0_i32_0 : i32, i32, i32
  }
  func.func @transform_3(%arg0: i32) -> (i32, i32) {
    %c0_i32 = arith.constant 0 : i32
    %c0_i32_0 = arith.constant 0 : i32
    %c0_i32_1 = arith.constant 0 : i32
    return %c0_i32, %c0_i32_0 : i32, i32
  }
  func.func @transform_4(%arg0: i32) -> (i32, i32) {
    %c0_i32 = arith.constant 0 : i32
    %c0_i32_0 = arith.constant 0 : i32
    %c0_i32_1 = arith.constant 0 : i32
    return %c0_i32, %c0_i32_0 : i32, i32
  }
  func.func @transform_5(%arg0: i32) -> (i32, i32) {
    %c0_i32 = arith.constant 0 : i32
    %c0_i32_0 = arith.constant 0 : i32
    %c0_i32_1 = arith.constant 0 : i32
    return %c0_i32, %c0_i32_0 : i32, i32
  }
  func.func @transform_6(%arg0: i32) -> (i32, i32) {
    %c0_i32 = arith.constant 0 : i32
    %c0_i32_0 = arith.constant 0 : i32
    return %arg0, %c0_i32 : i32, i32
  }
}

module attributes {stable_mosaic.version = 14 : i64} {
  func.func @_conv1_lin_body(%arg0: i32, %arg1: memref<2000x128xf32, #tpu.memory_space<vmem>>, %arg2: memref<2x2000x128xf32, #tpu.memory_space<vmem>>, %arg3: memref<2x2000x1xf32, #tpu.memory_space<vmem>>, %arg4: memref<128x128xf32, #tpu.memory_space<vmem>>, %arg5: memref<128x128xf32, #tpu.memory_space<vmem>>, %arg6: memref<1x128xf32, #tpu.memory_space<vmem>>, %arg7: memref<128x128xf32, #tpu.memory_space<vmem>>, %arg8: memref<1x128xf32, #tpu.memory_space<vmem>>, %arg9: memref<2000x128xf32, #tpu.memory_space<vmem>>) attributes {dimension_semantics = [#tpu.dimension_semantics<arbitrary>], iteration_bounds = array<i64: 5>, scalar_prefetch = 0 : i64, scratch_operands = 0 : i64, tpu.core_type = #tpu.core_type<tc>, window_params = [{transform_indices = @transform_0, window_bounds = array<i64: 2000, 128>}, {transform_indices = @transform_1, window_bounds = array<i64: 2, 2000, 128>}, {transform_indices = @transform_2, window_bounds = array<i64: 2, 2000, 1>}, {pipeline_mode = #tpu.pipeline_mode<synchronous>, transform_indices = @transform_3, window_bounds = array<i64: 128, 128>}, {pipeline_mode = #tpu.pipeline_mode<synchronous>, transform_indices = @transform_4, window_bounds = array<i64: 128, 128>}, {pipeline_mode = #tpu.pipeline_mode<synchronous>, transform_indices = @transform_5, window_bounds = array<i64: 1, 128>}, {pipeline_mode = #tpu.pipeline_mode<synchronous>, transform_indices = @transform_6, window_bounds = array<i64: 128, 128>}, {pipeline_mode = #tpu.pipeline_mode<synchronous>, transform_indices = @transform_7, window_bounds = array<i64: 1, 128>}, {transform_indices = @transform_8, window_bounds = array<i64: 2000, 128>}]} {
    %get3A = arith.constant 0 : index
    %get3A_0 = arith.constant 0 : index
    %get3A_1 = arith.constant 0 : index
    %get3A_2 = vector.load %arg3[%get3A, %get3A_0, %get3A_1] : memref<2x2000x1xf32, #tpu.memory_space<vmem>>, vector<1x2000x1xf32>
    %get3A_3 = vector.shape_cast %get3A_2 : vector<1x2000x1xf32> to vector<2000x1xf32>
    %get3A_4 = arith.constant 1 : index
    %get3A_5 = arith.constant 0 : index
    %get3A_6 = arith.constant 0 : index
    %get3A_7 = vector.load %arg3[%get3A_4, %get3A_5, %get3A_6] : memref<2x2000x1xf32, #tpu.memory_space<vmem>>, vector<1x2000x1xf32>
    %get3A_8 = vector.shape_cast %get3A_7 : vector<1x2000x1xf32> to vector<2000x1xf32>
    %add3A = arith.addf %get3A_3, %get3A_8 : vector<2000x1xf32>
    %max3A = arith.constant 1.000000e+00 : f32
    %max3A_9 = vector.broadcast %max3A : f32 to vector<2000x1xf32>
    %max3A_10 = arith.maximumf %add3A, %max3A_9 : vector<2000x1xf32>
    %div3A = arith.constant 1.000000e+00 : f32
    %div3A_11 = vector.broadcast %div3A : f32 to vector<2000x1xf32>
    %div3A_12 = arith.divf %div3A_11, %max3A_10 : vector<2000x1xf32>
    %get3A_13 = arith.constant 0 : index
    %get3A_14 = arith.constant 0 : index
    %get3A_15 = arith.constant 0 : index
    %get3A_16 = vector.load %arg2[%get3A_13, %get3A_14, %get3A_15] : memref<2x2000x128xf32, #tpu.memory_space<vmem>>, vector<1x2000x128xf32>
    %get3A_17 = vector.shape_cast %get3A_16 : vector<1x2000x128xf32> to vector<2000x128xf32>
    %get3A_18 = arith.constant 1 : index
    %get3A_19 = arith.constant 0 : index
    %get3A_20 = arith.constant 0 : index
    %get3A_21 = vector.load %arg2[%get3A_18, %get3A_19, %get3A_20] : memref<2x2000x128xf32, #tpu.memory_space<vmem>>, vector<1x2000x128xf32>
    %get3A_22 = vector.shape_cast %get3A_21 : vector<1x2000x128xf32> to vector<2000x128xf32>
    %add3A_23 = arith.addf %get3A_17, %get3A_22 : vector<2000x128xf32>
    %mul3A = vector.broadcast %div3A_12 : vector<2000x1xf32> to vector<2000x128xf32>
    %mul3A_24 = arith.mulf %add3A_23, %mul3A : vector<2000x128xf32>
    %get3A_25 = arith.constant 0 : index
    %get3A_26 = arith.constant 0 : index
    %get3A_27 = vector.load %arg1[%get3A_25, %get3A_26] : memref<2000x128xf32, #tpu.memory_space<vmem>>, vector<2000x128xf32>
    %get3A_28 = arith.constant 0 : index
    %get3A_29 = arith.constant 0 : index
    %get3A_30 = vector.load %arg4[%get3A_28, %get3A_29] : memref<128x128xf32, #tpu.memory_space<vmem>>, vector<128x128xf32>
    %dot_general3A = arith.constant dense<0.000000e+00> : vector<2000x128xf32>
    %dot_general3A_31 = tpu.matmul %get3A_27, %get3A_30, %dot_general3A {dimension_numbers = #tpu.dot_dimension_numbers<[1], [1], [0], [0], [0, 0, 1, 0], [], []>, transpose_lhs_hint = false} : vector<2000x128xf32>, vector<128x128xf32>, vector<2000x128xf32> -> vector<2000x128xf32>
    %get3A_32 = arith.constant 0 : index
    %get3A_33 = arith.constant 0 : index
    %get3A_34 = vector.load %arg5[%get3A_32, %get3A_33] : memref<128x128xf32, #tpu.memory_space<vmem>>, vector<128x128xf32>
    %dot_general3A_35 = arith.constant dense<0.000000e+00> : vector<2000x128xf32>
    %dot_general3A_36 = tpu.matmul %mul3A_24, %get3A_34, %dot_general3A_35 {dimension_numbers = #tpu.dot_dimension_numbers<[1], [1], [0], [0], [0, 0, 1, 0], [], []>, transpose_lhs_hint = false} : vector<2000x128xf32>, vector<128x128xf32>, vector<2000x128xf32> -> vector<2000x128xf32>
    %add3A_37 = arith.addf %dot_general3A_31, %dot_general3A_36 : vector<2000x128xf32>
    %get3A_38 = arith.constant 0 : index
    %get3A_39 = arith.constant 0 : index
    %get3A_40 = vector.load %arg6[%get3A_38, %get3A_39] : memref<1x128xf32, #tpu.memory_space<vmem>>, vector<1x128xf32>
    %add3A_41 = vector.broadcast %get3A_40 : vector<1x128xf32> to vector<2000x128xf32>
    %add3A_42 = arith.addf %add3A_37, %add3A_41 : vector<2000x128xf32>
    %get3A_43 = arith.constant 0 : index
    %get3A_44 = arith.constant 0 : index
    %get3A_45 = vector.load %arg7[%get3A_43, %get3A_44] : memref<128x128xf32, #tpu.memory_space<vmem>>, vector<128x128xf32>
    %dot_general3A_46 = arith.constant dense<0.000000e+00> : vector<2000x128xf32>
    %dot_general3A_47 = tpu.matmul %add3A_42, %get3A_45, %dot_general3A_46 {dimension_numbers = #tpu.dot_dimension_numbers<[1], [1], [0], [0], [0, 0, 1, 0], [], []>, transpose_lhs_hint = false} : vector<2000x128xf32>, vector<128x128xf32>, vector<2000x128xf32> -> vector<2000x128xf32>
    %get3A_48 = arith.constant 0 : index
    %get3A_49 = arith.constant 0 : index
    %get3A_50 = vector.load %arg8[%get3A_48, %get3A_49] : memref<1x128xf32, #tpu.memory_space<vmem>>, vector<1x128xf32>
    %add3A_51 = vector.broadcast %get3A_50 : vector<1x128xf32> to vector<2000x128xf32>
    %add3A_52 = arith.addf %dot_general3A_47, %add3A_51 : vector<2000x128xf32>
    %swap3A = arith.constant 0 : index
    %swap3A_53 = arith.constant 0 : index
    %swap3A_54 = vector.load %arg9[%swap3A, %swap3A_53] : memref<2000x128xf32, #tpu.memory_space<vmem>>, vector<2000x128xf32>
    tpu.vector_store %arg9[%swap3A, %swap3A_53], %add3A_52 {strides = array<i32>} : memref<2000x128xf32, #tpu.memory_space<vmem>>, vector<2000x128xf32>,
    return
  }
  func.func @transform_0(%arg0: i32) -> (i32, i32) {
    %c0_i32 = arith.constant 0 : i32
    %c0_i32_0 = arith.constant 0 : i32
    return %arg0, %c0_i32 : i32, i32
  }
  func.func @transform_1(%arg0: i32) -> (i32, i32, i32) {
    %c0_i32 = arith.constant 0 : i32
    %c0_i32_0 = arith.constant 0 : i32
    %c0_i32_1 = arith.constant 0 : i32
    return %c0_i32, %arg0, %c0_i32_0 : i32, i32, i32
  }
  func.func @transform_2(%arg0: i32) -> (i32, i32, i32) {
    %c0_i32 = arith.constant 0 : i32
    %c0_i32_0 = arith.constant 0 : i32
    %c0_i32_1 = arith.constant 0 : i32
    return %c0_i32, %arg0, %c0_i32_0 : i32, i32, i32
  }
  func.func @transform_3(%arg0: i32) -> (i32, i32) {
    %c0_i32 = arith.constant 0 : i32
    %c0_i32_0 = arith.constant 0 : i32
    %c0_i32_1 = arith.constant 0 : i32
    return %c0_i32, %c0_i32_0 : i32, i32
  }
  func.func @transform_4(%arg0: i32) -> (i32, i32) {
    %c0_i32 = arith.constant 0 : i32
    %c0_i32_0 = arith.constant 0 : i32
    %c0_i32_1 = arith.constant 0 : i32
    return %c0_i32, %c0_i32_0 : i32, i32
  }
  func.func @transform_5(%arg0: i32) -> (i32, i32) {
    %c0_i32 = arith.constant 0 : i32
    %c0_i32_0 = arith.constant 0 : i32
    %c0_i32_1 = arith.constant 0 : i32
    return %c0_i32, %c0_i32_0 : i32, i32
  }
  func.func @transform_6(%arg0: i32) -> (i32, i32) {
    %c0_i32 = arith.constant 0 : i32
    %c0_i32_0 = arith.constant 0 : i32
    %c0_i32_1 = arith.constant 0 : i32
    return %c0_i32, %c0_i32_0 : i32, i32
  }
  func.func @transform_7(%arg0: i32) -> (i32, i32) {
    %c0_i32 = arith.constant 0 : i32
    %c0_i32_0 = arith.constant 0 : i32
    %c0_i32_1 = arith.constant 0 : i32
    return %c0_i32, %c0_i32_0 : i32, i32
  }
  func.func @transform_8(%arg0: i32) -> (i32, i32) {
    %c0_i32 = arith.constant 0 : i32
    %c0_i32_0 = arith.constant 0 : i32
    return %arg0, %c0_i32 : i32, i32
  }
}

</mosaic_0001>

<sc_bundles>
// kernel: kernel.6.cloned.1.call-start
scs
__scs_entry_jumppad:
0x0: {  	(pc) =	sbr.rel $0x88, $3  }
0x1: {  	(tag) =	ssettag $0x0;
	lr =	simm.s32 $0x1  }
0x2: {  	[smem:$0x3F97] =	sst lr;
	_ =	strace $0xD0000000  }
0x3: {  	_ = 	snop  }
0x4: {  	_ = 	snop  }
0x5: {  	_ = 	snop  }
0x6: {  	_ = 	snop  }
0x7: {  	_ = 	snop  }
__scs_overlays_trampoline_lowered:
0x8: {  	[smem:$0x3FA6] =	sst s0  }
0x9: {  	[smem:$0x3FA7] =	sst s1  }
0xa: {  	[smem:$0x3FA8] =	sst s2  }
0xb: {  	[smem:$0x3FA9] =	sst s3  }
0xc: {  	[smem:$0x3FAA] =	sst s4  }
0xd: {  	[smem:$0x3FAB] =	sst s5  }
0xe: {  	[smem:$0x3FAC] =	sst s6  }
0xf: {  	[smem:$0x3FAD] =	sst s7  }
0x10: {  	[smem:$0x3FAE] =	sst s8  }
0x11: {  	[smem:$0x3FAF] =	sst s9;
	s0 =	simm.s32 @!p0 $0x0  }
0x12: {  	s1 =	sld [smem:$0x3F95];
	s0 =	simm.s32 @p0 $0x1  }
0x13: {  	[smem:$0x3FB0] =	sst s0;
	s0 =	simm.s32 @!p1 $0x0  }
0x14: {  	s2 =	sld [smem:$0x3F94];
	s0 =	simm.s32 @p1 $0x1  }
0x15: {  	[smem:$0x3FB1] =	sst s0;
	s0 =	simm.s32 @!p2 $0x0  }
0x16: {  	s3 =	sld [smem:$0x3FDB];
	s0 =	simm.s32 @p2 $0x1  }
0x17: {  	s4 =	simm.s32 $0x1BF5;
	[smem:$0x3FB3] =	sst s0  }
0x18: {  	s0 =	sld [smem:$0x3F96];
	_ =	swait.ge [sflag:s4], $0x0  }
0x19: {  	s7 =	sld [smem:$0x3F97]  }
0x1a: {  	s8 =	sadd.s32 $0xFFFFE003, lr  }
0x1b: {  	s9 =	sadd.s32 $0xFFFFFEF7, lr;
	s5 =	simm.s32 $0xFFFFFFFF;
	p2 =	slt.u32 s8, $0xFFFFF086  }
0x1c: {  	p1 =	slt.u32 s9, $0xF7A;
	s5 =	simm.s32 @!p2 $0x0  }
0x1d: {  	s5 =	simm.s32 @p1 $0x1;
	p0 =	seq.s32 s7, s2  }
0x1e: {  	s7 =	smul.u32 @!p0 $0xF7A, s2;
	p2 =	seq.s32 @!p0 s5, $0x0  }
0x1f: {  	s9 =	smul.u32 $0xF7A, s1;
	s8 =	simm.s32 @!p0 $0x1BF5;
	p2 =	por !p2, p0  }
0x20: {  	[sflag:s8] =	ssyncset.s32 @!p0 $0xFFFFF086;
	s6 =	sadd.s32 @!p0 s3, s7;
	s7 =	simm.s32 @!p0 $0x108  }
0x21: {  	s3 =	sadd.s32 s3, s9;
	s6 =	sadd.s32 @!p0 $0x88, s6;
	s7 =	simm.s32 @p2 $0x1082  }
0x22: {  	[simem:s7], [sflag:s8] =	dma.local @!p0 [hbm:s6], $0xF7A  }
0x23: {  	s9 =	sor.u32 $0xD0000000, s2;
	s6 =	simm.s32 $0x108;
	_ =	swait.ge @!p0 [sflag:s8], $0x0  }
0x24: {  	s3 =	sadd.s32 $0x88, s3;
	s6 =	simm.s32 @!p1 $0x1082;
	[sflag:s4] =	ssyncset.s32 $0xFFFFF086  }
0x25: {  	[simem:s6], [sflag:s4] =	dma.local [hbm:s3], $0xF7A  }
0x26: {  	[smem:$0x3F97] =	sst s1;
	(tag) =	ssettag s2;
	_ =	strace s9  }
0x27: {  	s1 =	sld [smem:$0x3FA7]  }
0x28: {  	s2 =	sld [smem:$0x3FA8]  }
0x29: {  	s4 =	sld [smem:$0x3FAA]  }
0x2a: {  	p0 =	seq.s32 s5, $0x0;
	s5 =	sld [smem:$0x3FAB]  }
0x2b: {  	s6 =	sld [smem:$0x3FAC]  }
0x2c: {  	s7 =	sld [smem:$0x3FAD]  }
0x2d: {  	s3 =	simm.s32 $0x108;
	s8 =	sld [smem:$0x3FAE]  }
0x2e: {  	s3 =	simm.s32 @!p0 $0x1082;
	s9 =	sld [smem:$0x3FAF]  }
0x2f: {  	lr =	sadd.s32 s0, s3;
	s0 =	sld [smem:$0x3FA6]  }
0x30: {  	s3 =	sld [smem:$0x3FA9]  }
0x31: {  	[smem:$0x3FB2] =	sst s10  }
0x32: {  	s10 =	sld [smem:$0x3FB0];
	_ =	sdelay $0x3  }
0x33: {  	p0 =	seq.s32 s10, $0x1;
	s10 =	sld [smem:$0x3FB2];
	_ =	sdelay $0x3  }
0x34: {  	[smem:$0x3FB2] =	sst s10  }
0x35: {  	s10 =	sld [smem:$0x3FB1];
	_ =	sdelay $0x3  }
0x36: {  	p1 =	seq.s32 s10, $0x1;
	s10 =	sld [smem:$0x3FB2];
	_ =	sdelay $0x3  }
0x37: {  	[smem:$0x3FB2] =	sst s10  }
0x38: {  	s10 =	sld [smem:$0x3FB3]  }
0x39: {  	_ = 	snop;
	(pc) =	sbr.ind lr, $3  }
0x3a: {  	_ = 	snop  }
0x3b: {  	_ = 	snop  }
0x3c: {  	p2 =	seq.s32 s10, $0x1;
	s10 =	sld [smem:$0x3FB2]  }
0x3d: {  	_ =	shalt  }
0x3e: {  	_ =	shalt  }
0x3f: {  	_ =	shalt  }
0x40: {  	_ =	shalt  }
0x41: {  	_ =	shalt  }
0x42: {  	_ =	shalt  }
0x43: {  	_ =	shalt  }
0x44: {  	_ =	shalt  }
0x45: {  	_ =	shalt  }
0x46: {  	_ =	shalt  }
0x47: {  	_ =	shalt  }
0x48: {  	_ =	shalt  }
0x49: {  	_ =	shalt  }
0x4a: {  	_ =	shalt  }
0x4b: {  	_ =	shalt  }
0x4c: {  	_ =	shalt  }
0x4d: {  	_ =	shalt  }
0x4e: {  	_ =	shalt  }
0x4f: {  	_ =	shalt  }
0x50: {  	_ =	shalt  }
0x51: {  	_ =	shalt  }
0x52: {  	_ =	shalt  }
0x53: {  	_ =	shalt  }
0x54: {  	_ =	shalt  }
0x55: {  	_ =	shalt  }
0x56: {  	_ =	shalt  }
0x57: {  	_ =	shalt  }
0x58: {  	_ =	shalt  }
0x59: {  	_ =	shalt  }
0x5a: {  	_ =	shalt  }
0x5b: {  	_ =	shalt  }
0x5c: {  	_ =	shalt  }
0x5d: {  	_ =	shalt  }
0x5e: {  	_ =	shalt  }
0x5f: {  	_ =	shalt  }
0x60: {  	_ =	shalt  }
0x61: {  	_ =	shalt  }
0x62: {  	_ =	shalt  }
0x63: {  	_ =	shalt  }
0x64: {  	_ =	shalt  }
0x65: {  	_ =	shalt  }
0x66: {  	_ =	shalt  }
0x67: {  	_ =	shalt  }
0x68: {  	_ =	shalt  }
0x69: {  	_ =	shalt  }
0x6a: {  	_ =	shalt  }
0x6b: {  	_ =	shalt  }
0x6c: {  	_ =	shalt  }
0x6d: {  	_ =	shalt  }
0x6e: {  	_ =	shalt  }
0x6f: {  	_ =	shalt  }
0x70: {  	_ =	shalt  }
0x71: {  	_ =	shalt  }
0x72: {  	_ =	shalt  }
0x73: {  	_ =	shalt  }
0x74: {  	_ =	shalt  }
0x75: {  	_ =	shalt  }
0x76: {  	_ =	shalt  }
0x77: {  	_ =	shalt  }
0x78: {  	_ =	shalt  }
0x79: {  	_ =	shalt  }
0x7a: {  	_ =	shalt  }
0x7b: {  	_ =	shalt  }
0x7c: {  	_ =	shalt  }
0x7d: {  	_ =	shalt  }
0x7e: {  	_ =	shalt  }
0x7f: {  	_ =	shalt  }
0x80: {  	_ =	shalt  }
0x81: {  	_ =	shalt  }
0x82: {  	_ =	shalt  }
0x83: {  	_ =	shalt  }
0x84: {  	_ =	shalt  }
0x85: {  	_ =	shalt  }
0x86: {  	_ =	shalt  }
0x87: {  	_ =	shalt  }
.Lfunc_end0:
.L_simem_size_0:
called_computation_lowered:
.L_overlay_start_0:
0x88: {  	s2 =	sld [smem:$0x3FD9]  }
0x89: {  	s3 =	sld [smem:$0x3FFE];
	_ =	sdelay $0x1  }
0x8a: {  	s1 =	srdreg.scid  }
0x8b: {  	s0 =	sand.u32 $0x1, s1  }
0x8c: {  	s17 =	sshll.u32 s0, $0xA;
	s2 =	sadd.s32 s3, s2  }
0x8d: {  	s2 =	sadd.s32 s2, s17  }
0x8e: {  	[smem:$0x3FBE] =	sst s2  }
0x8f: {  	_ = 	snop  }
0x90: {  	s2 =	sld [smem:$0x3FC9]  }
0x91: {  	s18 =	sld [smem:$0x3FD0];
	(tm) =	ssettm $0x1  }
0x92: {  	s4 =	sld [smem:$0x3FFB];
	_ =	sdelay $0x3  }
0x93: {  	_ =	strace s4  }
0x94: {  	s4 =	sld [smem:$0x3FFC];
	_ =	sdelay $0x3  }
0x95: {  	_ =	strace s4  }
0x96: {  	s4 =	sld [smem:$0x3FFD];
	_ =	sdelay $0x3  }
0x97: {  	_ =	strace s4  }
0x98: {  	_ =	strace $0x8FFFFFFF  }
0x99: {  	s19 =	sld [smem:$0x3FDB];
	_ =	sdelay $0x1  }
0x9a: {  	s5 =	simm.s32 $_scs_section_size  }
0x9b: {  	s6 =	simm.s32 $_size__tile_overlayer_lowered;
	s7 =	simm.s32 $_tile_overlayer_lowered  }
0x9c: {  	s22 =	simm.s32 $0x1BFF;
	s21 =	sshll.u32 s7, $0x1;
	s4 =	sadd.s32 s5, s19  }
0x9d: {  	s8 =	simm.s32 $0x0;
	s20 =	sshll.u32 s6, $0x1;
	s6 =	sadd.s32 s21, s4  }
0x9e: {  	[timem:s8], [sflag:s22] =	dma.local [hbm:s6], s20  }
0x9f: {  	_ =	swait.ge [sflag:s22], s20  }
0xa0: {  	s5 =	ssub.s32 $0x0, s20;
	[sflag:s22] =	ssyncset.done $0x0  }
0xa1: {  	[sflag:s22] =	ssyncadd.s32 s5;
	_ =	sdelay $0x1  }
0xa2: {  	s23 =	simm.s32 $0x1B8B  }
0xa3: {  	_ =	swait.ge [sflag:s23], $0x1  }
0xa4: {  	[sflag:s23] =	ssyncset.done $0x0  }
0xa5: {  	s25 =	simm.s32 $0x1B8E;
	s24 =	sld [smem:$0x3FFE];
	[sflag:s23] =	ssyncadd.s32 $0xFFFFFFFF  }
0xa6: {  	s26 =	simm.s32 $execute0_lowered;
	[smem:$0x3FD2] =	sst s25  }
0xa7: {  	s6 =	sshll.u32 s26, $0x1;
	_ =	strace $0x80000046;
	[dreg:$0x1] =	wrdreg $0xFFFFFFFF  }
0xa8: {  	s28 =	simm.s32 $_size_execute0_lowered;
	s4 =	sadd.s32 s4, s6;
	[dreg:$0x0] =	wrdreg $0x0  }
0xa9: {  	s6 =	sshll.u32 s28, $0x1;
	[dreg:$0x2] =	wrdreg s4  }
0xaa: {  	[dreg:$0x3] =	wrdreg s6  }
0xab: {  	[dreg:$0x4] =	wrdreg $0xC0  }
0xac: {  	_ =	task [dreg:s8], $0x5FFFF  }
0xad: {  	[dreg:$0x1] =	wrdreg $0xFFFFFFFF  }
0xae: {  	[dreg:$0x0] =	wrdreg $0x60  }
0xaf: {  	[dreg:$0x2] =	wrdreg s24  }
0xb0: {  	[dreg:$0x3] =	wrdreg s2  }
0xb1: {  	[dreg:$0x4] =	wrdreg s18  }
0xb2: {  	[dreg:$0x5] =	wrdreg $0xBC000  }
0xb3: {  	[dreg:$0x6] =	wrdreg $0x1F7800  }
0xb4: {  	[dreg:$0x7] =	wrdreg $0x9  }
0xb5: {  	_ =	task.clear_ibuf [dreg:s8], $0x8FFFF;
	_ =	strace $0x90000046  }
0xb6: {  	s29 =	simm.s32 $0x9;
	_ =	strace $0x80000048  }
0xb7: {  	_ =	swait.ge [sflag:s29], $0x1  }
0xb8: {  	[sflag:s29] =	ssyncadd.s32 $0xFFFFFFFF  }
0xb9: {  	_ =	strace $0x90000048  }
0xba: {  	_ =	sfence  }
0xbb: {  	s30 =	sld [smem:$0x0];
	_ =	sdelay $0x2  }
0xbc: {  	s31 =	sshll.u32 s1, $0xD;
	s1 =	sshrl.u32 s1, $0x2  }
0xbd: {  	s3 =	sand.u32 $0x4000, s31;
	s1 =	sadd.s32 s1, s30  }
0xbe: {  	s0 =	sor.u32 s3, s0;
	s1 =	sshll.u32 s1, $0x11  }
0xbf: {  	s0 =	sor.u32 s1, s0  }
0xc0: {  	s0 =	sadd.s32 $0x8F2B, s0  }
0xc1: {  	[sflag:s0] =	ssyncadd.remote.s32 $0x1  }
0xc2: {  	_ =	sfence.sel $0xFFFF  }
0xc3: {  	[dreg:$0x0] =	wrdreg $0xFFFFFFFF;
	(pc) =	sbr.abs _section_cstart, $3  }
0xc4: {  	[dreg:$0x1] =	wrdreg $0xFFFFFFFF  }
0xc5: {  	_ =	task.clear_ibuf [dreg:s8], $0x2FFFF;
	_ =	strace $0x9FFFFFFF  }
0xc6: {  	(tm) =	ssettm $0x7FFFFFFF  }
0xc7: {  	_ =	shalt  }
tec
execute0_lowered:
.L_overlay_start_1:
0x0: {  	(tag) =	ssettag $0x1  }
0x1: {  	s0 =	rddreg [dreg:$0x0]  }
0x2: {  	s2 =	srdreg.scid;
	s12 =	stileid.u32  }
0x3: {  	s1 =	rddreg [dreg:$0x1];
	s9 =	smul.u32 $0x13800, s12  }
0x4: {  	s7 =	rddreg [dreg:$0x2];
	s10 =	smul.u32 $0x270, s12  }
0x5: {  	s5 =	simm.s32 $0x0;
	s2 =	sand.u32 $0x1, s2;
	s25 =	smul.u32 $0x4E000, s12  }
0x6: {  	s3 =	sshll.u32 s12, $0x1;
	[smem:$0x7FF] =	sst s5;
	s8 =	smul.u32 $0x138800, s2  }
0x7: {  	s4 =	sor.u32 s2, s3;
	s20 =	ssub.s32 $0x2, s2;
	s2 =	smul.u32 $0x2710, s2  }
0x8: {  	s31 =	simm.s32 $0xA800;
	s3 =	rddreg [dreg:$0x3];
	s6 =	smul.u32 $0x2800, s4  }
0x9: {  	s4 =	rddreg [dreg:$0x4];
	_ =	strace $0x80000047;
	s21 =	sshrl.u32 s20, $0x1  }
0xa: {  	s12 =	sshrl.u32 s25, $0x2;
	s8 =	sadd.s32 s9, s8;
	s22 =	ssub.s32 s20, s21  }
0xb: {  	s2 =	sadd.s32 s10, s2;
	s12 =	sadd.s32 s12, s3;
	s14 =	smax.u32 s22, $0x1  }
0xc: {  	s9 =	simm.s32 $0x2800;
	s15 =	sadd.s32 $0x1400, s12;
	[dreg:$0xc] =	wrdreg s14  }
0xd: {  	s6 =	sshrl.u32 s6, $0x3;
	s16 =	sadd.s32 $0x2800, s12;
	[dreg:$0xd] =	wrdreg s15  }
0xe: {  	s8 =	sshrl.u32 s8, $0x3;
	s17 =	sadd.s32 $0x3C00, s12;
	[dreg:$0xe] =	wrdreg s16  }
0xf: {  	s2 =	sshrl.u32 s2, $0x3;
	s18 =	sadd.s32 $0x5000, s12;
	[dreg:$0xf] =	wrdreg s17  }
0x10: {  	s19 =	sadd.s32 $0x6400, s12;
	s20 =	sadd.s32 $0x7800, s12;
	[dreg:$0x10] =	wrdreg s18  }
0x11: {  	s21 =	sadd.s32 $0x8C00, s12;
	s22 =	sadd.s32 $0xA000, s12;
	[dreg:$0x11] =	wrdreg s19  }
0x12: {  	s25 =	sadd.s32 $0xDC00, s12;
	s28 =	sadd.s32 $0x10400, s12;
	[dreg:$0x12] =	wrdreg s20  }
0x13: {  	s29 =	sadd.s32 $0x11800, s12;
	s30 =	sadd.s32 $0x12C00, s12;
	[dreg:$0x13] =	wrdreg s21  }
0x14: {  	s11 =	sadd.s32 s6, s0;
	s0 =	sadd.s32 s8, s0;
	[dreg:$0x14] =	wrdreg s22  }
0x15: {  	s6 =	sadd.s32 s10, s4;
	s13 =	sadd.s32 s7, s2;
	[dreg:$0x17] =	wrdreg s25  }
0x16: {  	s2 =	simm.s32 $0x1F480;
	s7 =	simm.s32 $0x1400;
	s8 =	simm.s32 $0x7D  }
0x17: {  	s10 =	simm.s32 $0x80;
	s14 =	simm.s32 $0x1;
	s15 =	simm.s32 $0x1F700  }
0x18: {  	s16 =	simm.s32 $0x2;
	s23 =	sadd.s32 $0x2C00, s11;
	[dreg:$0xb] =	wrdreg s13  }
0x19: {  	s17 =	simm.s32 $0x3;
	s24 =	sadd.s32 $0xCC00, s11;
	[dreg:$0x6] =	wrdreg s23  }
0x1a: {  	s18 =	simm.s32 $0x4;
	s26 =	sadd.s32 $0x2E80, s11;
	[dreg:$0x7] =	wrdreg s24  }
0x1b: {  	s19 =	simm.s32 $0x2700;
	s11 =	sadd.s32 $0xCE80, s11;
	[dreg:$0x8] =	wrdreg s26  }
0x1c: {  	s20 =	simm.s32 $0x2780;
	s0 =	sadd.s32 $0x16C00, s0;
	[dreg:$0x9] =	wrdreg s11  }
0x1d: {  	s21 =	simm.s32 $0x6;
	[dreg:$0xa] =	wrdreg s0;
	s23 =	sadd.s32 $0xB400, s12  }
0x1e: {  	s22 =	simm.s32 $0x0;
	s24 =	sadd.s32 $0xC800, s12;
	[dreg:$0x15] =	wrdreg s23  }
0x1f: {  	s13 =	simm.s32 $0x5;
	s26 =	sadd.s32 $0xF000, s12;
	[dreg:$0x16] =	wrdreg s24  }
0x20: {  	v0 =	vimm.f32 $0.0e+00;
	v1 =	vimm.f32 $1.000000000e+00;
	s0 =	simm.s32 $0x7;
	s11 =	simm.s32 $0x6800;
	[dreg:$0x18] =	wrdreg s26  }
.LBB2_1:
0x21: {  	s23 =	sand.u32 $0x7E00, s5  }
0x22: {  	s24 =	sand.u32 $0x70, s5;
	s25 =	sshrl.u32 s23, $0x2  }
0x23: {  	s23 =	simm.s32 $0x40;
	s25 =	sor.u32 s24, s25;
	s24 =	simm.s32 $0x0  }
.LBB2_2:
0x24: {  	p0 =	sne.s32 s23, $0x4FC0  }
0x25: {  	[tilespmem:s25+$0xA800] =	vst v0;
	s24 =	sadd.s32 $0x10, s24;
	s25 =	smov.u32 s23;
	s23 =	sadd.s32 $0x40, s23  }
.Ltmp0:
0x26: {  	(pc) =	sbr.rel @p0 .LBB2_2-.Ltmp0, $4  }
0x27: {  	_ = 	snop  }
0x28: {  	s25 =	sand.u32 $0x7E00, s25  }
0x29: {  	s26 =	sand.u32 $0x70, s24;
	s25 =	sshrl.u32 s25, $0x2  }
0x2a: {  	s25 =	sor.u32 s26, s25  }
0x2b: {  	[tilespmem:s25+$0xA800] =	vst v0  }
0x2c: {  	[tilespmem:$0x1F480] =	vst v0  }
0x2d: {  	[tilespmem:$0x1F490] =	vst v0  }
0x2e: {  	[tilespmem:$0x1F4A0] =	vst v0  }
0x2f: {  	[tilespmem:$0x1F4B0] =	vst v0  }
0x30: {  	[tilespmem:$0x1F4C0] =	vst v0  }
0x31: {  	[tilespmem:$0x1F4D0] =	vst v0  }
0x32: {  	[tilespmem:$0x1F4E0] =	vst v0  }
0x33: {  	[tilespmem:$0x1F4F0] =	vst v0  }
0x34: {  	[tilespmem:$0x1F500] =	vst v0  }
0x35: {  	[tilespmem:$0x1F510] =	vst v0  }
0x36: {  	[tilespmem:$0x1F520] =	vst v0  }
0x37: {  	[tilespmem:$0x1F530] =	vst v0  }
0x38: {  	[tilespmem:$0x1F540] =	vst v0  }
0x39: {  	[tilespmem:$0x1F550] =	vst v0  }
0x3a: {  	[tilespmem:$0x1F560] =	vst v0  }
0x3b: {  	[tilespmem:$0x1F570] =	vst v0  }
0x3c: {  	[tilespmem:$0x1F580] =	vst v0  }
0x3d: {  	[tilespmem:$0x1F590] =	vst v0  }
0x3e: {  	[tilespmem:$0x1F5A0] =	vst v0  }
0x3f: {  	[tilespmem:$0x1F5B0] =	vst v0  }
0x40: {  	[tilespmem:$0x1F5C0] =	vst v0  }
0x41: {  	[tilespmem:$0x1F5D0] =	vst v0  }
0x42: {  	[tilespmem:$0x1F5E0] =	vst v0  }
0x43: {  	[tilespmem:$0x1F5F0] =	vst v0  }
0x44: {  	[tilespmem:$0x1F600] =	vst v0  }
0x45: {  	[tilespmem:$0x1F610] =	vst v0  }
0x46: {  	[tilespmem:$0x1F620] =	vst v0  }
0x47: {  	[tilespmem:$0x1F630] =	vst v0  }
0x48: {  	[tilespmem:$0x1F640] =	vst v0  }
0x49: {  	[tilespmem:$0x1F650] =	vst v0  }
0x4a: {  	[tilespmem:$0x1F660] =	vst v0  }
0x4b: {  	[tilespmem:$0x1F670] =	vst v0  }
0x4c: {  	[tilespmem:$0x1F680] =	vst v0  }
0x4d: {  	[tilespmem:$0x1F690] =	vst v0  }
0x4e: {  	[tilespmem:$0x1F6A0] =	vst v0  }
0x4f: {  	[tilespmem:$0x1F6B0] =	vst v0  }
0x50: {  	[tilespmem:$0x1F6C0] =	vst v0  }
0x51: {  	[tilespmem:$0x1F6D0] =	vst v0  }
0x52: {  	[tilespmem:$0x1F6E0] =	vst v0  }
0x53: {  	[tilespmem:$0x1F6F0] =	vst v0  }
0x54: {  	[tilespmem:$0x1F700] =	vst v1  }
0x55: {  	[tilespmem:$0x1F710] =	vst v1  }
0x56: {  	[tilespmem:$0x1F720] =	vst v1  }
0x57: {  	[tilespmem:$0x1F730] =	vst v1  }
0x58: {  	[tilespmem:$0x1F740] =	vst v1  }
0x59: {  	[tilespmem:$0x1F750] =	vst v1  }
0x5a: {  	[tilespmem:$0x1F760] =	vst v1  }
0x5b: {  	[tilespmem:$0x1F770] =	vst v1  }
0x5c: {  	[spmem:s12] =	stream.linear.scatter [tilespmem:s31], [sflag:$0x5], $0x1400, $0x38;
	[tilespmem:$0x1F9F8] =	vst v63  }
0x5d: {  	s23 =	rddreg [dreg:$0xd]  }
0x5e: {  	[spmem:s23] =	stream.linear.scatter [tilespmem:s31], [sflag:$0x5], $0x1400, $0x38;
	[tilespmem:$0x1F9F8] =	vst v63  }
0x5f: {  	s26 =	rddreg [dreg:$0xe]  }
0x60: {  	[spmem:s26] =	stream.linear.scatter [tilespmem:s31], [sflag:$0x5], $0x1400, $0x38;
	[tilespmem:$0x1F9F8] =	vst v63  }
0x61: {  	s24 =	rddreg [dreg:$0xf]  }
0x62: {  	[spmem:s24] =	stream.linear.scatter [tilespmem:s31], [sflag:$0x5], $0x1400, $0x38;
	[tilespmem:$0x1F9F8] =	vst v63  }
0x63: {  	s25 =	rddreg [dreg:$0x10]  }
0x64: {  	[spmem:s25] =	stream.linear.scatter [tilespmem:s31], [sflag:$0x5], $0x1400, $0x38;
	[tilespmem:$0x1F9F8] =	vst v63  }
0x65: {  	s26 =	rddreg [dreg:$0x11]  }
0x66: {  	[spmem:s26] =	stream.linear.scatter [tilespmem:s31], [sflag:$0x5], $0x1400, $0x38;
	[tilespmem:$0x1F9F8] =	vst v63  }
0x67: {  	s24 =	rddreg [dreg:$0x12]  }
0x68: {  	[spmem:s24] =	stream.linear.scatter [tilespmem:s31], [sflag:$0x5], $0x1400, $0x38;
	[tilespmem:$0x1F9F8] =	vst v63  }
0x69: {  	s25 =	rddreg [dreg:$0x13]  }
0x6a: {  	[spmem:s25] =	stream.linear.scatter [tilespmem:s31], [sflag:$0x5], $0x1400, $0x38;
	[tilespmem:$0x1F9F8] =	vst v63  }
0x6b: {  	s26 =	rddreg [dreg:$0x14]  }
0x6c: {  	[spmem:s26] =	stream.linear.scatter [tilespmem:s31], [sflag:$0x5], $0x1400, $0x38;
	[tilespmem:$0x1F9F8] =	vst v63  }
0x6d: {  	s24 =	rddreg [dreg:$0x15]  }
0x6e: {  	[spmem:s24] =	stream.linear.scatter [tilespmem:s31], [sflag:$0x5], $0x1400, $0x38;
	[tilespmem:$0x1F9F8] =	vst v63  }
0x6f: {  	s25 =	rddreg [dreg:$0x16]  }
0x70: {  	[spmem:s25] =	stream.linear.scatter [tilespmem:s31], [sflag:$0x5], $0x1400, $0x38;
	[tilespmem:$0x1F9F8] =	vst v63  }
0x71: {  	s26 =	rddreg [dreg:$0x17]  }
0x72: {  	[spmem:s26] =	stream.linear.scatter [tilespmem:s31], [sflag:$0x5], $0x1400, $0x38;
	[tilespmem:$0x1F9F8] =	vst v63  }
0x73: {  	s24 =	rddreg [dreg:$0x18]  }
0x74: {  	[spmem:s24] =	stream.linear.scatter [tilespmem:s31], [sflag:$0x5], $0x1400, $0x38;
	[tilespmem:$0x1F9F8] =	vst v63  }
0x75: {  	_ = 	snop  }
0x76: {  	[spmem:s28] =	stream.linear.scatter [tilespmem:s31], [sflag:$0x5], $0x1400, $0x38;
	[tilespmem:$0x1F9F8] =	vst v63  }
0x77: {  	_ = 	snop  }
0x78: {  	[spmem:s29] =	stream.linear.scatter [tilespmem:s31], [sflag:$0x5], $0x1400, $0x38;
	[tilespmem:$0x1F9F8] =	vst v63  }
0x79: {  	_ = 	snop  }
0x7a: {  	[spmem:s30] =	stream.linear.scatter [tilespmem:s31], [sflag:$0x5], $0x1400, $0x38;
	[tilespmem:$0x1F9F8] =	vst v63  }
0x7b: {  	_ = 	snop  }
0x7c: {  	[spmem:s6] =	stream.linear.scatter [tilespmem:s2], [sflag:$0x5], $0x280, $0x38;
	[tilespmem:$0x1F9F8] =	vst v63  }
0x7d: {  	s25 =	simm.s32 $0x0;
	s24 =	rddreg [dreg:$0x6]  }
0x7e: {  	[tilespmem:s25], [sflag:$0x7] =	stream.linear.gather [hbm4b:s24+s25], $0x1400, $0x38;
	[tilespmem:$0x1F9F8] =	vst v63  }
0x7f: {  	_ =	swait.ge [sflag:s0], $0x1400  }
0x80: {  	[sflag:s0] =	ssyncset.done $0x0  }
0x81: {  	s26 =	rddreg [dreg:$0x7];
	[sflag:s0] =	ssyncadd.s32 $0xFFFFEC00  }
0x82: {  	[tilespmem:s7], [sflag:$0x7] =	stream.linear.gather [hbm4b:s26+s25], $0x1400, $0x38;
	[tilespmem:$0x1F9F8] =	vst v63  }
0x83: {  	_ =	swait.ge [sflag:s0], $0x1400  }
0x84: {  	[sflag:s0] =	ssyncset.done $0x0  }
0x85: {  	[sflag:s0] =	ssyncadd.s32 $0xFFFFEC00  }
0x86: {  	[tilespmem:s9], [sflag:$0x1] =	stream.indirect.gather [hbm4b:s1+s8], $0x80, s25, s8, $0xb8;
	[tilespmem:$0x1F9F8] =	vst v63  }
0x87: {  	_ = 	snop  }
0x88: {  	[tilespmem:s11], [sflag:$0x2] =	stream.indirect.gather [hbm4b:s1+s8], $0x80, s10, s8, $0xb8;
	[tilespmem:$0x1F9F8] =	vst v63  }
0x89: {  	_ =	swait.ge [sflag:s13], $0x1400  }
0x8a: {  	[sflag:s13] =	ssyncset.done $0x0  }
0x8b: {  	[sflag:s13] =	ssyncadd.s32 $0xFFFFEC00  }
0x8c: {  	_ =	swait.ge [sflag:s13], $0x1400  }
0x8d: {  	[sflag:s13] =	ssyncset.done $0x0  }
0x8e: {  	[sflag:s13] =	ssyncadd.s32 $0xFFFFEC00  }
0x8f: {  	_ =	swait.ge [sflag:s13], $0x1400  }
0x90: {  	[sflag:s13] =	ssyncset.done $0x0  }
0x91: {  	[sflag:s13] =	ssyncadd.s32 $0xFFFFEC00  }
0x92: {  	_ =	swait.ge [sflag:s13], $0x1400  }
0x93: {  	[sflag:s13] =	ssyncset.done $0x0  }
0x94: {  	[sflag:s13] =	ssyncadd.s32 $0xFFFFEC00  }
0x95: {  	_ =	swait.ge [sflag:s13], $0x1400  }
0x96: {  	[sflag:s13] =	ssyncset.done $0x0  }
0x97: {  	[sflag:s13] =	ssyncadd.s32 $0xFFFFEC00  }
0x98: {  	_ =	swait.ge [sflag:s13], $0x1400  }
0x99: {  	[sflag:s13] =	ssyncset.done $0x0  }
0x9a: {  	[sflag:s13] =	ssyncadd.s32 $0xFFFFEC00  }
0x9b: {  	_ =	swait.ge [sflag:s13], $0x1400  }
0x9c: {  	[sflag:s13] =	ssyncset.done $0x0  }
0x9d: {  	[sflag:s13] =	ssyncadd.s32 $0xFFFFEC00  }
0x9e: {  	_ =	swait.ge [sflag:s13], $0x1400  }
0x9f: {  	[sflag:s13] =	ssyncset.done $0x0  }
0xa0: {  	[sflag:s13] =	ssyncadd.s32 $0xFFFFEC00  }
0xa1: {  	_ =	swait.ge [sflag:s13], $0x1400  }
0xa2: {  	[sflag:s13] =	ssyncset.done $0x0  }
0xa3: {  	[sflag:s13] =	ssyncadd.s32 $0xFFFFEC00  }
0xa4: {  	_ =	swait.ge [sflag:s13], $0x1400  }
0xa5: {  	[sflag:s13] =	ssyncset.done $0x0  }
0xa6: {  	[sflag:s13] =	ssyncadd.s32 $0xFFFFEC00  }
0xa7: {  	_ =	swait.ge [sflag:s13], $0x1400  }
0xa8: {  	[sflag:s13] =	ssyncset.done $0x0  }
0xa9: {  	[sflag:s13] =	ssyncadd.s32 $0xFFFFEC00  }
0xaa: {  	_ =	swait.ge [sflag:s13], $0x1400  }
0xab: {  	[sflag:s13] =	ssyncset.done $0x0  }
0xac: {  	[sflag:s13] =	ssyncadd.s32 $0xFFFFEC00  }
0xad: {  	_ =	swait.ge [sflag:s13], $0x1400  }
0xae: {  	[sflag:s13] =	ssyncset.done $0x0  }
0xaf: {  	[sflag:s13] =	ssyncadd.s32 $0xFFFFEC00  }
0xb0: {  	_ =	swait.ge [sflag:s13], $0x1400  }
0xb1: {  	[sflag:s13] =	ssyncset.done $0x0  }
0xb2: {  	[sflag:s13] =	ssyncadd.s32 $0xFFFFEC00  }
0xb3: {  	_ =	swait.ge [sflag:s13], $0x1400  }
0xb4: {  	[sflag:s13] =	ssyncset.done $0x0  }
0xb5: {  	[sflag:s13] =	ssyncadd.s32 $0xFFFFEC00  }
0xb6: {  	_ =	swait.ge [sflag:s13], $0x1400  }
0xb7: {  	[sflag:s13] =	ssyncset.done $0x0  }
0xb8: {  	[sflag:s13] =	ssyncadd.s32 $0xFFFFEC00  }
0xb9: {  	_ =	swait.ge [sflag:s13], $0x280  }
0xba: {  	[sflag:s13] =	ssyncset.done $0x0  }
0xbb: {  	[sflag:s13] =	ssyncadd.s32 $0xFFFFFD80  }
0xbc: {  	[bflag:$0x0] =	sbarrier.arrive $0xFFFF  }
0xbd: {  	_ =	swait.ge [sflag:s14], $0x3E80  }
0xbe: {  	[sflag:s14] =	ssyncset.done $0x0  }
0xbf: {  	s24 =	simm.s32 $0x1400;
	[sflag:s14] =	ssyncadd.s32 $0xFFFFC180  }
0xc0: {  	[spmem:s3] =	stream.indirect.scatter.add.f32 [tilespmem:s9], [sflag:$0x3], $0x80, s24, s8, $0xb8;
	[tilespmem:$0x1F9F8] =	vst v63  }
0xc1: {  	_ = 	snop  }
0xc2: {  	[spmem:s4] =	stream.indirect.scatter.add.f32 [tilespmem:s15], [sflag:$0x6], $0x1, s24, s8, $0xb8;
	[tilespmem:$0x1F9F8] =	vst v63  }
0xc3: {  	_ =	swait.ge [sflag:s16], $0x3E80  }
0xc4: {  	[sflag:s16] =	ssyncset.done $0x0  }
0xc5: {  	s25 =	simm.s32 $0x1480;
	[sflag:s16] =	ssyncadd.s32 $0xFFFFC180  }
0xc6: {  	[spmem:s3] =	stream.indirect.scatter.add.f32 [tilespmem:s11], [sflag:$0x4], $0x80, s25, s8, $0xb8;
	[tilespmem:$0x1F9F8] =	vst v63  }
0xc7: {  	_ = 	snop  }
0xc8: {  	[spmem:s4] =	stream.indirect.scatter.add.f32 [tilespmem:s15], [sflag:$0x6], $0x1, s25, s8, $0xb8;
	[tilespmem:$0x1F9F8] =	vst v63  }
0xc9: {  	_ =	swait.ge [sflag:s17], $0x3E80  }
0xca: {  	[sflag:s17] =	ssyncset.done $0x0  }
0xcb: {  	s26 =	simm.s32 $0x100;
	[sflag:s17] =	ssyncadd.s32 $0xFFFFC180  }
0xcc: {  	[tilespmem:s9], [sflag:$0x1] =	stream.indirect.gather [hbm4b:s1+s8], $0x80, s26, s8, $0xb8;
	[tilespmem:$0x1F9F8] =	vst v63  }
0xcd: {  	_ =	swait.ge [sflag:s18], $0x3E80  }
0xce: {  	[sflag:s18] =	ssyncset.done $0x0  }
0xcf: {  	s23 =	simm.s32 $0x400;
	s24 =	simm.s32 $0x180;
	[sflag:s18] =	ssyncadd.s32 $0xFFFFC180  }
.LBB2_4:
0xd0: {  	[tilespmem:s11], [sflag:$0x2] =	stream.indirect.gather [hbm4b:s1+s8], $0x80, s24, s8, $0xb8;
	[tilespmem:$0x1F9F8] =	vst v63  }
0xd1: {  	s24 =	smov.u32 s23  }
0xd2: {  	p0 =	sne.s32 s23, $0x4800;
	s23 =	sadd.s32 $0x400, s23;
	_ =	swait.ge [sflag:s14], $0x3E80  }
0xd3: {  	s24 =	sshra.s32 s24, $0x2;
	[sflag:s14] =	ssyncset.done $0x0  }
0xd4: {  	s25 =	sadd.s32 $0x1400, s24;
	[sflag:s14] =	ssyncadd.s32 $0xFFFFC180  }
0xd5: {  	[spmem:s3] =	stream.indirect.scatter.add.f32 [tilespmem:s9], [sflag:$0x3], $0x80, s25, s8, $0xb8;
	[tilespmem:$0x1F9F8] =	vst v63  }
0xd6: {  	_ = 	snop  }
0xd7: {  	[spmem:s4] =	stream.indirect.scatter.add.f32 [tilespmem:s15], [sflag:$0x6], $0x1, s25, s8, $0xb8;
	[tilespmem:$0x1F9F8] =	vst v63  }
0xd8: {  	_ =	swait.ge [sflag:s16], $0x3E80  }
0xd9: {  	[sflag:s16] =	ssyncset.done $0x0  }
0xda: {  	s25 =	sadd.s32 $0x1480, s24;
	[sflag:s16] =	ssyncadd.s32 $0xFFFFC180  }
0xdb: {  	[spmem:s3] =	stream.indirect.scatter.add.f32 [tilespmem:s11], [sflag:$0x4], $0x80, s25, s8, $0xb8;
	[tilespmem:$0x1F9F8] =	vst v63  }
0xdc: {  	_ = 	snop  }
0xdd: {  	[spmem:s4] =	stream.indirect.scatter.add.f32 [tilespmem:s15], [sflag:$0x6], $0x1, s25, s8, $0xb8;
	[tilespmem:$0x1F9F8] =	vst v63  }
0xde: {  	_ =	swait.ge [sflag:s17], $0x3E80  }
0xdf: {  	[sflag:s17] =	ssyncset.done $0x0  }
.Ltmp1:
0xe0: {  	s25 =	sadd.s32 $0x100, s24;
	[sflag:s17] =	ssyncadd.s32 $0xFFFFC180;
	(pc) =	sbr.rel @p0 .LBB2_4-.Ltmp1, $4  }
0xe1: {  	[tilespmem:s9], [sflag:$0x1] =	stream.indirect.gather [hbm4b:s1+s8], $0x80, s25, s8, $0xb8;
	[tilespmem:$0x1F9F8] =	vst v63  }
0xe2: {  	_ =	swait.ge [sflag:s18], $0x3E80  }
0xe3: {  	[sflag:s18] =	ssyncset.done $0x0  }
0xe4: {  	s24 =	sadd.s32 $0x180, s24;
	[sflag:s18] =	ssyncadd.s32 $0xFFFFC180  }
0xe5: {  	[tilespmem:s11], [sflag:$0x2] =	stream.indirect.gather [hbm4b:s1+s8], $0x80, s24, s8, $0xb8;
	[tilespmem:$0x1F9F8] =	vst v63  }
0xe6: {  	_ =	swait.ge [sflag:s14], $0x3E80  }
0xe7: {  	[sflag:s14] =	ssyncset.done $0x0  }
0xe8: {  	[sflag:s14] =	ssyncadd.s32 $0xFFFFC180  }
0xe9: {  	[spmem:s3] =	stream.indirect.scatter.add.f32 [tilespmem:s9], [sflag:$0x3], $0x80, s19, s8, $0xb8;
	[tilespmem:$0x1F9F8] =	vst v63  }
0xea: {  	_ = 	snop  }
0xeb: {  	[spmem:s4] =	stream.indirect.scatter.add.f32 [tilespmem:s15], [sflag:$0x6], $0x1, s19, s8, $0xb8;
	[tilespmem:$0x1F9F8] =	vst v63  }
0xec: {  	_ =	swait.ge [sflag:s16], $0x3E80  }
0xed: {  	[sflag:s16] =	ssyncset.done $0x0  }
0xee: {  	[sflag:s16] =	ssyncadd.s32 $0xFFFFC180  }
0xef: {  	[spmem:s3] =	stream.indirect.scatter.add.f32 [tilespmem:s11], [sflag:$0x4], $0x80, s20, s8, $0xb8;
	[tilespmem:$0x1F9F8] =	vst v63  }
0xf0: {  	_ = 	snop  }
0xf1: {  	[spmem:s4] =	stream.indirect.scatter.add.f32 [tilespmem:s15], [sflag:$0x6], $0x1, s20, s8, $0xb8;
	[tilespmem:$0x1F9F8] =	vst v63  }
0xf2: {  	_ =	swait.ge [sflag:s17], $0x3E80  }
0xf3: {  	[sflag:s17] =	ssyncset.done $0x0  }
0xf4: {  	[sflag:s17] =	ssyncadd.s32 $0xFFFFC180  }
0xf5: {  	_ =	swait.ge [sflag:s18], $0x3E80  }
0xf6: {  	[sflag:s18] =	ssyncset.done $0x0  }
0xf7: {  	[sflag:s18] =	ssyncadd.s32 $0xFFFFC180  }
0xf8: {  	_ =	swait.ge [sflag:s21], $0x7D  }
0xf9: {  	s23 =	simm.s32 $0x27;
	[sflag:s21] =	ssyncset.done $0x0  }
.LBB2_6:
0xfa: {  	p0 =	sne.s32 s23, $0x1;
	s23 =	sadd.s32 $0xFFFFFFFF, s23;
	[sflag:s21] =	ssyncadd.s32 $0xFFFFFF83  }
.Ltmp2:
0xfb: {  	(pc) =	sbr.rel @p0 .LBB2_6-.Ltmp2, $3  }
0xfc: {  	_ =	sdelay $0x1  }
0xfd: {  	_ =	swait.ge [sflag:s21], $0x7D  }
0xfe: {  	[sflag:s21] =	ssyncset.done $0x0  }
0xff: {  	[sflag:s21] =	ssyncadd.s32 $0xFFFFFF83;
	s23 =	simm.s32 $0x0;
	s24 =	rddreg [dreg:$0x8]  }
0x100: {  	[tilespmem:s23], [sflag:$0x7] =	stream.linear.gather [hbm4b:s24+s23], $0x1400, $0x38;
	[tilespmem:$0x1F9F8] =	vst v63  }
0x101: {  	_ =	swait.ge [sflag:s0], $0x1400  }
0x102: {  	[sflag:s0] =	ssyncset.done $0x0  }
0x103: {  	s26 =	rddreg [dreg:$0x9];
	[sflag:s0] =	ssyncadd.s32 $0xFFFFEC00  }
0x104: {  	[tilespmem:s7], [sflag:$0x7] =	stream.linear.gather [hbm4b:s26+s23], $0x1400, $0x38;
	[tilespmem:$0x1F9F8] =	vst v63  }
0x105: {  	_ =	swait.ge [sflag:s0], $0x1400  }
0x106: {  	[sflag:s0] =	ssyncset.done $0x0  }
0x107: {  	[sflag:s0] =	ssyncadd.s32 $0xFFFFEC00  }
0x108: {  	[tilespmem:s9], [sflag:$0x1] =	stream.indirect.gather [hbm4b:s1+s8], $0x80, s23, s8, $0xb8;
	[tilespmem:$0x1F9F8] =	vst v63  }
0x109: {  	_ = 	snop  }
0x10a: {  	[tilespmem:s11], [sflag:$0x2] =	stream.indirect.gather [hbm4b:s1+s8], $0x80, s10, s8, $0xb8;
	[tilespmem:$0x1F9F8] =	vst v63  }
0x10b: {  	_ =	swait.ge [sflag:s14], $0x3E80  }
0x10c: {  	[sflag:s14] =	ssyncset.done $0x0  }
0x10d: {  	s24 =	simm.s32 $0x1400;
	[sflag:s14] =	ssyncadd.s32 $0xFFFFC180  }
0x10e: {  	[spmem:s3] =	stream.indirect.scatter.add.f32 [tilespmem:s9], [sflag:$0x3], $0x80, s24, s8, $0xb8;
	[tilespmem:$0x1F9F8] =	vst v63  }
0x10f: {  	_ = 	snop  }
0x110: {  	[spmem:s4] =	stream.indirect.scatter.add.f32 [tilespmem:s15], [sflag:$0x6], $0x1, s24, s8, $0xb8;
	[tilespmem:$0x1F9F8] =	vst v63  }
0x111: {  	_ =	swait.ge [sflag:s16], $0x3E80  }
0x112: {  	[sflag:s16] =	ssyncset.done $0x0  }
0x113: {  	s25 =	simm.s32 $0x1480;
	[sflag:s16] =	ssyncadd.s32 $0xFFFFC180  }
0x114: {  	[spmem:s3] =	stream.indirect.scatter.add.f32 [tilespmem:s11], [sflag:$0x4], $0x80, s25, s8, $0xb8;
	[tilespmem:$0x1F9F8] =	vst v63  }
0x115: {  	_ = 	snop  }
0x116: {  	[spmem:s4] =	stream.indirect.scatter.add.f32 [tilespmem:s15], [sflag:$0x6], $0x1, s25, s8, $0xb8;
	[tilespmem:$0x1F9F8] =	vst v63  }
0x117: {  	_ =	swait.ge [sflag:s17], $0x3E80  }
0x118: {  	[sflag:s17] =	ssyncset.done $0x0  }
0x119: {  	s26 =	simm.s32 $0x100;
	[sflag:s17] =	ssyncadd.s32 $0xFFFFC180  }
0x11a: {  	[tilespmem:s9], [sflag:$0x1] =	stream.indirect.gather [hbm4b:s1+s8], $0x80, s26, s8, $0xb8;
	[tilespmem:$0x1F9F8] =	vst v63  }
0x11b: {  	_ =	swait.ge [sflag:s18], $0x3E80  }
0x11c: {  	[sflag:s18] =	ssyncset.done $0x0  }
0x11d: {  	s23 =	simm.s32 $0x400;
	s24 =	simm.s32 $0x180;
	[sflag:s18] =	ssyncadd.s32 $0xFFFFC180  }
.LBB2_8:
0x11e: {  	[tilespmem:s11], [sflag:$0x2] =	stream.indirect.gather [hbm4b:s1+s8], $0x80, s24, s8, $0xb8;
	[tilespmem:$0x1F9F8] =	vst v63  }
0x11f: {  	s24 =	smov.u32 s23  }
0x120: {  	p0 =	sne.s32 s23, $0x4800;
	s23 =	sadd.s32 $0x400, s23;
	_ =	swait.ge [sflag:s14], $0x3E80  }
0x121: {  	s24 =	sshra.s32 s24, $0x2;
	[sflag:s14] =	ssyncset.done $0x0  }
0x122: {  	s25 =	sadd.s32 $0x1400, s24;
	[sflag:s14] =	ssyncadd.s32 $0xFFFFC180  }
0x123: {  	[spmem:s3] =	stream.indirect.scatter.add.f32 [tilespmem:s9], [sflag:$0x3], $0x80, s25, s8, $0xb8;
	[tilespmem:$0x1F9F8] =	vst v63  }
0x124: {  	_ = 	snop  }
0x125: {  	[spmem:s4] =	stream.indirect.scatter.add.f32 [tilespmem:s15], [sflag:$0x6], $0x1, s25, s8, $0xb8;
	[tilespmem:$0x1F9F8] =	vst v63  }
0x126: {  	_ =	swait.ge [sflag:s16], $0x3E80  }
0x127: {  	[sflag:s16] =	ssyncset.done $0x0  }
0x128: {  	s25 =	sadd.s32 $0x1480, s24;
	[sflag:s16] =	ssyncadd.s32 $0xFFFFC180  }
0x129: {  	[spmem:s3] =	stream.indirect.scatter.add.f32 [tilespmem:s11], [sflag:$0x4], $0x80, s25, s8, $0xb8;
	[tilespmem:$0x1F9F8] =	vst v63  }
0x12a: {  	_ = 	snop  }
0x12b: {  	[spmem:s4] =	stream.indirect.scatter.add.f32 [tilespmem:s15], [sflag:$0x6], $0x1, s25, s8, $0xb8;
	[tilespmem:$0x1F9F8] =	vst v63  }
0x12c: {  	_ =	swait.ge [sflag:s17], $0x3E80  }
0x12d: {  	[sflag:s17] =	ssyncset.done $0x0  }
.Ltmp3:
0x12e: {  	s25 =	sadd.s32 $0x100, s24;
	[sflag:s17] =	ssyncadd.s32 $0xFFFFC180;
	(pc) =	sbr.rel @p0 .LBB2_8-.Ltmp3, $4  }
0x12f: {  	[tilespmem:s9], [sflag:$0x1] =	stream.indirect.gather [hbm4b:s1+s8], $0x80, s25, s8, $0xb8;
	[tilespmem:$0x1F9F8] =	vst v63  }
0x130: {  	_ =	swait.ge [sflag:s18], $0x3E80  }
0x131: {  	[sflag:s18] =	ssyncset.done $0x0  }
0x132: {  	s24 =	sadd.s32 $0x180, s24;
	[sflag:s18] =	ssyncadd.s32 $0xFFFFC180  }
0x133: {  	[tilespmem:s11], [sflag:$0x2] =	stream.indirect.gather [hbm4b:s1+s8], $0x80, s24, s8, $0xb8;
	[tilespmem:$0x1F9F8] =	vst v63  }
0x134: {  	_ =	swait.ge [sflag:s14], $0x3E80  }
0x135: {  	[sflag:s14] =	ssyncset.done $0x0  }
0x136: {  	[sflag:s14] =	ssyncadd.s32 $0xFFFFC180  }
0x137: {  	[spmem:s3] =	stream.indirect.scatter.add.f32 [tilespmem:s9], [sflag:$0x3], $0x80, s19, s8, $0xb8;
	[tilespmem:$0x1F9F8] =	vst v63  }
0x138: {  	_ = 	snop  }
0x139: {  	[spmem:s4] =	stream.indirect.scatter.add.f32 [tilespmem:s15], [sflag:$0x6], $0x1, s19, s8, $0xb8;
	[tilespmem:$0x1F9F8] =	vst v63  }
0x13a: {  	_ =	swait.ge [sflag:s16], $0x3E80  }
0x13b: {  	[sflag:s16] =	ssyncset.done $0x0  }
0x13c: {  	[sflag:s16] =	ssyncadd.s32 $0xFFFFC180  }
0x13d: {  	[spmem:s3] =	stream.indirect.scatter.add.f32 [tilespmem:s11], [sflag:$0x4], $0x80, s20, s8, $0xb8;
	[tilespmem:$0x1F9F8] =	vst v63  }
0x13e: {  	_ = 	snop  }
0x13f: {  	[spmem:s4] =	stream.indirect.scatter.add.f32 [tilespmem:s15], [sflag:$0x6], $0x1, s20, s8, $0xb8;
	[tilespmem:$0x1F9F8] =	vst v63  }
0x140: {  	_ =	swait.ge [sflag:s17], $0x3E80  }
0x141: {  	[sflag:s17] =	ssyncset.done $0x0  }
0x142: {  	[sflag:s17] =	ssyncadd.s32 $0xFFFFC180  }
0x143: {  	_ =	swait.ge [sflag:s18], $0x3E80  }
0x144: {  	[sflag:s18] =	ssyncset.done $0x0  }
0x145: {  	[sflag:s18] =	ssyncadd.s32 $0xFFFFC180  }
0x146: {  	_ =	swait.ge [sflag:s21], $0x7D  }
0x147: {  	s23 =	simm.s32 $0x27;
	[sflag:s21] =	ssyncset.done $0x0  }
.LBB2_10:
0x148: {  	p0 =	sne.s32 s23, $0x1;
	s23 =	sadd.s32 $0xFFFFFFFF, s23;
	[sflag:s21] =	ssyncadd.s32 $0xFFFFFF83  }
.Ltmp4:
0x149: {  	(pc) =	sbr.rel @p0 .LBB2_10-.Ltmp4, $3  }
0x14a: {  	_ =	sdelay $0x1  }
0x14b: {  	_ =	swait.ge [sflag:s21], $0x7D  }
0x14c: {  	[sflag:s21] =	ssyncset.done $0x0  }
0x14d: {  	[sflag:s21] =	ssyncadd.s32 $0xFFFFFF83;
	s23 =	stileid.u32  }
0x14e: {  	s23 =	sshll.u32 s23, $0x6;
	[bflag:$0x0] =	sbarrier.arrive $0xFFFF  }
0x14f: {  	s24 =	sshrl.u32 s12, $0x3;
	s23 =	sor.u32 $0x1C07, s23;
	s25 =	rddreg [dreg:$0xa]  }
0x150: {  	[hbm:s25], [sflag:s23] =	dma.local [spmem:s24], $0x2800  }
0x151: {  	_ =	swait.ge [sflag:s0], $0x2800  }
0x152: {  	[sflag:s0] =	ssyncset.done $0x0  }
0x153: {  	[sflag:s0] =	ssyncadd.s32 $0xFFFFD800  }
0x154: {  	[tilespmem:s2], [sflag:$0x7] =	stream.linear.gather [spmem:s6], $0x280, $0x38;
	[tilespmem:$0x1F9F8] =	vst v63  }
0x155: {  	_ =	swait.ge [sflag:s0], $0x280  }
0x156: {  	[sflag:s0] =	ssyncset.done $0x0  }
0x157: {  	s25 =	rddreg [dreg:$0xb];
	[sflag:s0] =	ssyncadd.s32 $0xFFFFFD80  }
0x158: {  	[hbm4b:s25+s5] =	stream.linear.scatter [tilespmem:s2], [sflag:$0x7], $0x280, $0x38;
	[tilespmem:$0x1F9F8] =	vst v63  }
0x159: {  	_ =	swait.ge [sflag:s0], $0x280  }
0x15a: {  	s22 =	sadd.s32 $0x1, s22;
	s26 =	rddreg [dreg:$0xc]  }
0x15b: {  	p0 =	sne.s32 s22, s26  }
.Ltmp5:
0x15c: {  	_ = 	snop;
	(pc) =	sbr.rel @p0 .LBB2_1-.Ltmp5, $3  }
0x15d: {  	_ =	sdelay $0x1  }
0x15e: {  	[sflag:s0] =	ssyncset.done $0x0  }
0x15f: {  	[sflag:s0] =	ssyncadd.s32 $0xFFFFFD80  }
0x160: {  	_ =	sfence.sel $0x180000  }
0x161: {  	[bflag:$0x0] =	sbarrier.arrive $0xFFFF  }
0x162: {  	_ =	strace $0x90000047  }
0x163: {  	s0 =	stileid.u32;
	[bflag:$0x2] =	sbarrier.arrive $0xFFFF  }
0x164: {  	p0 =	sne.s32 s0, $0x0;
	s0 =	rddreg [dreg:$0x5]  }
0x165: {  	s0 =	sadd.s32 @!p0 $0x100000, s0  }
0x166: {  	[sflag:s0] =	ssyncadd.tile.s32 @!p0 $0x1;
	_ =	shalt  }
.Lfunc_end2:
_tile_overlayer_lowered:
.L_overlay_start_2:
0x167: {  	(tag) =	ssettag $0x2  }
0x168: {  	s0 =	rddreg [dreg:$0x0];
	s2 =	stileid.u32  }
0x169: {  	s1 =	rddreg [dreg:$0x1];
	p0 =	sne.s32 s2, $0x0  }
0x16a: {  	s3 =	rddreg [dreg:$0x2];
	[bflag:$0x3] =	sbarrier.arrive $0xFFFF;
	s2 =	simm.s32 @!p0 $0x1C07  }
0x16b: {  	[timem:s3], [sflag:s2] =	dma.local @!p0 [hbm:s0], s1  }
0x16c: {  	s0 =	simm.s32 @!p0 $0x7  }
0x16d: {  	_ =	swait.ge @!p0 [sflag:s0], s1  }
0x16e: {  	s1 =	ssub.s32 @!p0 $0x0, s1;
	[sflag:s0] =	ssyncset.done @!p0 $0x0  }
0x16f: {  	[sflag:s0] =	ssyncadd.s32 @!p0 s1  }
0x170: {  	[bflag:$0x3] =	sbarrier.arrive $0xFFFF  }
0x171: {  	_ =	shalt  }

// kernel: kernel.9.cloned.1.call-start
scs
__scs_entry_jumppad:
0x0: {  	(pc) =	sbr.rel $0x88, $3  }
0x1: {  	(tag) =	ssettag $0x0;
	lr =	simm.s32 $0x1  }
0x2: {  	[smem:$0x3F97] =	sst lr;
	_ =	strace $0xD0000000  }
0x3: {  	_ = 	snop  }
0x4: {  	_ = 	snop  }
0x5: {  	_ = 	snop  }
0x6: {  	_ = 	snop  }
0x7: {  	_ = 	snop  }
__scs_overlays_trampoline_lowered:
0x8: {  	[smem:$0x3FA6] =	sst s0  }
0x9: {  	[smem:$0x3FA7] =	sst s1  }
0xa: {  	[smem:$0x3FA8] =	sst s2  }
0xb: {  	[smem:$0x3FA9] =	sst s3  }
0xc: {  	[smem:$0x3FAA] =	sst s4  }
0xd: {  	[smem:$0x3FAB] =	sst s5  }
0xe: {  	[smem:$0x3FAC] =	sst s6  }
0xf: {  	[smem:$0x3FAD] =	sst s7  }
0x10: {  	[smem:$0x3FAE] =	sst s8  }
0x11: {  	[smem:$0x3FAF] =	sst s9;
	s0 =	simm.s32 @!p0 $0x0  }
0x12: {  	s1 =	sld [smem:$0x3F95];
	s0 =	simm.s32 @p0 $0x1  }
0x13: {  	[smem:$0x3FB0] =	sst s0;
	s0 =	simm.s32 @!p1 $0x0  }
0x14: {  	s2 =	sld [smem:$0x3F94];
	s0 =	simm.s32 @p1 $0x1  }
0x15: {  	[smem:$0x3FB1] =	sst s0;
	s0 =	simm.s32 @!p2 $0x0  }
0x16: {  	s3 =	sld [smem:$0x3FDB];
	s0 =	simm.s32 @p2 $0x1  }
0x17: {  	s4 =	simm.s32 $0x1BF5;
	[smem:$0x3FB3] =	sst s0  }
0x18: {  	s0 =	sld [smem:$0x3F96];
	_ =	swait.ge [sflag:s4], $0x0  }
0x19: {  	s7 =	sld [smem:$0x3F97]  }
0x1a: {  	s8 =	sadd.s32 $0xFFFFE003, lr  }
0x1b: {  	s9 =	sadd.s32 $0xFFFFFEF7, lr;
	s5 =	simm.s32 $0xFFFFFFFF;
	p2 =	slt.u32 s8, $0xFFFFF086  }
0x1c: {  	p1 =	slt.u32 s9, $0xF7A;
	s5 =	simm.s32 @!p2 $0x0  }
0x1d: {  	s5 =	simm.s32 @p1 $0x1;
	p0 =	seq.s32 s7, s2  }
0x1e: {  	s7 =	smul.u32 @!p0 $0xF7A, s2;
	p2 =	seq.s32 @!p0 s5, $0x0  }
0x1f: {  	s9 =	smul.u32 $0xF7A, s1;
	s8 =	simm.s32 @!p0 $0x1BF5;
	p2 =	por !p2, p0  }
0x20: {  	[sflag:s8] =	ssyncset.s32 @!p0 $0xFFFFF086;
	s6 =	sadd.s32 @!p0 s3, s7;
	s7 =	simm.s32 @!p0 $0x108  }
0x21: {  	s3 =	sadd.s32 s3, s9;
	s6 =	sadd.s32 @!p0 $0x88, s6;
	s7 =	simm.s32 @p2 $0x1082  }
0x22: {  	[simem:s7], [sflag:s8] =	dma.local @!p0 [hbm:s6], $0xF7A  }
0x23: {  	s9 =	sor.u32 $0xD0000000, s2;
	s6 =	simm.s32 $0x108;
	_ =	swait.ge @!p0 [sflag:s8], $0x0  }
0x24: {  	s3 =	sadd.s32 $0x88, s3;
	s6 =	simm.s32 @!p1 $0x1082;
	[sflag:s4] =	ssyncset.s32 $0xFFFFF086  }
0x25: {  	[simem:s6], [sflag:s4] =	dma.local [hbm:s3], $0xF7A  }
0x26: {  	[smem:$0x3F97] =	sst s1;
	(tag) =	ssettag s2;
	_ =	strace s9  }
0x27: {  	s1 =	sld [smem:$0x3FA7]  }
0x28: {  	s2 =	sld [smem:$0x3FA8]  }
0x29: {  	s4 =	sld [smem:$0x3FAA]  }
0x2a: {  	p0 =	seq.s32 s5, $0x0;
	s5 =	sld [smem:$0x3FAB]  }
0x2b: {  	s6 =	sld [smem:$0x3FAC]  }
0x2c: {  	s7 =	sld [smem:$0x3FAD]  }
0x2d: {  	s3 =	simm.s32 $0x108;
	s8 =	sld [smem:$0x3FAE]  }
0x2e: {  	s3 =	simm.s32 @!p0 $0x1082;
	s9 =	sld [smem:$0x3FAF]  }
0x2f: {  	lr =	sadd.s32 s0, s3;
	s0 =	sld [smem:$0x3FA6]  }
0x30: {  	s3 =	sld [smem:$0x3FA9]  }
0x31: {  	[smem:$0x3FB2] =	sst s10  }
0x32: {  	s10 =	sld [smem:$0x3FB0];
	_ =	sdelay $0x3  }
0x33: {  	p0 =	seq.s32 s10, $0x1;
	s10 =	sld [smem:$0x3FB2];
	_ =	sdelay $0x3  }
0x34: {  	[smem:$0x3FB2] =	sst s10  }
0x35: {  	s10 =	sld [smem:$0x3FB1];
	_ =	sdelay $0x3  }
0x36: {  	p1 =	seq.s32 s10, $0x1;
	s10 =	sld [smem:$0x3FB2];
	_ =	sdelay $0x3  }
0x37: {  	[smem:$0x3FB2] =	sst s10  }
0x38: {  	s10 =	sld [smem:$0x3FB3]  }
0x39: {  	_ = 	snop;
	(pc) =	sbr.ind lr, $3  }
0x3a: {  	_ = 	snop  }
0x3b: {  	_ = 	snop  }
0x3c: {  	p2 =	seq.s32 s10, $0x1;
	s10 =	sld [smem:$0x3FB2]  }
0x3d: {  	_ =	shalt  }
0x3e: {  	_ =	shalt  }
0x3f: {  	_ =	shalt  }
0x40: {  	_ =	shalt  }
0x41: {  	_ =	shalt  }
0x42: {  	_ =	shalt  }
0x43: {  	_ =	shalt  }
0x44: {  	_ =	shalt  }
0x45: {  	_ =	shalt  }
0x46: {  	_ =	shalt  }
0x47: {  	_ =	shalt  }
0x48: {  	_ =	shalt  }
0x49: {  	_ =	shalt  }
0x4a: {  	_ =	shalt  }
0x4b: {  	_ =	shalt  }
0x4c: {  	_ =	shalt  }
0x4d: {  	_ =	shalt  }
0x4e: {  	_ =	shalt  }
0x4f: {  	_ =	shalt  }
0x50: {  	_ =	shalt  }
0x51: {  	_ =	shalt  }
0x52: {  	_ =	shalt  }
0x53: {  	_ =	shalt  }
0x54: {  	_ =	shalt  }
0x55: {  	_ =	shalt  }
0x56: {  	_ =	shalt  }
0x57: {  	_ =	shalt  }
0x58: {  	_ =	shalt  }
0x59: {  	_ =	shalt  }
0x5a: {  	_ =	shalt  }
0x5b: {  	_ =	shalt  }
0x5c: {  	_ =	shalt  }
0x5d: {  	_ =	shalt  }
0x5e: {  	_ =	shalt  }
0x5f: {  	_ =	shalt  }
0x60: {  	_ =	shalt  }
0x61: {  	_ =	shalt  }
0x62: {  	_ =	shalt  }
0x63: {  	_ =	shalt  }
0x64: {  	_ =	shalt  }
0x65: {  	_ =	shalt  }
0x66: {  	_ =	shalt  }
0x67: {  	_ =	shalt  }
0x68: {  	_ =	shalt  }
0x69: {  	_ =	shalt  }
0x6a: {  	_ =	shalt  }
0x6b: {  	_ =	shalt  }
0x6c: {  	_ =	shalt  }
0x6d: {  	_ =	shalt  }
0x6e: {  	_ =	shalt  }
0x6f: {  	_ =	shalt  }
0x70: {  	_ =	shalt  }
0x71: {  	_ =	shalt  }
0x72: {  	_ =	shalt  }
0x73: {  	_ =	shalt  }
0x74: {  	_ =	shalt  }
0x75: {  	_ =	shalt  }
0x76: {  	_ =	shalt  }
0x77: {  	_ =	shalt  }
0x78: {  	_ =	shalt  }
0x79: {  	_ =	shalt  }
0x7a: {  	_ =	shalt  }
0x7b: {  	_ =	shalt  }
0x7c: {  	_ =	shalt  }
0x7d: {  	_ =	shalt  }
0x7e: {  	_ =	shalt  }
0x7f: {  	_ =	shalt  }
0x80: {  	_ =	shalt  }
0x81: {  	_ =	shalt  }
0x82: {  	_ =	shalt  }
0x83: {  	_ =	shalt  }
0x84: {  	_ =	shalt  }
0x85: {  	_ =	shalt  }
0x86: {  	_ =	shalt  }
0x87: {  	_ =	shalt  }
.Lfunc_end0:
.L_simem_size_0:
called_computation.1_lowered:
.L_overlay_start_0:
0x88: {  	s2 =	sld [smem:$0x3FD9]  }
0x89: {  	s3 =	sld [smem:$0x3FFE];
	_ =	sdelay $0x1  }
0x8a: {  	s1 =	srdreg.scid  }
0x8b: {  	s0 =	sand.u32 $0x1, s1  }
0x8c: {  	s17 =	sshll.u32 s0, $0xA;
	s2 =	sadd.s32 s3, s2  }
0x8d: {  	s2 =	sadd.s32 s2, s17  }
0x8e: {  	[smem:$0x3FBE] =	sst s2  }
0x8f: {  	_ = 	snop  }
0x90: {  	s2 =	sld [smem:$0x3FD0];
	(tm) =	ssettm $0x1  }
0x91: {  	s18 =	sld [smem:$0x3FFB];
	_ =	sdelay $0x3  }
0x92: {  	_ =	strace s18  }
0x93: {  	s3 =	sld [smem:$0x3FFC];
	_ =	sdelay $0x3  }
0x94: {  	_ =	strace s3  }
0x95: {  	s3 =	sld [smem:$0x3FFD];
	_ =	sdelay $0x3  }
0x96: {  	_ =	strace s3  }
0x97: {  	_ =	strace $0x8FFFFFFF  }
0x98: {  	s19 =	sld [smem:$0x3FDB];
	_ =	sdelay $0x1  }
0x99: {  	s4 =	simm.s32 $_scs_section_size  }
0x9a: {  	s5 =	simm.s32 $_size__tile_overlayer_lowered;
	s6 =	simm.s32 $_tile_overlayer_lowered  }
0x9b: {  	s22 =	simm.s32 $0x1BFF;
	s21 =	sshll.u32 s6, $0x1;
	s3 =	sadd.s32 s4, s19  }
0x9c: {  	s7 =	simm.s32 $0x0;
	s20 =	sshll.u32 s5, $0x1;
	s5 =	sadd.s32 s21, s3  }
0x9d: {  	[timem:s7], [sflag:s22] =	dma.local [hbm:s5], s20  }
0x9e: {  	_ =	swait.ge [sflag:s22], s20  }
0x9f: {  	s4 =	ssub.s32 $0x0, s20;
	[sflag:s22] =	ssyncset.done $0x0  }
0xa0: {  	[sflag:s22] =	ssyncadd.s32 s4;
	_ =	sdelay $0x1  }
0xa1: {  	s23 =	simm.s32 $0x1B8B  }
0xa2: {  	_ =	swait.ge [sflag:s23], $0x1  }
0xa3: {  	[sflag:s23] =	ssyncset.done $0x0  }
0xa4: {  	s25 =	simm.s32 $0x1B8E;
	s24 =	sld [smem:$0x3FFE];
	[sflag:s23] =	ssyncadd.s32 $0xFFFFFFFF  }
0xa5: {  	s26 =	simm.s32 $execute0_lowered;
	[smem:$0x3FD2] =	sst s25  }
0xa6: {  	s5 =	sshll.u32 s26, $0x1;
	_ =	strace $0x80000049;
	[dreg:$0x1] =	wrdreg $0xFFFFFFFF  }
0xa7: {  	s28 =	simm.s32 $_size_execute0_lowered;
	s3 =	sadd.s32 s3, s5;
	[dreg:$0x0] =	wrdreg $0x0  }
0xa8: {  	s5 =	sshll.u32 s28, $0x1;
	[dreg:$0x2] =	wrdreg s3  }
0xa9: {  	[dreg:$0x3] =	wrdreg s5  }
0xaa: {  	[dreg:$0x4] =	wrdreg $0xC0  }
0xab: {  	_ =	task [dreg:s7], $0x5FFFF  }
0xac: {  	[dreg:$0x1] =	wrdreg $0xFFFFFFFF  }
0xad: {  	[dreg:$0x0] =	wrdreg $0x60  }
0xae: {  	[dreg:$0x2] =	wrdreg s24  }
0xaf: {  	[dreg:$0x3] =	wrdreg s2  }
0xb0: {  	[dreg:$0x4] =	wrdreg $0xBC000  }
0xb1: {  	[dreg:$0x5] =	wrdreg $0x9  }
0xb2: {  	_ =	task.clear_ibuf [dreg:s7], $0x6FFFF;
	_ =	strace $0x90000049  }
0xb3: {  	s29 =	simm.s32 $0x9;
	_ =	strace $0x8000004B  }
0xb4: {  	_ =	swait.ge [sflag:s29], $0x1  }
0xb5: {  	[sflag:s29] =	ssyncadd.s32 $0xFFFFFFFF  }
0xb6: {  	_ =	strace $0x9000004B  }
0xb7: {  	_ =	sfence  }
0xb8: {  	s30 =	sld [smem:$0x0];
	_ =	sdelay $0x2  }
0xb9: {  	s31 =	sshll.u32 s1, $0xD;
	s1 =	sshrl.u32 s1, $0x2  }
0xba: {  	s3 =	sand.u32 $0x4000, s31;
	s1 =	sadd.s32 s1, s30  }
0xbb: {  	s0 =	sor.u32 s3, s0;
	s1 =	sshll.u32 s1, $0x11  }
0xbc: {  	s0 =	sor.u32 s1, s0  }
0xbd: {  	s0 =	sadd.s32 $0x8F2B, s0  }
0xbe: {  	[sflag:s0] =	ssyncadd.remote.s32 $0x1  }
0xbf: {  	_ =	sfence.sel $0xFFFF  }
0xc0: {  	[dreg:$0x0] =	wrdreg $0xFFFFFFFF;
	(pc) =	sbr.abs _section_cstart, $3  }
0xc1: {  	[dreg:$0x1] =	wrdreg $0xFFFFFFFF  }
0xc2: {  	_ =	task.clear_ibuf [dreg:s7], $0x2FFFF;
	_ =	strace $0x9FFFFFFF  }
0xc3: {  	(tm) =	ssettm $0x7FFFFFFF  }
tec
execute0_lowered:
.L_overlay_start_1:
0x0: {  	(tag) =	ssettag $0x1  }
0x1: {  	s0 =	srdreg.scid;
	s4 =	rddreg [dreg:$0x0]  }
0x2: {  	s7 =	stileid.u32;
	s2 =	rddreg [dreg:$0x1]  }
0x3: {  	s3 =	rddreg [dreg:$0x2];
	s8 =	simm.s32 $0x0;
	s28 =	simm.s32 $0xA800  }
0x4: {  	s29 =	simm.s32 $0x6;
	s30 =	simm.s32 $0x1400;
	s31 =	simm.s32 $0x7D  }
0x5: {  	s9 =	simm.s32 $0x4;
	s11 =	simm.s32 $0x2700;
	s12 =	simm.s32 $0x2780  }
0x6: {  	s13 =	simm.s32 $0x0;
	s0 =	sand.u32 $0x1, s0;
	s6 =	smul.u32 $0x13800, s7  }
0x7: {  	s1 =	sshll.u32 s7, $0x1;
	[smem:$0x7FF] =	sst s8;
	s16 =	smul.u32 $0x4E000, s7  }
0x8: {  	s1 =	sor.u32 s0, s1;
	s5 =	smul.u32 $0x138800, s0;
	s0 =	ssub.s32 $0x2, s0  }
0x9: {  	s7 =	simm.s32 $0x2;
	s8 =	simm.s32 $0x3;
	s15 =	sshrl.u32 s0, $0x1  }
0xa: {  	_ =	strace $0x8000004A;
	s20 =	sshrl.u32 s16, $0x2;
	s0 =	ssub.s32 s0, s15  }
0xb: {  	s1 =	smul.u32 $0x2800, s1;
	s10 =	sadd.s32 s20, s3;
	s0 =	smax.u32 s0, $0x1  }
0xc: {  	s5 =	sadd.s32 s6, s5;
	s21 =	sadd.s32 $0x1400, s10;
	[dreg:$0x9] =	wrdreg s0  }
0xd: {  	s6 =	simm.s32 $0x1;
	s22 =	sadd.s32 $0x2800, s10;
	[dreg:$0xa] =	wrdreg s21  }
0xe: {  	s1 =	sshrl.u32 s1, $0x3;
	s23 =	sadd.s32 $0x3C00, s10;
	[dreg:$0xb] =	wrdreg s22  }
0xf: {  	s5 =	sshrl.u32 s5, $0x3;
	s24 =	sadd.s32 $0x5000, s10;
	[dreg:$0xc] =	wrdreg s23  }
0x10: {  	s25 =	sadd.s32 $0x6400, s10;
	s26 =	sadd.s32 $0x7800, s10;
	[dreg:$0xd] =	wrdreg s24  }
0x11: {  	s20 =	sadd.s32 $0xB400, s10;
	s1 =	sadd.s32 s1, s4;
	[dreg:$0xe] =	wrdreg s25  }
0x12: {  	s4 =	sadd.s32 s5, s4;
	[dreg:$0xf] =	wrdreg s26;
	s21 =	sadd.s32 $0xC800, s10  }
0x13: {  	s22 =	sadd.s32 $0xDC00, s10;
	s23 =	sadd.s32 $0xF000, s10;
	s17 =	sadd.s32 $0x2C00, s1  }
0x14: {  	s24 =	sadd.s32 $0x10400, s10;
	s18 =	sadd.s32 $0xCC00, s1;
	[dreg:$0x4] =	wrdreg s17  }
0x15: {  	s25 =	sadd.s32 $0x11800, s10;
	s19 =	sadd.s32 $0x2E80, s1;
	[dreg:$0x5] =	wrdreg s18  }
0x16: {  	s26 =	sadd.s32 $0x12C00, s10;
	s1 =	sadd.s32 $0xCE80, s1;
	[dreg:$0x6] =	wrdreg s19  }
0x17: {  	s0 =	simm.s32 $0x80;
	s4 =	sadd.s32 $0x16C00, s4;
	[dreg:$0x7] =	wrdreg s1  }
0x18: {  	s5 =	simm.s32 $0x5;
	[dreg:$0x8] =	wrdreg s4;
	s18 =	sadd.s32 $0x8C00, s10  }
0x19: {  	v0 =	vimm.f32 $0.0e+00;
	s19 =	sadd.s32 $0xA000, s10;
	s1 =	simm.s32 $0x2800;
	s4 =	simm.s32 $0x6800  }
.LBB2_1:
0x1a: {  	s15 =	simm.s32 $0x0  }
0x1b: {  	s14 =	sand.u32 $0x7E00, s15  }
0x1c: {  	s15 =	sand.u32 $0x70, s15;
	s16 =	sshrl.u32 s14, $0x2  }
0x1d: {  	s14 =	simm.s32 $0x40;
	s16 =	sor.u32 s15, s16;
	s15 =	simm.s32 $0x0  }
.LBB2_2:
0x1e: {  	p0 =	sne.s32 s14, $0x4FC0  }
0x1f: {  	[tilespmem:s16+$0xA800] =	vst v0;
	s15 =	sadd.s32 $0x10, s15;
	s16 =	smov.u32 s14;
	s14 =	sadd.s32 $0x40, s14  }
.Ltmp0:
0x20: {  	(pc) =	sbr.rel @p0 .LBB2_2-.Ltmp0, $4  }
0x21: {  	_ = 	snop  }
0x22: {  	s16 =	sand.u32 $0x7E00, s16  }
0x23: {  	s17 =	sand.u32 $0x70, s15;
	s16 =	sshrl.u32 s16, $0x2  }
0x24: {  	s16 =	sor.u32 s17, s16  }
0x25: {  	[tilespmem:s16+$0xA800] =	vst v0  }
0x26: {  	[spmem:s10] =	stream.linear.scatter [tilespmem:s28], [sflag:$0x5], $0x1400, $0x38;
	[tilespmem:$0x1F480] =	vst v63  }
0x27: {  	s14 =	rddreg [dreg:$0xa]  }
0x28: {  	[spmem:s14] =	stream.linear.scatter [tilespmem:s28], [sflag:$0x5], $0x1400, $0x38;
	[tilespmem:$0x1F480] =	vst v63  }
0x29: {  	s17 =	rddreg [dreg:$0xb]  }
0x2a: {  	[spmem:s17] =	stream.linear.scatter [tilespmem:s28], [sflag:$0x5], $0x1400, $0x38;
	[tilespmem:$0x1F480] =	vst v63  }
0x2b: {  	s15 =	rddreg [dreg:$0xc]  }
0x2c: {  	[spmem:s15] =	stream.linear.scatter [tilespmem:s28], [sflag:$0x5], $0x1400, $0x38;
	[tilespmem:$0x1F480] =	vst v63  }
0x2d: {  	s16 =	rddreg [dreg:$0xd]  }
0x2e: {  	[spmem:s16] =	stream.linear.scatter [tilespmem:s28], [sflag:$0x5], $0x1400, $0x38;
	[tilespmem:$0x1F480] =	vst v63  }
0x2f: {  	s17 =	rddreg [dreg:$0xe]  }
0x30: {  	[spmem:s17] =	stream.linear.scatter [tilespmem:s28], [sflag:$0x5], $0x1400, $0x38;
	[tilespmem:$0x1F480] =	vst v63  }
0x31: {  	s15 =	rddreg [dreg:$0xf]  }
0x32: {  	[spmem:s15] =	stream.linear.scatter [tilespmem:s28], [sflag:$0x5], $0x1400, $0x38;
	[tilespmem:$0x1F480] =	vst v63  }
0x33: {  	_ = 	snop  }
0x34: {  	[spmem:s18] =	stream.linear.scatter [tilespmem:s28], [sflag:$0x5], $0x1400, $0x38;
	[tilespmem:$0x1F480] =	vst v63  }
0x35: {  	_ = 	snop  }
0x36: {  	[spmem:s19] =	stream.linear.scatter [tilespmem:s28], [sflag:$0x5], $0x1400, $0x38;
	[tilespmem:$0x1F480] =	vst v63  }
0x37: {  	_ = 	snop  }
0x38: {  	[spmem:s20] =	stream.linear.scatter [tilespmem:s28], [sflag:$0x5], $0x1400, $0x38;
	[tilespmem:$0x1F480] =	vst v63  }
0x39: {  	_ = 	snop  }
0x3a: {  	[spmem:s21] =	stream.linear.scatter [tilespmem:s28], [sflag:$0x5], $0x1400, $0x38;
	[tilespmem:$0x1F480] =	vst v63  }
0x3b: {  	_ = 	snop  }
0x3c: {  	[spmem:s22] =	stream.linear.scatter [tilespmem:s28], [sflag:$0x5], $0x1400, $0x38;
	[tilespmem:$0x1F480] =	vst v63  }
0x3d: {  	_ = 	snop  }
0x3e: {  	[spmem:s23] =	stream.linear.scatter [tilespmem:s28], [sflag:$0x5], $0x1400, $0x38;
	[tilespmem:$0x1F480] =	vst v63  }
0x3f: {  	_ = 	snop  }
0x40: {  	[spmem:s24] =	stream.linear.scatter [tilespmem:s28], [sflag:$0x5], $0x1400, $0x38;
	[tilespmem:$0x1F480] =	vst v63  }
0x41: {  	_ = 	snop  }
0x42: {  	[spmem:s25] =	stream.linear.scatter [tilespmem:s28], [sflag:$0x5], $0x1400, $0x38;
	[tilespmem:$0x1F480] =	vst v63  }
0x43: {  	_ = 	snop  }
0x44: {  	[spmem:s26] =	stream.linear.scatter [tilespmem:s28], [sflag:$0x5], $0x1400, $0x38;
	[tilespmem:$0x1F480] =	vst v63  }
0x45: {  	s16 =	simm.s32 $0x0;
	s15 =	rddreg [dreg:$0x4]  }
0x46: {  	[tilespmem:s16], [sflag:$0x6] =	stream.linear.gather [hbm4b:s15+s16], $0x1400, $0x38;
	[tilespmem:$0x1F480] =	vst v63  }
0x47: {  	_ =	swait.ge [sflag:s29], $0x1400  }
0x48: {  	[sflag:s29] =	ssyncset.done $0x0  }
0x49: {  	s17 =	rddreg [dreg:$0x5];
	[sflag:s29] =	ssyncadd.s32 $0xFFFFEC00  }
0x4a: {  	[tilespmem:s30], [sflag:$0x6] =	stream.linear.gather [hbm4b:s17+s16], $0x1400, $0x38;
	[tilespmem:$0x1F480] =	vst v63  }
0x4b: {  	_ =	swait.ge [sflag:s29], $0x1400  }
0x4c: {  	[sflag:s29] =	ssyncset.done $0x0  }
0x4d: {  	[sflag:s29] =	ssyncadd.s32 $0xFFFFEC00  }
0x4e: {  	[tilespmem:s1], [sflag:$0x1] =	stream.indirect.gather [hbm4b:s2+s31], $0x80, s16, s31, $0xb8;
	[tilespmem:$0x1F480] =	vst v63  }
0x4f: {  	_ = 	snop  }
0x50: {  	[tilespmem:s4], [sflag:$0x2] =	stream.indirect.gather [hbm4b:s2+s31], $0x80, s0, s31, $0xb8;
	[tilespmem:$0x1F480] =	vst v63  }
0x51: {  	_ =	swait.ge [sflag:s5], $0x1400  }
0x52: {  	[sflag:s5] =	ssyncset.done $0x0  }
0x53: {  	[sflag:s5] =	ssyncadd.s32 $0xFFFFEC00  }
0x54: {  	_ =	swait.ge [sflag:s5], $0x1400  }
0x55: {  	[sflag:s5] =	ssyncset.done $0x0  }
0x56: {  	[sflag:s5] =	ssyncadd.s32 $0xFFFFEC00  }
0x57: {  	_ =	swait.ge [sflag:s5], $0x1400  }
0x58: {  	[sflag:s5] =	ssyncset.done $0x0  }
0x59: {  	[sflag:s5] =	ssyncadd.s32 $0xFFFFEC00  }
0x5a: {  	_ =	swait.ge [sflag:s5], $0x1400  }
0x5b: {  	[sflag:s5] =	ssyncset.done $0x0  }
0x5c: {  	[sflag:s5] =	ssyncadd.s32 $0xFFFFEC00  }
0x5d: {  	_ =	swait.ge [sflag:s5], $0x1400  }
0x5e: {  	[sflag:s5] =	ssyncset.done $0x0  }
0x5f: {  	[sflag:s5] =	ssyncadd.s32 $0xFFFFEC00  }
0x60: {  	_ =	swait.ge [sflag:s5], $0x1400  }
0x61: {  	[sflag:s5] =	ssyncset.done $0x0  }
0x62: {  	[sflag:s5] =	ssyncadd.s32 $0xFFFFEC00  }
0x63: {  	_ =	swait.ge [sflag:s5], $0x1400  }
0x64: {  	[sflag:s5] =	ssyncset.done $0x0  }
0x65: {  	[sflag:s5] =	ssyncadd.s32 $0xFFFFEC00  }
0x66: {  	_ =	swait.ge [sflag:s5], $0x1400  }
0x67: {  	[sflag:s5] =	ssyncset.done $0x0  }
0x68: {  	[sflag:s5] =	ssyncadd.s32 $0xFFFFEC00  }
0x69: {  	_ =	swait.ge [sflag:s5], $0x1400  }
0x6a: {  	[sflag:s5] =	ssyncset.done $0x0  }
0x6b: {  	[sflag:s5] =	ssyncadd.s32 $0xFFFFEC00  }
0x6c: {  	_ =	swait.ge [sflag:s5], $0x1400  }
0x6d: {  	[sflag:s5] =	ssyncset.done $0x0  }
0x6e: {  	[sflag:s5] =	ssyncadd.s32 $0xFFFFEC00  }
0x6f: {  	_ =	swait.ge [sflag:s5], $0x1400  }
0x70: {  	[sflag:s5] =	ssyncset.done $0x0  }
0x71: {  	[sflag:s5] =	ssyncadd.s32 $0xFFFFEC00  }
0x72: {  	_ =	swait.ge [sflag:s5], $0x1400  }
0x73: {  	[sflag:s5] =	ssyncset.done $0x0  }
0x74: {  	[sflag:s5] =	ssyncadd.s32 $0xFFFFEC00  }
0x75: {  	_ =	swait.ge [sflag:s5], $0x1400  }
0x76: {  	[sflag:s5] =	ssyncset.done $0x0  }
0x77: {  	[sflag:s5] =	ssyncadd.s32 $0xFFFFEC00  }
0x78: {  	_ =	swait.ge [sflag:s5], $0x1400  }
0x79: {  	[sflag:s5] =	ssyncset.done $0x0  }
0x7a: {  	[sflag:s5] =	ssyncadd.s32 $0xFFFFEC00  }
0x7b: {  	_ =	swait.ge [sflag:s5], $0x1400  }
0x7c: {  	[sflag:s5] =	ssyncset.done $0x0  }
0x7d: {  	[sflag:s5] =	ssyncadd.s32 $0xFFFFEC00  }
0x7e: {  	_ =	swait.ge [sflag:s5], $0x1400  }
0x7f: {  	[sflag:s5] =	ssyncset.done $0x0  }
0x80: {  	[sflag:s5] =	ssyncadd.s32 $0xFFFFEC00  }
0x81: {  	[bflag:$0x0] =	sbarrier.arrive $0xFFFF  }
0x82: {  	_ =	swait.ge [sflag:s6], $0x3E80  }
0x83: {  	[sflag:s6] =	ssyncset.done $0x0  }
0x84: {  	s15 =	simm.s32 $0x1400;
	[sflag:s6] =	ssyncadd.s32 $0xFFFFC180  }
0x85: {  	[spmem:s3] =	stream.indirect.scatter.add.f32 [tilespmem:s1], [sflag:$0x3], $0x80, s15, s31, $0xb8;
	[tilespmem:$0x1F480] =	vst v63  }
0x86: {  	_ =	swait.ge [sflag:s7], $0x3E80  }
0x87: {  	[sflag:s7] =	ssyncset.done $0x0  }
0x88: {  	s16 =	simm.s32 $0x1480;
	[sflag:s7] =	ssyncadd.s32 $0xFFFFC180  }
0x89: {  	[spmem:s3] =	stream.indirect.scatter.add.f32 [tilespmem:s4], [sflag:$0x4], $0x80, s16, s31, $0xb8;
	[tilespmem:$0x1F480] =	vst v63  }
0x8a: {  	_ =	swait.ge [sflag:s8], $0x3E80  }
0x8b: {  	[sflag:s8] =	ssyncset.done $0x0  }
0x8c: {  	s17 =	simm.s32 $0x100;
	[sflag:s8] =	ssyncadd.s32 $0xFFFFC180  }
0x8d: {  	[tilespmem:s1], [sflag:$0x1] =	stream.indirect.gather [hbm4b:s2+s31], $0x80, s17, s31, $0xb8;
	[tilespmem:$0x1F480] =	vst v63  }
0x8e: {  	_ =	swait.ge [sflag:s9], $0x3E80  }
0x8f: {  	[sflag:s9] =	ssyncset.done $0x0  }
0x90: {  	s14 =	simm.s32 $0x400;
	s15 =	simm.s32 $0x180;
	[sflag:s9] =	ssyncadd.s32 $0xFFFFC180  }
.LBB2_4:
0x91: {  	[tilespmem:s4], [sflag:$0x2] =	stream.indirect.gather [hbm4b:s2+s31], $0x80, s15, s31, $0xb8;
	[tilespmem:$0x1F480] =	vst v63  }
0x92: {  	s15 =	smov.u32 s14  }
0x93: {  	p0 =	sne.s32 s14, $0x4800;
	s14 =	sadd.s32 $0x400, s14;
	_ =	swait.ge [sflag:s6], $0x3E80  }
0x94: {  	s15 =	sshra.s32 s15, $0x2;
	[sflag:s6] =	ssyncset.done $0x0  }
0x95: {  	s16 =	sadd.s32 $0x1400, s15;
	[sflag:s6] =	ssyncadd.s32 $0xFFFFC180  }
0x96: {  	[spmem:s3] =	stream.indirect.scatter.add.f32 [tilespmem:s1], [sflag:$0x3], $0x80, s16, s31, $0xb8;
	[tilespmem:$0x1F480] =	vst v63  }
0x97: {  	_ =	swait.ge [sflag:s7], $0x3E80  }
0x98: {  	[sflag:s7] =	ssyncset.done $0x0  }
0x99: {  	s16 =	sadd.s32 $0x1480, s15;
	[sflag:s7] =	ssyncadd.s32 $0xFFFFC180  }
0x9a: {  	[spmem:s3] =	stream.indirect.scatter.add.f32 [tilespmem:s4], [sflag:$0x4], $0x80, s16, s31, $0xb8;
	[tilespmem:$0x1F480] =	vst v63  }
0x9b: {  	_ =	swait.ge [sflag:s8], $0x3E80  }
0x9c: {  	[sflag:s8] =	ssyncset.done $0x0  }
.Ltmp1:
0x9d: {  	s16 =	sadd.s32 $0x100, s15;
	[sflag:s8] =	ssyncadd.s32 $0xFFFFC180;
	(pc) =	sbr.rel @p0 .LBB2_4-.Ltmp1, $4  }
0x9e: {  	[tilespmem:s1], [sflag:$0x1] =	stream.indirect.gather [hbm4b:s2+s31], $0x80, s16, s31, $0xb8;
	[tilespmem:$0x1F480] =	vst v63  }
0x9f: {  	_ =	swait.ge [sflag:s9], $0x3E80  }
0xa0: {  	[sflag:s9] =	ssyncset.done $0x0  }
0xa1: {  	s15 =	sadd.s32 $0x180, s15;
	[sflag:s9] =	ssyncadd.s32 $0xFFFFC180  }
0xa2: {  	[tilespmem:s4], [sflag:$0x2] =	stream.indirect.gather [hbm4b:s2+s31], $0x80, s15, s31, $0xb8;
	[tilespmem:$0x1F480] =	vst v63  }
0xa3: {  	_ =	swait.ge [sflag:s6], $0x3E80  }
0xa4: {  	[sflag:s6] =	ssyncset.done $0x0  }
0xa5: {  	[sflag:s6] =	ssyncadd.s32 $0xFFFFC180  }
0xa6: {  	[spmem:s3] =	stream.indirect.scatter.add.f32 [tilespmem:s1], [sflag:$0x3], $0x80, s11, s31, $0xb8;
	[tilespmem:$0x1F480] =	vst v63  }
0xa7: {  	_ =	swait.ge [sflag:s7], $0x3E80  }
0xa8: {  	[sflag:s7] =	ssyncset.done $0x0  }
0xa9: {  	[sflag:s7] =	ssyncadd.s32 $0xFFFFC180  }
0xaa: {  	[spmem:s3] =	stream.indirect.scatter.add.f32 [tilespmem:s4], [sflag:$0x4], $0x80, s12, s31, $0xb8;
	[tilespmem:$0x1F480] =	vst v63  }
0xab: {  	_ =	swait.ge [sflag:s8], $0x3E80  }
0xac: {  	[sflag:s8] =	ssyncset.done $0x0  }
0xad: {  	[sflag:s8] =	ssyncadd.s32 $0xFFFFC180  }
0xae: {  	_ =	swait.ge [sflag:s9], $0x3E80  }
0xaf: {  	[sflag:s9] =	ssyncset.done $0x0  }
0xb0: {  	s14 =	simm.s32 $0x0;
	s16 =	rddreg [dreg:$0x6];
	[sflag:s9] =	ssyncadd.s32 $0xFFFFC180  }
0xb1: {  	[tilespmem:s14], [sflag:$0x6] =	stream.linear.gather [hbm4b:s16+s14], $0x1400, $0x38;
	[tilespmem:$0x1F480] =	vst v63  }
0xb2: {  	_ =	swait.ge [sflag:s29], $0x1400  }
0xb3: {  	[sflag:s29] =	ssyncset.done $0x0  }
0xb4: {  	s17 =	rddreg [dreg:$0x7];
	[sflag:s29] =	ssyncadd.s32 $0xFFFFEC00  }
0xb5: {  	[tilespmem:s30], [sflag:$0x6] =	stream.linear.gather [hbm4b:s17+s14], $0x1400, $0x38;
	[tilespmem:$0x1F480] =	vst v63  }
0xb6: {  	_ =	swait.ge [sflag:s29], $0x1400  }
0xb7: {  	[sflag:s29] =	ssyncset.done $0x0  }
0xb8: {  	[sflag:s29] =	ssyncadd.s32 $0xFFFFEC00  }
0xb9: {  	[tilespmem:s1], [sflag:$0x1] =	stream.indirect.gather [hbm4b:s2+s31], $0x80, s14, s31, $0xb8;
	[tilespmem:$0x1F480] =	vst v63  }
0xba: {  	_ = 	snop  }
0xbb: {  	[tilespmem:s4], [sflag:$0x2] =	stream.indirect.gather [hbm4b:s2+s31], $0x80, s0, s31, $0xb8;
	[tilespmem:$0x1F480] =	vst v63  }
0xbc: {  	_ =	swait.ge [sflag:s6], $0x3E80  }
0xbd: {  	[sflag:s6] =	ssyncset.done $0x0  }
0xbe: {  	s15 =	simm.s32 $0x1400;
	[sflag:s6] =	ssyncadd.s32 $0xFFFFC180  }
0xbf: {  	[spmem:s3] =	stream.indirect.scatter.add.f32 [tilespmem:s1], [sflag:$0x3], $0x80, s15, s31, $0xb8;
	[tilespmem:$0x1F480] =	vst v63  }
0xc0: {  	_ =	swait.ge [sflag:s7], $0x3E80  }
0xc1: {  	[sflag:s7] =	ssyncset.done $0x0  }
0xc2: {  	s16 =	simm.s32 $0x1480;
	[sflag:s7] =	ssyncadd.s32 $0xFFFFC180  }
0xc3: {  	[spmem:s3] =	stream.indirect.scatter.add.f32 [tilespmem:s4], [sflag:$0x4], $0x80, s16, s31, $0xb8;
	[tilespmem:$0x1F480] =	vst v63  }
0xc4: {  	_ =	swait.ge [sflag:s8], $0x3E80  }
0xc5: {  	[sflag:s8] =	ssyncset.done $0x0  }
0xc6: {  	s17 =	simm.s32 $0x100;
	[sflag:s8] =	ssyncadd.s32 $0xFFFFC180  }
0xc7: {  	[tilespmem:s1], [sflag:$0x1] =	stream.indirect.gather [hbm4b:s2+s31], $0x80, s17, s31, $0xb8;
	[tilespmem:$0x1F480] =	vst v63  }
0xc8: {  	_ =	swait.ge [sflag:s9], $0x3E80  }
0xc9: {  	[sflag:s9] =	ssyncset.done $0x0  }
0xca: {  	s14 =	simm.s32 $0x400;
	s15 =	simm.s32 $0x180;
	[sflag:s9] =	ssyncadd.s32 $0xFFFFC180  }
.LBB2_6:
0xcb: {  	[tilespmem:s4], [sflag:$0x2] =	stream.indirect.gather [hbm4b:s2+s31], $0x80, s15, s31, $0xb8;
	[tilespmem:$0x1F480] =	vst v63  }
0xcc: {  	s15 =	smov.u32 s14  }
0xcd: {  	p0 =	sne.s32 s14, $0x4800;
	s14 =	sadd.s32 $0x400, s14;
	_ =	swait.ge [sflag:s6], $0x3E80  }
0xce: {  	s15 =	sshra.s32 s15, $0x2;
	[sflag:s6] =	ssyncset.done $0x0  }
0xcf: {  	s16 =	sadd.s32 $0x1400, s15;
	[sflag:s6] =	ssyncadd.s32 $0xFFFFC180  }
0xd0: {  	[spmem:s3] =	stream.indirect.scatter.add.f32 [tilespmem:s1], [sflag:$0x3], $0x80, s16, s31, $0xb8;
	[tilespmem:$0x1F480] =	vst v63  }
0xd1: {  	_ =	swait.ge [sflag:s7], $0x3E80  }
0xd2: {  	[sflag:s7] =	ssyncset.done $0x0  }
0xd3: {  	s16 =	sadd.s32 $0x1480, s15;
	[sflag:s7] =	ssyncadd.s32 $0xFFFFC180  }
0xd4: {  	[spmem:s3] =	stream.indirect.scatter.add.f32 [tilespmem:s4], [sflag:$0x4], $0x80, s16, s31, $0xb8;
	[tilespmem:$0x1F480] =	vst v63  }
0xd5: {  	_ =	swait.ge [sflag:s8], $0x3E80  }
0xd6: {  	[sflag:s8] =	ssyncset.done $0x0  }
.Ltmp2:
0xd7: {  	s16 =	sadd.s32 $0x100, s15;
	[sflag:s8] =	ssyncadd.s32 $0xFFFFC180;
	(pc) =	sbr.rel @p0 .LBB2_6-.Ltmp2, $4  }
0xd8: {  	[tilespmem:s1], [sflag:$0x1] =	stream.indirect.gather [hbm4b:s2+s31], $0x80, s16, s31, $0xb8;
	[tilespmem:$0x1F480] =	vst v63  }
0xd9: {  	_ =	swait.ge [sflag:s9], $0x3E80  }
0xda: {  	[sflag:s9] =	ssyncset.done $0x0  }
0xdb: {  	s15 =	sadd.s32 $0x180, s15;
	[sflag:s9] =	ssyncadd.s32 $0xFFFFC180  }
0xdc: {  	[tilespmem:s4], [sflag:$0x2] =	stream.indirect.gather [hbm4b:s2+s31], $0x80, s15, s31, $0xb8;
	[tilespmem:$0x1F480] =	vst v63  }
0xdd: {  	_ =	swait.ge [sflag:s6], $0x3E80  }
0xde: {  	[sflag:s6] =	ssyncset.done $0x0  }
0xdf: {  	[sflag:s6] =	ssyncadd.s32 $0xFFFFC180  }
0xe0: {  	[spmem:s3] =	stream.indirect.scatter.add.f32 [tilespmem:s1], [sflag:$0x3], $0x80, s11, s31, $0xb8;
	[tilespmem:$0x1F480] =	vst v63  }
0xe1: {  	_ =	swait.ge [sflag:s7], $0x3E80  }
0xe2: {  	[sflag:s7] =	ssyncset.done $0x0  }
0xe3: {  	[sflag:s7] =	ssyncadd.s32 $0xFFFFC180  }
0xe4: {  	[spmem:s3] =	stream.indirect.scatter.add.f32 [tilespmem:s4], [sflag:$0x4], $0x80, s12, s31, $0xb8;
	[tilespmem:$0x1F480] =	vst v63  }
0xe5: {  	_ =	swait.ge [sflag:s8], $0x3E80  }
0xe6: {  	[sflag:s8] =	ssyncset.done $0x0  }
0xe7: {  	[sflag:s8] =	ssyncadd.s32 $0xFFFFC180  }
0xe8: {  	_ =	swait.ge [sflag:s9], $0x3E80  }
0xe9: {  	[sflag:s9] =	ssyncset.done $0x0  }
0xea: {  	s14 =	stileid.u32;
	[sflag:s9] =	ssyncadd.s32 $0xFFFFC180  }
0xeb: {  	s14 =	sshll.u32 s14, $0x6;
	[bflag:$0x0] =	sbarrier.arrive $0xFFFF  }
0xec: {  	s17 =	sshrl.u32 s10, $0x3;
	s14 =	sor.u32 $0x1C06, s14;
	s16 =	rddreg [dreg:$0x8]  }
0xed: {  	[hbm:s16], [sflag:s14] =	dma.local [spmem:s17], $0x2800  }
0xee: {  	_ =	swait.ge [sflag:s29], $0x2800  }
0xef: {  	s13 =	sadd.s32 $0x1, s13;
	s17 =	rddreg [dreg:$0x9]  }
0xf0: {  	p0 =	sne.s32 s13, s17  }
.Ltmp3:
0xf1: {  	_ = 	snop;
	(pc) =	sbr.rel @p0 .LBB2_1-.Ltmp3, $3  }
0xf2: {  	_ =	sdelay $0x1  }
0xf3: {  	[sflag:s29] =	ssyncset.done $0x0  }
0xf4: {  	[sflag:s29] =	ssyncadd.s32 $0xFFFFD800  }
0xf5: {  	_ =	sfence.sel $0x180000  }
0xf6: {  	[bflag:$0x0] =	sbarrier.arrive $0xFFFF  }
0xf7: {  	_ =	strace $0x9000004A  }
0xf8: {  	s0 =	stileid.u32;
	[bflag:$0x2] =	sbarrier.arrive $0xFFFF  }
0xf9: {  	p0 =	sne.s32 s0, $0x0;
	s0 =	rddreg [dreg:$0x3]  }
0xfa: {  	s0 =	sadd.s32 @!p0 $0x100000, s0  }
0xfb: {  	[sflag:s0] =	ssyncadd.tile.s32 @!p0 $0x1;
	_ =	shalt  }
.Lfunc_end2:
_tile_overlayer_lowered:
.L_overlay_start_2:
0xfc: {  	(tag) =	ssettag $0x2  }
0xfd: {  	s0 =	rddreg [dreg:$0x0];
	s2 =	stileid.u32  }
0xfe: {  	s1 =	rddreg [dreg:$0x1];
	p0 =	sne.s32 s2, $0x0  }
0xff: {  	s3 =	rddreg [dreg:$0x2];
	[bflag:$0x3] =	sbarrier.arrive $0xFFFF;
	s2 =	simm.s32 @!p0 $0x1C06  }
0x100: {  	[timem:s3], [sflag:s2] =	dma.local @!p0 [hbm:s0], s1  }
0x101: {  	s0 =	simm.s32 @!p0 $0x6  }
0x102: {  	_ =	swait.ge @!p0 [sflag:s0], s1  }
0x103: {  	s1 =	ssub.s32 @!p0 $0x0, s1;
	[sflag:s0] =	ssyncset.done @!p0 $0x0  }
0x104: {  	[sflag:s0] =	ssyncadd.s32 @!p0 s1  }
0x105: {  	[bflag:$0x3] =	sbarrier.arrive $0xFFFF  }
0x106: {  	_ =	shalt  }

</sc_bundles>
